<compile_context>
chip_gen: v7x
topology: tpu7x:2x2x1
jax: 0.10.2.dev20260603
libtpu: 0.0.44.dev20260713+nightly
codegen_flags: <defaults>
</compile_context>

<pallas_src>
import functools

import jax
import jax.numpy as jnp
from jax import lax
from jax.experimental import pallas as pl
from jax.experimental.pallas import tpu as pltpu
from jax.experimental.pallas import tpu_sc as plsc

_F32 = jnp.float32
_I32 = jnp.int32

_ROW_OFF = (0, 10, 12, 16, 20)
_COL_OFF = (0, 25, 50, 75, 100, 128)
_BIAS_ROW = 28
_N_E_ROWS = 32
_N_OUT = 40
_IDX_PAD = 64
_GROUP = 8
_ROWS_PER_WORKER = 2
_N_WORKERS = _N_OUT // _ROWS_PER_WORKER


def _project_body(lvl_ref, typ_ref, fea_ref, exc_ref, par_ref, w_ref, b_ref,
                  i0_ref, i1_ref, i2_ref, i3_ref, i4_ref, e_ref, idxc_ref):
    w = w_ref[...]
    dn = (((1,), (1,)), ((), ()))
    blocks = []
    for t_ref, k in zip((lvl_ref, typ_ref, fea_ref, exc_ref, par_ref),
                        range(5)):
        w_slice = w[:, _COL_OFF[k]:_COL_OFF[k + 1]]
        blocks.append(lax.dot_general(t_ref[...], w_slice, dn,
                                      preferred_element_type=_F32))
    blocks.append(jnp.reshape(b_ref[...], (1, 128)))
    blocks.append(jnp.zeros((3, 128), _F32))
    e_ref[...] = jnp.concatenate(blocks, axis=0)

    pad = jnp.zeros((1, _IDX_PAD - _N_OUT), _I32)
    rows = [
        jnp.concatenate([jnp.reshape(i_ref[...] + off, (1, _N_OUT)), pad],
                        axis=1)
        for i_ref, off in zip((i0_ref, i1_ref, i2_ref, i3_ref, i4_ref),
                              _ROW_OFF)
    ]
    idxc_ref[...] = jnp.concatenate(rows, axis=0)


def _project(lvl, typ, fea, exc, par, w, b, i0, i1, i2, i3, i4):
    return pl.pallas_call(
        _project_body,
        out_shape=[
            jax.ShapeDtypeStruct((_N_E_ROWS, 128), _F32),
            jax.ShapeDtypeStruct((5, _IDX_PAD), _I32),
        ],
    )(lvl, typ, fea, exc, par, w, b, i0, i1, i2, i3, i4)


def _lane_pick(vec, idx):
    dn = lax.GatherDimensionNumbers(offset_dims=(), collapsed_slice_dims=(0,),
                                    start_index_map=(0,))
    return lax.gather(vec, idx[:, None], dn, slice_sizes=(1,),
                      mode=lax.GatherScatterMode.PROMISE_IN_BOUNDS)


def _assemble16(idxc_v, first_row, h, pos):
    base = pl.ds(first_row, 16)
    val = _lane_pick(idxc_v[0, base], h)
    for p in range(1, 5):
        val = jnp.where(pos == p, _lane_pick(idxc_v[p, base], h), val)
    return jnp.where(pos >= 5, pos + (_BIAS_ROW - 5), val)


def _sum_groups(rows_v, out_v, n_rows):
    for j in range(128 // 16):
        sl = pl.ds(j * 16, 16)
        for g in range(n_rows):
            acc = rows_v[g * _GROUP, sl]
            for i in range(1, _GROUP):
                acc = acc + rows_v[g * _GROUP + i, sl]
            out_v[g, sl] = acc


def _gather_sum_body(e_hbm, idxc_hbm, out_hbm, idxc_v, idx_v, rows_v, out_v,
                     sem):
    wid = lax.axis_index("s")

    pltpu.sync_copy(idxc_hbm, idxc_v)
    lanes = lax.iota(_I32, 16)
    h = lanes >> 3
    pos = lanes & 7

    @pl.when(wid < 8)
    def _():
        r0 = 4 * wid
        idx_v[pl.ds(0, 16)] = _assemble16(idxc_v, r0, h, pos)
        idx_v[pl.ds(16, 16)] = _assemble16(idxc_v, r0, h + 2, pos)
        pltpu.async_copy(e_hbm.at[idx_v], rows_v, sem).wait()
        _sum_groups(rows_v, out_v, 4)
        pltpu.sync_copy(out_v, out_hbm.at[pl.ds(r0, 4)])

    @pl.when((wid >= 8) & (wid < 12))
    def _():
        r0 = 32 + 2 * (wid - 8)
        idx_v[pl.ds(0, 16)] = _assemble16(idxc_v, r0, h, pos)
        pltpu.async_copy(e_hbm.at[idx_v.at[pl.ds(0, 16)]],
                         rows_v.at[pl.ds(0, 16)], sem).wait()
        _sum_groups(rows_v, out_v, 2)
        pltpu.sync_copy(out_v.at[pl.ds(0, 2)], out_hbm.at[pl.ds(r0, 2)])


@functools.lru_cache(maxsize=1)
def _make_gather_sum():
    return pl.kernel(
        _gather_sum_body,
        out_type=jax.ShapeDtypeStruct((_N_OUT, 128), _F32),
        mesh=plsc.VectorSubcoreMesh(core_axis_name="c", subcore_axis_name="s",
                                    num_cores=1),
        scratch_types=[
            pltpu.VMEM((5, _IDX_PAD), _I32),
            pltpu.VMEM((32,), _I32),
            pltpu.VMEM((32, 128), _F32),
            pltpu.VMEM((4, 128), _F32),
            pltpu.SemaphoreType.DMA,
        ],
    )


def kernel(level_idx, type_idx, feature_idx, exchange_idx, pair_idx,
           level_table, type_table, feature_table, exchange_table, pair_table,
           W, b):
    e, idxc = _project(level_table, type_table, feature_table, exchange_table,
                       pair_table, W, b, level_idx, type_idx, feature_idx,
                       exchange_idx, pair_idx)
    return _make_gather_sum()(e, idxc)

# --- scband reference (transcript-rebuilt; emitter-appended) ---
"""Pipeline reference for scband-compound-multivariate-embedding-9380208574576 (READ-ONLY COPY).

The authoritative reference and input builder live on the scoring server;
editing this copy changes nothing except your own understanding.
"""

import jax, jax.numpy as jnp
import numpy as np

EMBED_DIM = 128
ATTR_DIM = EMBED_DIM // 5
REM_DIM = EMBED_DIM - ATTR_DIM * 4
NUM_FEATURES = 40

def setup_inputs(seed: int = 0) -> dict:
    key = jax.random.key(seed)
    ks = jax.random.split(key, 7)
    i = jnp.arange(NUM_FEATURES)
    # Index arrays reproduce the torch metadata mapping: column ci ->
    # level l(i%10), order_type (i%2), feature_type (i%4), exchange ex(i%4), pair p(i%8)
    return {
        'level_idx': (i % 10).astype(jnp.int32),
        'type_idx': (i % 2).astype(jnp.int32),
        'feature_idx': (i % 4).astype(jnp.int32),
        'exchange_idx': (i % 4).astype(jnp.int32),
        'pair_idx': (i % 8).astype(jnp.int32),
        'level_table': jax.random.normal(ks[0], (10, ATTR_DIM), jnp.float32),
        'type_table': jax.random.normal(ks[1], (2, ATTR_DIM), jnp.float32),
        'feature_table': jax.random.normal(ks[2], (4, ATTR_DIM), jnp.float32),
        'exchange_table': jax.random.normal(ks[3], (4, ATTR_DIM), jnp.float32),
        'pair_table': jax.random.normal(ks[4], (8, REM_DIM), jnp.float32),
        'W': jax.random.normal(ks[5], (EMBED_DIM, EMBED_DIM), jnp.float32) * (1.0 / np.sqrt(EMBED_DIM)),
        'b': jax.random.normal(ks[6], (EMBED_DIM,), jnp.float32) * 0.01,
    }

def reference(level_idx, type_idx, feature_idx, exchange_idx, pair_idx, level_table, type_table, feature_table, exchange_table, pair_table, W, b):
    level_emb = jnp.take(level_table, level_idx, axis=0)
    type_emb = jnp.take(type_table, type_idx, axis=0)
    feature_emb = jnp.take(feature_table, feature_idx, axis=0)
    exchange_emb = jnp.take(exchange_table, exchange_idx, axis=0)
    pair_emb = jnp.take(pair_table, pair_idx, axis=0)
    stacked = jnp.concatenate([level_emb, type_emb, feature_emb, exchange_emb, pair_emb], axis=1)
    # torch nn.Linear: y = x @ W.T + b
    return stacked @ W.T + b

if __name__ == "__main__":
    import jax
    _d = setup_inputs()
    print(jax.jit(kernel)(*tuple(_d.values())))

</pallas_src>

<mosaic_0001>
#map = affine_map<(d0, d1) -> (0, 0)>
module attributes {stable_mosaic.version = 14 : i64} {
  func.func @_gather_sum_body(%arg0: i32, %arg1: i32, %arg2: memref<32x128xf32, #tpu.memory_space<hbm>>, %arg3: memref<5x64xi32, #tpu.memory_space<hbm>>, %arg4: memref<40x128xf32, #tpu.memory_space<hbm>>, %arg5: memref<5x64xi32, #tpu.memory_space<vmem>>, %arg6: memref<32xi32, #tpu.memory_space<vmem>>, %arg7: memref<32x128xf32, #tpu.memory_space<vmem>>, %arg8: memref<4x128xf32, #tpu.memory_space<vmem>>, %arg9: memref<!tpu.dma_semaphore, #tpu.memory_space<semaphore_mem>>) attributes {dimension_semantics = [#tpu.dimension_semantics<core_parallel>, #tpu.dimension_semantics<subcore_parallel>], iteration_bounds = array<i64: 1, 16>, scalar_prefetch = 0 : i64, scratch_operands = 5 : i64, tpu.core_type = #tpu.core_type<sc_vector_subcore>, window_params = [{transform_indices = #map}, {transform_indices = #map}, {transform_indices = #map}]} {
    "tpu.region"() ({
      %run_scoped3A = tpu.sem_alloc : memref<!tpu.dma_semaphore, #tpu.memory_space<semaphore_mem>>
      tpu.enqueue_dma source(%arg3 : memref<5x64xi32, #tpu.memory_space<hbm>>) target(%arg5 : memref<5x64xi32, #tpu.memory_space<vmem>>) target_semaphore(%run_scoped3A : memref<!tpu.dma_semaphore, #tpu.memory_space<semaphore_mem>>)
      tpu.wait_dma2 semaphore(%run_scoped3A : memref<!tpu.dma_semaphore, #tpu.memory_space<semaphore_mem>>) src(%arg3 : memref<5x64xi32, #tpu.memory_space<hbm>>) dst(%arg5 : memref<5x64xi32, #tpu.memory_space<vmem>>)
      tpu.yield
    }) : () -> ()
    %iota3A = tpu.iota {dimensions = array<i32: 0>} : vector<16xi32>
    %shift_right_arithmetic3A = arith.constant 3 : i32
    %shift_right_arithmetic3A_0 = vector.broadcast %shift_right_arithmetic3A : i32 to vector<16xi32>
    %shift_right_arithmetic3A_1 = arith.shrsi %iota3A, %shift_right_arithmetic3A_0 : vector<16xi32>
    %and3A = arith.constant 7 : i32
    %and3A_2 = vector.broadcast %and3A : i32 to vector<16xi32>
    %and3A_3 = arith.andi %iota3A, %and3A_2 : vector<16xi32>
    %lt3A = arith.constant 8 : i32
    %lt3A_4 = arith.cmpi slt, %arg1, %lt3A : i32
    %convert_element_type3A = arith.extui %lt3A_4 : i1 to i32
    %cond3A = arith.constant 0 : i32
    %cond3A_5 = arith.cmpi ne, %convert_element_type3A, %cond3A : i32
    scf.if %cond3A_5 {
      %mul3A = arith.constant 4 : i32
      %mul3A_13 = arith.muli %mul3A, %arg1 : i32
      %get3A = arith.constant 0 : i32
      %get3A_14 = arith.index_cast %get3A : i32 to index
      %get3A_15 = arith.index_cast %mul3A_13 : i32 to index
      %get3A_16 = tpu.vector_load %arg5[%get3A_14, %get3A_15] {strides = array<i32>} : memref<5x64xi32, #tpu.memory_space<vmem>>, vector<1x16xi32>,
      %get3A_17 = vector.shape_cast %get3A_16 : vector<1x16xi32> to vector<16xi32>
      %broadcast_in_dim3A = vector.shape_cast %shift_right_arithmetic3A_1 : vector<16xi32> to vector<16x1xi32>
      %gather3A = vector.shape_cast %broadcast_in_dim3A : vector<16x1xi32> to vector<16xi32>
      %gather3A_18 = tpu.dynamic_gather %get3A_17[%gather3A] in [0] : vector<16xi32>, vector<16xi32> -> vector<16xi32>
      %eq3A = arith.constant 1 : i32
      %eq3A_19 = vector.broadcast %eq3A : i32 to vector<16xi32>
      %eq3A_20 = arith.cmpi eq, %and3A_3, %eq3A_19 : vector<16xi32>
      %get3A_21 = arith.constant 1 : i32
      %get3A_22 = arith.index_cast %get3A_21 : i32 to index
      %get3A_23 = arith.index_cast %mul3A_13 : i32 to index
      %get3A_24 = tpu.vector_load %arg5[%get3A_22, %get3A_23] {strides = array<i32>} : memref<5x64xi32, #tpu.memory_space<vmem>>, vector<1x16xi32>,
      %get3A_25 = vector.shape_cast %get3A_24 : vector<1x16xi32> to vector<16xi32>
      %broadcast_in_dim3A_26 = vector.shape_cast %shift_right_arithmetic3A_1 : vector<16xi32> to vector<16x1xi32>
      %gather3A_27 = vector.shape_cast %broadcast_in_dim3A_26 : vector<16x1xi32> to vector<16xi32>
      %gather3A_28 = tpu.dynamic_gather %get3A_25[%gather3A_27] in [0] : vector<16xi32>, vector<16xi32> -> vector<16xi32>
      %select_n3A = arith.select %eq3A_20, %gather3A_28, %gather3A_18 : vector<16xi1>, vector<16xi32>
      %eq3A_29 = arith.constant 2 : i32
      %eq3A_30 = vector.broadcast %eq3A_29 : i32 to vector<16xi32>
      %eq3A_31 = arith.cmpi eq, %and3A_3, %eq3A_30 : vector<16xi32>
      %get3A_32 = arith.constant 2 : i32
      %get3A_33 = arith.index_cast %get3A_32 : i32 to index
      %get3A_34 = arith.index_cast %mul3A_13 : i32 to index
      %get3A_35 = tpu.vector_load %arg5[%get3A_33, %get3A_34] {strides = array<i32>} : memref<5x64xi32, #tpu.memory_space<vmem>>, vector<1x16xi32>,
      %get3A_36 = vector.shape_cast %get3A_35 : vector<1x16xi32> to vector<16xi32>
      %broadcast_in_dim3A_37 = vector.shape_cast %shift_right_arithmetic3A_1 : vector<16xi32> to vector<16x1xi32>
      %gather3A_38 = vector.shape_cast %broadcast_in_dim3A_37 : vector<16x1xi32> to vector<16xi32>
      %gather3A_39 = tpu.dynamic_gather %get3A_36[%gather3A_38] in [0] : vector<16xi32>, vector<16xi32> -> vector<16xi32>
      %select_n3A_40 = arith.select %eq3A_31, %gather3A_39, %select_n3A : vector<16xi1>, vector<16xi32>
      %eq3A_41 = arith.constant 3 : i32
      %eq3A_42 = vector.broadcast %eq3A_41 : i32 to vector<16xi32>
      %eq3A_43 = arith.cmpi eq, %and3A_3, %eq3A_42 : vector<16xi32>
      %get3A_44 = arith.constant 3 : i32
      %get3A_45 = arith.index_cast %get3A_44 : i32 to index
      %get3A_46 = arith.index_cast %mul3A_13 : i32 to index
      %get3A_47 = tpu.vector_load %arg5[%get3A_45, %get3A_46] {strides = array<i32>} : memref<5x64xi32, #tpu.memory_space<vmem>>, vector<1x16xi32>,
      %get3A_48 = vector.shape_cast %get3A_47 : vector<1x16xi32> to vector<16xi32>
      %broadcast_in_dim3A_49 = vector.shape_cast %shift_right_arithmetic3A_1 : vector<16xi32> to vector<16x1xi32>
      %gather3A_50 = vector.shape_cast %broadcast_in_dim3A_49 : vector<16x1xi32> to vector<16xi32>
      %gather3A_51 = tpu.dynamic_gather %get3A_48[%gather3A_50] in [0] : vector<16xi32>, vector<16xi32> -> vector<16xi32>
      %select_n3A_52 = arith.select %eq3A_43, %gather3A_51, %select_n3A_40 : vector<16xi1>, vector<16xi32>
      %eq3A_53 = arith.constant 4 : i32
      %eq3A_54 = vector.broadcast %eq3A_53 : i32 to vector<16xi32>
      %eq3A_55 = arith.cmpi eq, %and3A_3, %eq3A_54 : vector<16xi32>
      %get3A_56 = arith.constant 4 : i32
      %get3A_57 = arith.index_cast %get3A_56 : i32 to index
      %get3A_58 = arith.index_cast %mul3A_13 : i32 to index
      %get3A_59 = tpu.vector_load %arg5[%get3A_57, %get3A_58] {strides = array<i32>} : memref<5x64xi32, #tpu.memory_space<vmem>>, vector<1x16xi32>,
      %get3A_60 = vector.shape_cast %get3A_59 : vector<1x16xi32> to vector<16xi32>
      %broadcast_in_dim3A_61 = vector.shape_cast %shift_right_arithmetic3A_1 : vector<16xi32> to vector<16x1xi32>
      %gather3A_62 = vector.shape_cast %broadcast_in_dim3A_61 : vector<16x1xi32> to vector<16xi32>
      %gather3A_63 = tpu.dynamic_gather %get3A_60[%gather3A_62] in [0] : vector<16xi32>, vector<16xi32> -> vector<16xi32>
      %select_n3A_64 = arith.select %eq3A_55, %gather3A_63, %select_n3A_52 : vector<16xi1>, vector<16xi32>
      %ge3A_65 = arith.constant 5 : i32
      %ge3A_66 = vector.broadcast %ge3A_65 : i32 to vector<16xi32>
      %ge3A_67 = arith.cmpi sge, %and3A_3, %ge3A_66 : vector<16xi32>
      %add3A = arith.constant 23 : i32
      %add3A_68 = vector.broadcast %add3A : i32 to vector<16xi32>
      %add3A_69 = arith.addi %and3A_3, %add3A_68 : vector<16xi32>
      %select_n3A_70 = arith.select %ge3A_67, %add3A_69, %select_n3A_64 : vector<16xi1>, vector<16xi32>
      %swap3A = arith.constant 0 : index
      %swap3A_71 = tpu.vector_load %arg6[%swap3A] {strides = array<i32>} : memref<32xi32, #tpu.memory_space<vmem>>, vector<16xi32>,
      %swap3A_72 = vector.shape_cast %swap3A_71 : vector<16xi32> to vector<16xi32>
      %swap3A_73 = vector.shape_cast %select_n3A_70 : vector<16xi32> to vector<16xi32>
      tpu.vector_store %arg6[%swap3A], %swap3A_73 {strides = array<i32>} : memref<32xi32, #tpu.memory_space<vmem>>, vector<16xi32>,
      %add3A_74 = arith.constant 2 : i32
      %add3A_75 = vector.broadcast %add3A_74 : i32 to vector<16xi32>
      %add3A_76 = arith.addi %shift_right_arithmetic3A_1, %add3A_75 : vector<16xi32>
      %get3A_77 = arith.constant 0 : i32
      %get3A_78 = arith.index_cast %get3A_77 : i32 to index
      %get3A_79 = arith.index_cast %mul3A_13 : i32 to index
      %get3A_80 = tpu.vector_load %arg5[%get3A_78, %get3A_79] {strides = array<i32>} : memref<5x64xi32, #tpu.memory_space<vmem>>, vector<1x16xi32>,
      %get3A_81 = vector.shape_cast %get3A_80 : vector<1x16xi32> to vector<16xi32>
      %broadcast_in_dim3A_82 = vector.shape_cast %add3A_76 : vector<16xi32> to vector<16x1xi32>
      %gather3A_83 = vector.shape_cast %broadcast_in_dim3A_82 : vector<16x1xi32> to vector<16xi32>
      %gather3A_84 = tpu.dynamic_gather %get3A_81[%gather3A_83] in [0] : vector<16xi32>, vector<16xi32> -> vector<16xi32>
      %eq3A_85 = arith.constant 1 : i32
      %eq3A_86 = vector.broadcast %eq3A_85 : i32 to vector<16xi32>
      %eq3A_87 = arith.cmpi eq, %and3A_3, %eq3A_86 : vector<16xi32>
      %get3A_88 = arith.constant 1 : i32
      %get3A_89 = arith.index_cast %get3A_88 : i32 to index
      %get3A_90 = arith.index_cast %mul3A_13 : i32 to index
      %get3A_91 = tpu.vector_load %arg5[%get3A_89, %get3A_90] {strides = array<i32>} : memref<5x64xi32, #tpu.memory_space<vmem>>, vector<1x16xi32>,
      %get3A_92 = vector.shape_cast %get3A_91 : vector<1x16xi32> to vector<16xi32>
      %broadcast_in_dim3A_93 = vector.shape_cast %add3A_76 : vector<16xi32> to vector<16x1xi32>
      %gather3A_94 = vector.shape_cast %broadcast_in_dim3A_93 : vector<16x1xi32> to vector<16xi32>
      %gather3A_95 = tpu.dynamic_gather %get3A_92[%gather3A_94] in [0] : vector<16xi32>, vector<16xi32> -> vector<16xi32>
      %select_n3A_96 = arith.select %eq3A_87, %gather3A_95, %gather3A_84 : vector<16xi1>, vector<16xi32>
      %eq3A_97 = arith.constant 2 : i32
      %eq3A_98 = vector.broadcast %eq3A_97 : i32 to vector<16xi32>
      %eq3A_99 = arith.cmpi eq, %and3A_3, %eq3A_98 : vector<16xi32>
      %get3A_100 = arith.constant 2 : i32
      %get3A_101 = arith.index_cast %get3A_100 : i32 to index
      %get3A_102 = arith.index_cast %mul3A_13 : i32 to index
      %get3A_103 = tpu.vector_load %arg5[%get3A_101, %get3A_102] {strides = array<i32>} : memref<5x64xi32, #tpu.memory_space<vmem>>, vector<1x16xi32>,
      %get3A_104 = vector.shape_cast %get3A_103 : vector<1x16xi32> to vector<16xi32>
      %broadcast_in_dim3A_105 = vector.shape_cast %add3A_76 : vector<16xi32> to vector<16x1xi32>
      %gather3A_106 = vector.shape_cast %broadcast_in_dim3A_105 : vector<16x1xi32> to vector<16xi32>
      %gather3A_107 = tpu.dynamic_gather %get3A_104[%gather3A_106] in [0] : vector<16xi32>, vector<16xi32> -> vector<16xi32>
      %select_n3A_108 = arith.select %eq3A_99, %gather3A_107, %select_n3A_96 : vector<16xi1>, vector<16xi32>
      %eq3A_109 = arith.constant 3 : i32
      %eq3A_110 = vector.broadcast %eq3A_109 : i32 to vector<16xi32>
      %eq3A_111 = arith.cmpi eq, %and3A_3, %eq3A_110 : vector<16xi32>
      %get3A_112 = arith.constant 3 : i32
      %get3A_113 = arith.index_cast %get3A_112 : i32 to index
      %get3A_114 = arith.index_cast %mul3A_13 : i32 to index
      %get3A_115 = tpu.vector_load %arg5[%get3A_113, %get3A_114] {strides = array<i32>} : memref<5x64xi32, #tpu.memory_space<vmem>>, vector<1x16xi32>,
      %get3A_116 = vector.shape_cast %get3A_115 : vector<1x16xi32> to vector<16xi32>
      %broadcast_in_dim3A_117 = vector.shape_cast %add3A_76 : vector<16xi32> to vector<16x1xi32>
      %gather3A_118 = vector.shape_cast %broadcast_in_dim3A_117 : vector<16x1xi32> to vector<16xi32>
      %gather3A_119 = tpu.dynamic_gather %get3A_116[%gather3A_118] in [0] : vector<16xi32>, vector<16xi32> -> vector<16xi32>
      %select_n3A_120 = arith.select %eq3A_111, %gather3A_119, %select_n3A_108 : vector<16xi1>, vector<16xi32>
      %eq3A_121 = arith.constant 4 : i32
      %eq3A_122 = vector.broadcast %eq3A_121 : i32 to vector<16xi32>
      %eq3A_123 = arith.cmpi eq, %and3A_3, %eq3A_122 : vector<16xi32>
      %get3A_124 = arith.constant 4 : i32
      %get3A_125 = arith.index_cast %get3A_124 : i32 to index
      %get3A_126 = arith.index_cast %mul3A_13 : i32 to index
      %get3A_127 = tpu.vector_load %arg5[%get3A_125, %get3A_126] {strides = array<i32>} : memref<5x64xi32, #tpu.memory_space<vmem>>, vector<1x16xi32>,
      %get3A_128 = vector.shape_cast %get3A_127 : vector<1x16xi32> to vector<16xi32>
      %broadcast_in_dim3A_129 = vector.shape_cast %add3A_76 : vector<16xi32> to vector<16x1xi32>
      %gather3A_130 = vector.shape_cast %broadcast_in_dim3A_129 : vector<16x1xi32> to vector<16xi32>
      %gather3A_131 = tpu.dynamic_gather %get3A_128[%gather3A_130] in [0] : vector<16xi32>, vector<16xi32> -> vector<16xi32>
      %select_n3A_132 = arith.select %eq3A_123, %gather3A_131, %select_n3A_120 : vector<16xi1>, vector<16xi32>
      %ge3A_133 = arith.constant 5 : i32
      %ge3A_134 = vector.broadcast %ge3A_133 : i32 to vector<16xi32>
      %ge3A_135 = arith.cmpi sge, %and3A_3, %ge3A_134 : vector<16xi32>
      %add3A_136 = arith.constant 23 : i32
      %add3A_137 = vector.broadcast %add3A_136 : i32 to vector<16xi32>
      %add3A_138 = arith.addi %and3A_3, %add3A_137 : vector<16xi32>
      %select_n3A_139 = arith.select %ge3A_135, %add3A_138, %select_n3A_132 : vector<16xi1>, vector<16xi32>
      %swap3A_140 = arith.constant 16 : index
      %swap3A_141 = tpu.vector_load %arg6[%swap3A_140] {strides = array<i32>} : memref<32xi32, #tpu.memory_space<vmem>>, vector<16xi32>,
      %swap3A_142 = vector.shape_cast %swap3A_141 : vector<16xi32> to vector<16xi32>
      %swap3A_143 = vector.shape_cast %select_n3A_139 : vector<16xi32> to vector<16xi32>
      tpu.vector_store %arg6[%swap3A_140], %swap3A_143 {strides = array<i32>} : memref<32xi32, #tpu.memory_space<vmem>>, vector<16xi32>,
      %dma_start3A = arith.constant 0 : i32
      %dma_start3A_144 = arith.constant 0 : i32
      %dma_start3A_145 = tpu.memref_slice %arg2[%dma_start3A, %dma_start3A_144] : memref<32x128xf32, #tpu.memory_space<hbm>> -> memref<32x128xf32, #tpu.memory_space<hbm>>
      tpu.enqueue_indirect_dma source(%dma_start3A_145 : memref<32x128xf32, #tpu.memory_space<hbm>>) target(%arg7 : memref<32x128xf32, #tpu.memory_space<vmem>>) offsets(%arg6 : memref<32xi32, #tpu.memory_space<vmem>>) semaphore(%arg9 : memref<!tpu.dma_semaphore, #tpu.memory_space<semaphore_mem>>)
      %dma_wait3A = arith.constant 0 : i32
      %dma_wait3A_146 = arith.constant 0 : i32
      %dma_wait3A_147 = tpu.memref_slice %arg2[%dma_wait3A, %dma_wait3A_146] : memref<32x128xf32, #tpu.memory_space<hbm>> -> memref<32x128xf32, #tpu.memory_space<hbm>>
      tpu.wait_indirect_dma semaphore(%arg9 : memref<!tpu.dma_semaphore, #tpu.memory_space<semaphore_mem>>) src(%dma_wait3A_147 : memref<32x128xf32, #tpu.memory_space<hbm>>) dst(%arg7 : memref<32x128xf32, #tpu.memory_space<vmem>>)
      %get3A_148 = arith.constant 0 : i32
      %get3A_149 = arith.index_cast %get3A_148 : i32 to index
      %get3A_150 = arith.constant 0 : index
      %get3A_151 = tpu.vector_load %arg7[%get3A_149, %get3A_150] {strides = array<i32>} : memref<32x128xf32, #tpu.memory_space<vmem>>, vector<1x16xf32>,
      %get3A_152 = vector.shape_cast %get3A_151 : vector<1x16xf32> to vector<16xf32>
      %get3A_153 = arith.constant 1 : i32
      %get3A_154 = arith.index_cast %get3A_153 : i32 to index
      %get3A_155 = arith.constant 0 : index
      %get3A_156 = tpu.vector_load %arg7[%get3A_154, %get3A_155] {strides = array<i32>} : memref<32x128xf32, #tpu.memory_space<vmem>>, vector<1x16xf32>,
      %get3A_157 = vector.shape_cast %get3A_156 : vector<1x16xf32> to vector<16xf32>
      %add3A_158 = arith.addf %get3A_152, %get3A_157 : vector<16xf32>
      %get3A_159 = arith.constant 2 : i32
      %get3A_160 = arith.index_cast %get3A_159 : i32 to index
      %get3A_161 = arith.constant 0 : index
      %get3A_162 = tpu.vector_load %arg7[%get3A_160, %get3A_161] {strides = array<i32>} : memref<32x128xf32, #tpu.memory_space<vmem>>, vector<1x16xf32>,
      %get3A_163 = vector.shape_cast %get3A_162 : vector<1x16xf32> to vector<16xf32>
      %add3A_164 = arith.addf %add3A_158, %get3A_163 : vector<16xf32>
      %get3A_165 = arith.constant 3 : i32
      %get3A_166 = arith.index_cast %get3A_165 : i32 to index
      %get3A_167 = arith.constant 0 : index
      %get3A_168 = tpu.vector_load %arg7[%get3A_166, %get3A_167] {strides = array<i32>} : memref<32x128xf32, #tpu.memory_space<vmem>>, vector<1x16xf32>,
      %get3A_169 = vector.shape_cast %get3A_168 : vector<1x16xf32> to vector<16xf32>
      %add3A_170 = arith.addf %add3A_164, %get3A_169 : vector<16xf32>
      %get3A_171 = arith.constant 4 : i32
      %get3A_172 = arith.index_cast %get3A_171 : i32 to index
      %get3A_173 = arith.constant 0 : index
      %get3A_174 = tpu.vector_load %arg7[%get3A_172, %get3A_173] {strides = array<i32>} : memref<32x128xf32, #tpu.memory_space<vmem>>, vector<1x16xf32>,
      %get3A_175 = vector.shape_cast %get3A_174 : vector<1x16xf32> to vector<16xf32>
      %add3A_176 = arith.addf %add3A_170, %get3A_175 : vector<16xf32>
      %get3A_177 = arith.constant 5 : i32
      %get3A_178 = arith.index_cast %get3A_177 : i32 to index
      %get3A_179 = arith.constant 0 : index
      %get3A_180 = tpu.vector_load %arg7[%get3A_178, %get3A_179] {strides = array<i32>} : memref<32x128xf32, #tpu.memory_space<vmem>>, vector<1x16xf32>,
      %get3A_181 = vector.shape_cast %get3A_180 : vector<1x16xf32> to vector<16xf32>
      %add3A_182 = arith.addf %add3A_176, %get3A_181 : vector<16xf32>
      %get3A_183 = arith.constant 6 : i32
      %get3A_184 = arith.index_cast %get3A_183 : i32 to index
      %get3A_185 = arith.constant 0 : index
      %get3A_186 = tpu.vector_load %arg7[%get3A_184, %get3A_185] {strides = array<i32>} : memref<32x128xf32, #tpu.memory_space<vmem>>, vector<1x16xf32>,
      %get3A_187 = vector.shape_cast %get3A_186 : vector<1x16xf32> to vector<16xf32>
      %add3A_188 = arith.addf %add3A_182, %get3A_187 : vector<16xf32>
      %get3A_189 = arith.constant 7 : i32
      %get3A_190 = arith.index_cast %get3A_189 : i32 to index
      %get3A_191 = arith.constant 0 : index
      %get3A_192 = tpu.vector_load %arg7[%get3A_190, %get3A_191] {strides = array<i32>} : memref<32x128xf32, #tpu.memory_space<vmem>>, vector<1x16xf32>,
      %get3A_193 = vector.shape_cast %get3A_192 : vector<1x16xf32> to vector<16xf32>
      %add3A_194 = arith.addf %add3A_188, %get3A_193 : vector<16xf32>
      %swap3A_195 = arith.constant 0 : i32
      %swap3A_196 = arith.index_cast %swap3A_195 : i32 to index
      %swap3A_197 = arith.constant 0 : index
      %swap3A_198 = tpu.vector_load %arg8[%swap3A_196, %swap3A_197] {strides = array<i32>} : memref<4x128xf32, #tpu.memory_space<vmem>>, vector<1x16xf32>,
      %swap3A_199 = vector.shape_cast %swap3A_198 : vector<1x16xf32> to vector<16xf32>
      %swap3A_200 = vector.shape_cast %add3A_194 : vector<16xf32> to vector<1x16xf32>
      tpu.vector_store %arg8[%swap3A_196, %swap3A_197], %swap3A_200 {strides = array<i32>} : memref<4x128xf32, #tpu.memory_space<vmem>>, vector<1x16xf32>,
      %get3A_201 = arith.constant 8 : i32
      %get3A_202 = arith.index_cast %get3A_201 : i32 to index
      %get3A_203 = arith.constant 0 : index
      %get3A_204 = tpu.vector_load %arg7[%get3A_202, %get3A_203] {strides = array<i32>} : memref<32x128xf32, #tpu.memory_space<vmem>>, vector<1x16xf32>,
      %get3A_205 = vector.shape_cast %get3A_204 : vector<1x16xf32> to vector<16xf32>
      %get3A_206 = arith.constant 9 : i32
      %get3A_207 = arith.index_cast %get3A_206 : i32 to index
      %get3A_208 = arith.constant 0 : index
      %get3A_209 = tpu.vector_load %arg7[%get3A_207, %get3A_208] {strides = array<i32>} : memref<32x128xf32, #tpu.memory_space<vmem>>, vector<1x16xf32>,
      %get3A_210 = vector.shape_cast %get3A_209 : vector<1x16xf32> to vector<16xf32>
      %add3A_211 = arith.addf %get3A_205, %get3A_210 : vector<16xf32>
      %get3A_212 = arith.constant 10 : i32
      %get3A_213 = arith.index_cast %get3A_212 : i32 to index
      %get3A_214 = arith.constant 0 : index
      %get3A_215 = tpu.vector_load %arg7[%get3A_213, %get3A_214] {strides = array<i32>} : memref<32x128xf32, #tpu.memory_space<vmem>>, vector<1x16xf32>,
      %get3A_216 = vector.shape_cast %get3A_215 : vector<1x16xf32> to vector<16xf32>
      %add3A_217 = arith.addf %add3A_211, %get3A_216 : vector<16xf32>
      %get3A_218 = arith.constant 11 : i32
      %get3A_219 = arith.index_cast %get3A_218 : i32 to index
      %get3A_220 = arith.constant 0 : index
      %get3A_221 = tpu.vector_load %arg7[%get3A_219, %get3A_220] {strides = array<i32>} : memref<32x128xf32, #tpu.memory_space<vmem>>, vector<1x16xf32>,
      %get3A_222 = vector.shape_cast %get3A_221 : vector<1x16xf32> to vector<16xf32>
      %add3A_223 = arith.addf %add3A_217, %get3A_222 : vector<16xf32>
      %get3A_224 = arith.constant 12 : i32
      %get3A_225 = arith.index_cast %get3A_224 : i32 to index
      %get3A_226 = arith.constant 0 : index
      %get3A_227 = tpu.vector_load %arg7[%get3A_225, %get3A_226] {strides = array<i32>} : memref<32x128xf32, #tpu.memory_space<vmem>>, vector<1x16xf32>,
      %get3A_228 = vector.shape_cast %get3A_227 : vector<1x16xf32> to vector<16xf32>
      %add3A_229 = arith.addf %add3A_223, %get3A_228 : vector<16xf32>
      %get3A_230 = arith.constant 13 : i32
      %get3A_231 = arith.index_cast %get3A_230 : i32 to index
      %get3A_232 = arith.constant 0 : index
      %get3A_233 = tpu.vector_load %arg7[%get3A_231, %get3A_232] {strides = array<i32>} : memref<32x128xf32, #tpu.memory_space<vmem>>, vector<1x16xf32>,
      %get3A_234 = vector.shape_cast %get3A_233 : vector<1x16xf32> to vector<16xf32>
      %add3A_235 = arith.addf %add3A_229, %get3A_234 : vector<16xf32>
      %get3A_236 = arith.constant 14 : i32
      %get3A_237 = arith.index_cast %get3A_236 : i32 to index
      %get3A_238 = arith.constant 0 : index
      %get3A_239 = tpu.vector_load %arg7[%get3A_237, %get3A_238] {strides = array<i32>} : memref<32x128xf32, #tpu.memory_space<vmem>>, vector<1x16xf32>,
      %get3A_240 = vector.shape_cast %get3A_239 : vector<1x16xf32> to vector<16xf32>
      %add3A_241 = arith.addf %add3A_235, %get3A_240 : vector<16xf32>
      %get3A_242 = arith.constant 15 : i32
      %get3A_243 = arith.index_cast %get3A_242 : i32 to index
      %get3A_244 = arith.constant 0 : index
      %get3A_245 = tpu.vector_load %arg7[%get3A_243, %get3A_244] {strides = array<i32>} : memref<32x128xf32, #tpu.memory_space<vmem>>, vector<1x16xf32>,
      %get3A_246 = vector.shape_cast %get3A_245 : vector<1x16xf32> to vector<16xf32>
      %add3A_247 = arith.addf %add3A_241, %get3A_246 : vector<16xf32>
      %swap3A_248 = arith.constant 1 : i32
      %swap3A_249 = arith.index_cast %swap3A_248 : i32 to index
      %swap3A_250 = arith.constant 0 : index
      %swap3A_251 = tpu.vector_load %arg8[%swap3A_249, %swap3A_250] {strides = array<i32>} : memref<4x128xf32, #tpu.memory_space<vmem>>, vector<1x16xf32>,
      %swap3A_252 = vector.shape_cast %swap3A_251 : vector<1x16xf32> to vector<16xf32>
      %swap3A_253 = vector.shape_cast %add3A_247 : vector<16xf32> to vector<1x16xf32>
      tpu.vector_store %arg8[%swap3A_249, %swap3A_250], %swap3A_253 {strides = array<i32>} : memref<4x128xf32, #tpu.memory_space<vmem>>, vector<1x16xf32>,
      %get3A_254 = arith.constant 16 : i32
      %get3A_255 = arith.index_cast %get3A_254 : i32 to index
      %get3A_256 = arith.constant 0 : index
      %get3A_257 = tpu.vector_load %arg7[%get3A_255, %get3A_256] {strides = array<i32>} : memref<32x128xf32, #tpu.memory_space<vmem>>, vector<1x16xf32>,
      %get3A_258 = vector.shape_cast %get3A_257 : vector<1x16xf32> to vector<16xf32>
      %get3A_259 = arith.constant 17 : i32
      %get3A_260 = arith.index_cast %get3A_259 : i32 to index
      %get3A_261 = arith.constant 0 : index
      %get3A_262 = tpu.vector_load %arg7[%get3A_260, %get3A_261] {strides = array<i32>} : memref<32x128xf32, #tpu.memory_space<vmem>>, vector<1x16xf32>,
      %get3A_263 = vector.shape_cast %get3A_262 : vector<1x16xf32> to vector<16xf32>
      %add3A_264 = arith.addf %get3A_258, %get3A_263 : vector<16xf32>
      %get3A_265 = arith.constant 18 : i32
      %get3A_266 = arith.index_cast %get3A_265 : i32 to index
      %get3A_267 = arith.constant 0 : index
      %get3A_268 = tpu.vector_load %arg7[%get3A_266, %get3A_267] {strides = array<i32>} : memref<32x128xf32, #tpu.memory_space<vmem>>, vector<1x16xf32>,
      %get3A_269 = vector.shape_cast %get3A_268 : vector<1x16xf32> to vector<16xf32>
      %add3A_270 = arith.addf %add3A_264, %get3A_269 : vector<16xf32>
      %get3A_271 = arith.constant 19 : i32
      %get3A_272 = arith.index_cast %get3A_271 : i32 to index
      %get3A_273 = arith.constant 0 : index
      %get3A_274 = tpu.vector_load %arg7[%get3A_272, %get3A_273] {strides = array<i32>} : memref<32x128xf32, #tpu.memory_space<vmem>>, vector<1x16xf32>,
      %get3A_275 = vector.shape_cast %get3A_274 : vector<1x16xf32> to vector<16xf32>
      %add3A_276 = arith.addf %add3A_270, %get3A_275 : vector<16xf32>
      %get3A_277 = arith.constant 20 : i32
      %get3A_278 = arith.index_cast %get3A_277 : i32 to index
      %get3A_279 = arith.constant 0 : index
      %get3A_280 = tpu.vector_load %arg7[%get3A_278, %get3A_279] {strides = array<i32>} : memref<32x128xf32, #tpu.memory_space<vmem>>, vector<1x16xf32>,
      %get3A_281 = vector.shape_cast %get3A_280 : vector<1x16xf32> to vector<16xf32>
      %add3A_282 = arith.addf %add3A_276, %get3A_281 : vector<16xf32>
      %get3A_283 = arith.constant 21 : i32
      %get3A_284 = arith.index_cast %get3A_283 : i32 to index
      %get3A_285 = arith.constant 0 : index
      %get3A_286 = tpu.vector_load %arg7[%get3A_284, %get3A_285] {strides = array<i32>} : memref<32x128xf32, #tpu.memory_space<vmem>>, vector<1x16xf32>,
      %get3A_287 = vector.shape_cast %get3A_286 : vector<1x16xf32> to vector<16xf32>
      %add3A_288 = arith.addf %add3A_282, %get3A_287 : vector<16xf32>
      %get3A_289 = arith.constant 22 : i32
      %get3A_290 = arith.index_cast %get3A_289 : i32 to index
      %get3A_291 = arith.constant 0 : index
      %get3A_292 = tpu.vector_load %arg7[%get3A_290, %get3A_291] {strides = array<i32>} : memref<32x128xf32, #tpu.memory_space<vmem>>, vector<1x16xf32>,
      %get3A_293 = vector.shape_cast %get3A_292 : vector<1x16xf32> to vector<16xf32>
      %add3A_294 = arith.addf %add3A_288, %get3A_293 : vector<16xf32>
      %get3A_295 = arith.constant 23 : i32
      %get3A_296 = arith.index_cast %get3A_295 : i32 to index
      %get3A_297 = arith.constant 0 : index
      %get3A_298 = tpu.vector_load %arg7[%get3A_296, %get3A_297] {strides = array<i32>} : memref<32x128xf32, #tpu.memory_space<vmem>>, vector<1x16xf32>,
      %get3A_299 = vector.shape_cast %get3A_298 : vector<1x16xf32> to vector<16xf32>
      %add3A_300 = arith.addf %add3A_294, %get3A_299 : vector<16xf32>
      %swap3A_301 = arith.constant 2 : i32
      %swap3A_302 = arith.index_cast %swap3A_301 : i32 to index
      %swap3A_303 = arith.constant 0 : index
      %swap3A_304 = tpu.vector_load %arg8[%swap3A_302, %swap3A_303] {strides = array<i32>} : memref<4x128xf32, #tpu.memory_space<vmem>>, vector<1x16xf32>,
      %swap3A_305 = vector.shape_cast %swap3A_304 : vector<1x16xf32> to vector<16xf32>
      %swap3A_306 = vector.shape_cast %add3A_300 : vector<16xf32> to vector<1x16xf32>
      tpu.vector_store %arg8[%swap3A_302, %swap3A_303], %swap3A_306 {strides = array<i32>} : memref<4x128xf32, #tpu.memory_space<vmem>>, vector<1x16xf32>,
      %get3A_307 = arith.constant 24 : i32
      %get3A_308 = arith.index_cast %get3A_307 : i32 to index
      %get3A_309 = arith.constant 0 : index
      %get3A_310 = tpu.vector_load %arg7[%get3A_308, %get3A_309] {strides = array<i32>} : memref<32x128xf32, #tpu.memory_space<vmem>>, vector<1x16xf32>,
      %get3A_311 = vector.shape_cast %get3A_310 : vector<1x16xf32> to vector<16xf32>
      %get3A_312 = arith.constant 25 : i32
      %get3A_313 = arith.index_cast %get3A_312 : i32 to index
      %get3A_314 = arith.constant 0 : index
      %get3A_315 = tpu.vector_load %arg7[%get3A_313, %get3A_314] {strides = array<i32>} : memref<32x128xf32, #tpu.memory_space<vmem>>, vector<1x16xf32>,
      %get3A_316 = vector.shape_cast %get3A_315 : vector<1x16xf32> to vector<16xf32>
      %add3A_317 = arith.addf %get3A_311, %get3A_316 : vector<16xf32>
      %get3A_318 = arith.constant 26 : i32
      %get3A_319 = arith.index_cast %get3A_318 : i32 to index
      %get3A_320 = arith.constant 0 : index
      %get3A_321 = tpu.vector_load %arg7[%get3A_319, %get3A_320] {strides = array<i32>} : memref<32x128xf32, #tpu.memory_space<vmem>>, vector<1x16xf32>,
      %get3A_322 = vector.shape_cast %get3A_321 : vector<1x16xf32> to vector<16xf32>
      %add3A_323 = arith.addf %add3A_317, %get3A_322 : vector<16xf32>
      %get3A_324 = arith.constant 27 : i32
      %get3A_325 = arith.index_cast %get3A_324 : i32 to index
      %get3A_326 = arith.constant 0 : index
      %get3A_327 = tpu.vector_load %arg7[%get3A_325, %get3A_326] {strides = array<i32>} : memref<32x128xf32, #tpu.memory_space<vmem>>, vector<1x16xf32>,
      %get3A_328 = vector.shape_cast %get3A_327 : vector<1x16xf32> to vector<16xf32>
      %add3A_329 = arith.addf %add3A_323, %get3A_328 : vector<16xf32>
      %get3A_330 = arith.constant 28 : i32
      %get3A_331 = arith.index_cast %get3A_330 : i32 to index
      %get3A_332 = arith.constant 0 : index
      %get3A_333 = tpu.vector_load %arg7[%get3A_331, %get3A_332] {strides = array<i32>} : memref<32x128xf32, #tpu.memory_space<vmem>>, vector<1x16xf32>,
      %get3A_334 = vector.shape_cast %get3A_333 : vector<1x16xf32> to vector<16xf32>
      %add3A_335 = arith.addf %add3A_329, %get3A_334 : vector<16xf32>
      %get3A_336 = arith.constant 29 : i32
      %get3A_337 = arith.index_cast %get3A_336 : i32 to index
      %get3A_338 = arith.constant 0 : index
      %get3A_339 = tpu.vector_load %arg7[%get3A_337, %get3A_338] {strides = array<i32>} : memref<32x128xf32, #tpu.memory_space<vmem>>, vector<1x16xf32>,
      %get3A_340 = vector.shape_cast %get3A_339 : vector<1x16xf32> to vector<16xf32>
      %add3A_341 = arith.addf %add3A_335, %get3A_340 : vector<16xf32>
      %get3A_342 = arith.constant 30 : i32
      %get3A_343 = arith.index_cast %get3A_342 : i32 to index
      %get3A_344 = arith.constant 0 : index
      %get3A_345 = tpu.vector_load %arg7[%get3A_343, %get3A_344] {strides = array<i32>} : memref<32x128xf32, #tpu.memory_space<vmem>>, vector<1x16xf32>,
      %get3A_346 = vector.shape_cast %get3A_345 : vector<1x16xf32> to vector<16xf32>
      %add3A_347 = arith.addf %add3A_341, %get3A_346 : vector<16xf32>
      %get3A_348 = arith.constant 31 : i32
      %get3A_349 = arith.index_cast %get3A_348 : i32 to index
      %get3A_350 = arith.constant 0 : index
      %get3A_351 = tpu.vector_load %arg7[%get3A_349, %get3A_350] {strides = array<i32>} : memref<32x128xf32, #tpu.memory_space<vmem>>, vector<1x16xf32>,
      %get3A_352 = vector.shape_cast %get3A_351 : vector<1x16xf32> to vector<16xf32>
      %add3A_353 = arith.addf %add3A_347, %get3A_352 : vector<16xf32>
      %swap3A_354 = arith.constant 3 : i32
      %swap3A_355 = arith.index_cast %swap3A_354 : i32 to index
      %swap3A_356 = arith.constant 0 : index
      %swap3A_357 = tpu.vector_load %arg8[%swap3A_355, %swap3A_356] {strides = array<i32>} : memref<4x128xf32, #tpu.memory_space<vmem>>, vector<1x16xf32>,
      %swap3A_358 = vector.shape_cast %swap3A_357 : vector<1x16xf32> to vector<16xf32>
      %swap3A_359 = vector.shape_cast %add3A_353 : vector<16xf32> to vector<1x16xf32>
      tpu.vector_store %arg8[%swap3A_355, %swap3A_356], %swap3A_359 {strides = array<i32>} : memref<4x128xf32, #tpu.memory_space<vmem>>, vector<1x16xf32>,
      %get3A_360 = arith.constant 0 : i32
      %get3A_361 = arith.index_cast %get3A_360 : i32 to index
      %get3A_362 = arith.constant 16 : index
      %get3A_363 = tpu.vector_load %arg7[%get3A_361, %get3A_362] {strides = array<i32>} : memref<32x128xf32, #tpu.memory_space<vmem>>, vector<1x16xf32>,
      %get3A_364 = vector.shape_cast %get3A_363 : vector<1x16xf32> to vector<16xf32>
      %get3A_365 = arith.constant 1 : i32
      %get3A_366 = arith.index_cast %get3A_365 : i32 to index
      %get3A_367 = arith.constant 16 : index
      %get3A_368 = tpu.vector_load %arg7[%get3A_366, %get3A_367] {strides = array<i32>} : memref<32x128xf32, #tpu.memory_space<vmem>>, vector<1x16xf32>,
      %get3A_369 = vector.shape_cast %get3A_368 : vector<1x16xf32> to vector<16xf32>
      %add3A_370 = arith.addf %get3A_364, %get3A_369 : vector<16xf32>
      %get3A_371 = arith.constant 2 : i32
      %get3A_372 = arith.index_cast %get3A_371 : i32 to index
      %get3A_373 = arith.constant 16 : index
      %get3A_374 = tpu.vector_load %arg7[%get3A_372, %get3A_373] {strides = array<i32>} : memref<32x128xf32, #tpu.memory_space<vmem>>, vector<1x16xf32>,
      %get3A_375 = vector.shape_cast %get3A_374 : vector<1x16xf32> to vector<16xf32>
      %add3A_376 = arith.addf %add3A_370, %get3A_375 : vector<16xf32>
      %get3A_377 = arith.constant 3 : i32
      %get3A_378 = arith.index_cast %get3A_377 : i32 to index
      %get3A_379 = arith.constant 16 : index
      %get3A_380 = tpu.vector_load %arg7[%get3A_378, %get3A_379] {strides = array<i32>} : memref<32x128xf32, #tpu.memory_space<vmem>>, vector<1x16xf32>,
      %get3A_381 = vector.shape_cast %get3A_380 : vector<1x16xf32> to vector<16xf32>
      %add3A_382 = arith.addf %add3A_376, %get3A_381 : vector<16xf32>
      %get3A_383 = arith.constant 4 : i32
      %get3A_384 = arith.index_cast %get3A_383 : i32 to index
      %get3A_385 = arith.constant 16 : index
      %get3A_386 = tpu.vector_load %arg7[%get3A_384, %get3A_385] {strides = array<i32>} : memref<32x128xf32, #tpu.memory_space<vmem>>, vector<1x16xf32>,
      %get3A_387 = vector.shape_cast %get3A_386 : vector<1x16xf32> to vector<16xf32>
      %add3A_388 = arith.addf %add3A_382, %get3A_387 : vector<16xf32>
      %get3A_389 = arith.constant 5 : i32
      %get3A_390 = arith.index_cast %get3A_389 : i32 to index
      %get3A_391 = arith.constant 16 : index
      %get3A_392 = tpu.vector_load %arg7[%get3A_390, %get3A_391] {strides = array<i32>} : memref<32x128xf32, #tpu.memory_space<vmem>>, vector<1x16xf32>,
      %get3A_393 = vector.shape_cast %get3A_392 : vector<1x16xf32> to vector<16xf32>
      %add3A_394 = arith.addf %add3A_388, %get3A_393 : vector<16xf32>
      %get3A_395 = arith.constant 6 : i32
      %get3A_396 = arith.index_cast %get3A_395 : i32 to index
      %get3A_397 = arith.constant 16 : index
      %get3A_398 = tpu.vector_load %arg7[%get3A_396, %get3A_397] {strides = array<i32>} : memref<32x128xf32, #tpu.memory_space<vmem>>, vector<1x16xf32>,
      %get3A_399 = vector.shape_cast %get3A_398 : vector<1x16xf32> to vector<16xf32>
      %add3A_400 = arith.addf %add3A_394, %get3A_399 : vector<16xf32>
      %get3A_401 = arith.constant 7 : i32
      %get3A_402 = arith.index_cast %get3A_401 : i32 to index
      %get3A_403 = arith.constant 16 : index
      %get3A_404 = tpu.vector_load %arg7[%get3A_402, %get3A_403] {strides = array<i32>} : memref<32x128xf32, #tpu.memory_space<vmem>>, vector<1x16xf32>,
      %get3A_405 = vector.shape_cast %get3A_404 : vector<1x16xf32> to vector<16xf32>
      %add3A_406 = arith.addf %add3A_400, %get3A_405 : vector<16xf32>
      %swap3A_407 = arith.constant 0 : i32
      %swap3A_408 = arith.index_cast %swap3A_407 : i32 to index
      %swap3A_409 = arith.constant 16 : index
      %swap3A_410 = tpu.vector_load %arg8[%swap3A_408, %swap3A_409] {strides = array<i32>} : memref<4x128xf32, #tpu.memory_space<vmem>>, vector<1x16xf32>,
      %swap3A_411 = vector.shape_cast %swap3A_410 : vector<1x16xf32> to vector<16xf32>
      %swap3A_412 = vector.shape_cast %add3A_406 : vector<16xf32> to vector<1x16xf32>
      tpu.vector_store %arg8[%swap3A_408, %swap3A_409], %swap3A_412 {strides = array<i32>} : memref<4x128xf32, #tpu.memory_space<vmem>>, vector<1x16xf32>,
      %get3A_413 = arith.constant 8 : i32
      %get3A_414 = arith.index_cast %get3A_413 : i32 to index
      %get3A_415 = arith.constant 16 : index
      %get3A_416 = tpu.vector_load %arg7[%get3A_414, %get3A_415] {strides = array<i32>} : memref<32x128xf32, #tpu.memory_space<vmem>>, vector<1x16xf32>,
      %get3A_417 = vector.shape_cast %get3A_416 : vector<1x16xf32> to vector<16xf32>
      %get3A_418 = arith.constant 9 : i32
      %get3A_419 = arith.index_cast %get3A_418 : i32 to index
      %get3A_420 = arith.constant 16 : index
      %get3A_421 = tpu.vector_load %arg7[%get3A_419, %get3A_420] {strides = array<i32>} : memref<32x128xf32, #tpu.memory_space<vmem>>, vector<1x16xf32>,
      %get3A_422 = vector.shape_cast %get3A_421 : vector<1x16xf32> to vector<16xf32>
      %add3A_423 = arith.addf %get3A_417, %get3A_422 : vector<16xf32>
      %get3A_424 = arith.constant 10 : i32
      %get3A_425 = arith.index_cast %get3A_424 : i32 to index
      %get3A_426 = arith.constant 16 : index
      %get3A_427 = tpu.vector_load %arg7[%get3A_425, %get3A_426] {strides = array<i32>} : memref<32x128xf32, #tpu.memory_space<vmem>>, vector<1x16xf32>,
      %get3A_428 = vector.shape_cast %get3A_427 : vector<1x16xf32> to vector<16xf32>
      %add3A_429 = arith.addf %add3A_423, %get3A_428 : vector<16xf32>
      %get3A_430 = arith.constant 11 : i32
      %get3A_431 = arith.index_cast %get3A_430 : i32 to index
      %get3A_432 = arith.constant 16 : index
      %get3A_433 = tpu.vector_load %arg7[%get3A_431, %get3A_432] {strides = array<i32>} : memref<32x128xf32, #tpu.memory_space<vmem>>, vector<1x16xf32>,
      %get3A_434 = vector.shape_cast %get3A_433 : vector<1x16xf32> to vector<16xf32>
      %add3A_435 = arith.addf %add3A_429, %get3A_434 : vector<16xf32>
      %get3A_436 = arith.constant 12 : i32
      %get3A_437 = arith.index_cast %get3A_436 : i32 to index
      %get3A_438 = arith.constant 16 : index
      %get3A_439 = tpu.vector_load %arg7[%get3A_437, %get3A_438] {strides = array<i32>} : memref<32x128xf32, #tpu.memory_space<vmem>>, vector<1x16xf32>,
      %get3A_440 = vector.shape_cast %get3A_439 : vector<1x16xf32> to vector<16xf32>
      %add3A_441 = arith.addf %add3A_435, %get3A_440 : vector<16xf32>
      %get3A_442 = arith.constant 13 : i32
      %get3A_443 = arith.index_cast %get3A_442 : i32 to index
      %get3A_444 = arith.constant 16 : index
      %get3A_445 = tpu.vector_load %arg7[%get3A_443, %get3A_444] {strides = array<i32>} : memref<32x128xf32, #tpu.memory_space<vmem>>, vector<1x16xf32>,
      %get3A_446 = vector.shape_cast %get3A_445 : vector<1x16xf32> to vector<16xf32>
      %add3A_447 = arith.addf %add3A_441, %get3A_446 : vector<16xf32>
      %get3A_448 = arith.constant 14 : i32
      %get3A_449 = arith.index_cast %get3A_448 : i32 to index
      %get3A_450 = arith.constant 16 : index
      %get3A_451 = tpu.vector_load %arg7[%get3A_449, %get3A_450] {strides = array<i32>} : memref<32x128xf32, #tpu.memory_space<vmem>>, vector<1x16xf32>,
      %get3A_452 = vector.shape_cast %get3A_451 : vector<1x16xf32> to vector<16xf32>
      %add3A_453 = arith.addf %add3A_447, %get3A_452 : vector<16xf32>
      %get3A_454 = arith.constant 15 : i32
      %get3A_455 = arith.index_cast %get3A_454 : i32 to index
      %get3A_456 = arith.constant 16 : index
      %get3A_457 = tpu.vector_load %arg7[%get3A_455, %get3A_456] {strides = array<i32>} : memref<32x128xf32, #tpu.memory_space<vmem>>, vector<1x16xf32>,
      %get3A_458 = vector.shape_cast %get3A_457 : vector<1x16xf32> to vector<16xf32>
      %add3A_459 = arith.addf %add3A_453, %get3A_458 : vector<16xf32>
      %swap3A_460 = arith.constant 1 : i32
      %swap3A_461 = arith.index_cast %swap3A_460 : i32 to index
      %swap3A_462 = arith.constant 16 : index
      %swap3A_463 = tpu.vector_load %arg8[%swap3A_461, %swap3A_462] {strides = array<i32>} : memref<4x128xf32, #tpu.memory_space<vmem>>, vector<1x16xf32>,
      %swap3A_464 = vector.shape_cast %swap3A_463 : vector<1x16xf32> to vector<16xf32>
      %swap3A_465 = vector.shape_cast %add3A_459 : vector<16xf32> to vector<1x16xf32>
      tpu.vector_store %arg8[%swap3A_461, %swap3A_462], %swap3A_465 {strides = array<i32>} : memref<4x128xf32, #tpu.memory_space<vmem>>, vector<1x16xf32>,
      %get3A_466 = arith.constant 16 : i32
      %get3A_467 = arith.index_cast %get3A_466 : i32 to index
      %get3A_468 = arith.constant 16 : index
      %get3A_469 = tpu.vector_load %arg7[%get3A_467, %get3A_468] {strides = array<i32>} : memref<32x128xf32, #tpu.memory_space<vmem>>, vector<1x16xf32>,
      %get3A_470 = vector.shape_cast %get3A_469 : vector<1x16xf32> to vector<16xf32>
      %get3A_471 = arith.constant 17 : i32
      %get3A_472 = arith.index_cast %get3A_471 : i32 to index
      %get3A_473 = arith.constant 16 : index
      %get3A_474 = tpu.vector_load %arg7[%get3A_472, %get3A_473] {strides = array<i32>} : memref<32x128xf32, #tpu.memory_space<vmem>>, vector<1x16xf32>,
      %get3A_475 = vector.shape_cast %get3A_474 : vector<1x16xf32> to vector<16xf32>
      %add3A_476 = arith.addf %get3A_470, %get3A_475 : vector<16xf32>
      %get3A_477 = arith.constant 18 : i32
      %get3A_478 = arith.index_cast %get3A_477 : i32 to index
      %get3A_479 = arith.constant 16 : index
      %get3A_480 = tpu.vector_load %arg7[%get3A_478, %get3A_479] {strides = array<i32>} : memref<32x128xf32, #tpu.memory_space<vmem>>, vector<1x16xf32>,
      %get3A_481 = vector.shape_cast %get3A_480 : vector<1x16xf32> to vector<16xf32>
      %add3A_482 = arith.addf %add3A_476, %get3A_481 : vector<16xf32>
      %get3A_483 = arith.constant 19 : i32
      %get3A_484 = arith.index_cast %get3A_483 : i32 to index
      %get3A_485 = arith.constant 16 : index
      %get3A_486 = tpu.vector_load %arg7[%get3A_484, %get3A_485] {strides = array<i32>} : memref<32x128xf32, #tpu.memory_space<vmem>>, vector<1x16xf32>,
      %get3A_487 = vector.shape_cast %get3A_486 : vector<1x16xf32> to vector<16xf32>
      %add3A_488 = arith.addf %add3A_482, %get3A_487 : vector<16xf32>
      %get3A_489 = arith.constant 20 : i32
      %get3A_490 = arith.index_cast %get3A_489 : i32 to index
      %get3A_491 = arith.constant 16 : index
      %get3A_492 = tpu.vector_load %arg7[%get3A_490, %get3A_491] {strides = array<i32>} : memref<32x128xf32, #tpu.memory_space<vmem>>, vector<1x16xf32>,
      %get3A_493 = vector.shape_cast %get3A_492 : vector<1x16xf32> to vector<16xf32>
      %add3A_494 = arith.addf %add3A_488, %get3A_493 : vector<16xf32>
      %get3A_495 = arith.constant 21 : i32
      %get3A_496 = arith.index_cast %get3A_495 : i32 to index
      %get3A_497 = arith.constant 16 : index
      %get3A_498 = tpu.vector_load %arg7[%get3A_496, %get3A_497] {strides = array<i32>} : memref<32x128xf32, #tpu.memory_space<vmem>>, vector<1x16xf32>,
      %get3A_499 = vector.shape_cast %get3A_498 : vector<1x16xf32> to vector<16xf32>
      %add3A_500 = arith.addf %add3A_494, %get3A_499 : vector<16xf32>
      %get3A_501 = arith.constant 22 : i32
      %get3A_502 = arith.index_cast %get3A_501 : i32 to index
      %get3A_503 = arith.constant 16 : index
      %get3A_504 = tpu.vector_load %arg7[%get3A_502, %get3A_503] {strides = array<i32>} : memref<32x128xf32, #tpu.memory_space<vmem>>, vector<1x16xf32>,
      %get3A_505 = vector.shape_cast %get3A_504 : vector<1x16xf32> to vector<16xf32>
      %add3A_506 = arith.addf %add3A_500, %get3A_505 : vector<16xf32>
      %get3A_507 = arith.constant 23 : i32
      %get3A_508 = arith.index_cast %get3A_507 : i32 to index
      %get3A_509 = arith.constant 16 : index
      %get3A_510 = tpu.vector_load %arg7[%get3A_508, %get3A_509] {strides = array<i32>} : memref<32x128xf32, #tpu.memory_space<vmem>>, vector<1x16xf32>,
      %get3A_511 = vector.shape_cast %get3A_510 : vector<1x16xf32> to vector<16xf32>
      %add3A_512 = arith.addf %add3A_506, %get3A_511 : vector<16xf32>
      %swap3A_513 = arith.constant 2 : i32
      %swap3A_514 = arith.index_cast %swap3A_513 : i32 to index
      %swap3A_515 = arith.constant 16 : index
      %swap3A_516 = tpu.vector_load %arg8[%swap3A_514, %swap3A_515] {strides = array<i32>} : memref<4x128xf32, #tpu.memory_space<vmem>>, vector<1x16xf32>,
      %swap3A_517 = vector.shape_cast %swap3A_516 : vector<1x16xf32> to vector<16xf32>
      %swap3A_518 = vector.shape_cast %add3A_512 : vector<16xf32> to vector<1x16xf32>
      tpu.vector_store %arg8[%swap3A_514, %swap3A_515], %swap3A_518 {strides = array<i32>} : memref<4x128xf32, #tpu.memory_space<vmem>>, vector<1x16xf32>,
      %get3A_519 = arith.constant 24 : i32
      %get3A_520 = arith.index_cast %get3A_519 : i32 to index
      %get3A_521 = arith.constant 16 : index
      %get3A_522 = tpu.vector_load %arg7[%get3A_520, %get3A_521] {strides = array<i32>} : memref<32x128xf32, #tpu.memory_space<vmem>>, vector<1x16xf32>,
      %get3A_523 = vector.shape_cast %get3A_522 : vector<1x16xf32> to vector<16xf32>
      %get3A_524 = arith.constant 25 : i32
      %get3A_525 = arith.index_cast %get3A_524 : i32 to index
      %get3A_526 = arith.constant 16 : index
      %get3A_527 = tpu.vector_load %arg7[%get3A_525, %get3A_526] {strides = array<i32>} : memref<32x128xf32, #tpu.memory_space<vmem>>, vector<1x16xf32>,
      %get3A_528 = vector.shape_cast %get3A_527 : vector<1x16xf32> to vector<16xf32>
      %add3A_529 = arith.addf %get3A_523, %get3A_528 : vector<16xf32>
      %get3A_530 = arith.constant 26 : i32
      %get3A_531 = arith.index_cast %get3A_530 : i32 to index
      %get3A_532 = arith.constant 16 : index
      %get3A_533 = tpu.vector_load %arg7[%get3A_531, %get3A_532] {strides = array<i32>} : memref<32x128xf32, #tpu.memory_space<vmem>>, vector<1x16xf32>,
      %get3A_534 = vector.shape_cast %get3A_533 : vector<1x16xf32> to vector<16xf32>
      %add3A_535 = arith.addf %add3A_529, %get3A_534 : vector<16xf32>
      %get3A_536 = arith.constant 27 : i32
      %get3A_537 = arith.index_cast %get3A_536 : i32 to index
      %get3A_538 = arith.constant 16 : index
      %get3A_539 = tpu.vector_load %arg7[%get3A_537, %get3A_538] {strides = array<i32>} : memref<32x128xf32, #tpu.memory_space<vmem>>, vector<1x16xf32>,
      %get3A_540 = vector.shape_cast %get3A_539 : vector<1x16xf32> to vector<16xf32>
      %add3A_541 = arith.addf %add3A_535, %get3A_540 : vector<16xf32>
      %get3A_542 = arith.constant 28 : i32
      %get3A_543 = arith.index_cast %get3A_542 : i32 to index
      %get3A_544 = arith.constant 16 : index
      %get3A_545 = tpu.vector_load %arg7[%get3A_543, %get3A_544] {strides = array<i32>} : memref<32x128xf32, #tpu.memory_space<vmem>>, vector<1x16xf32>,
      %get3A_546 = vector.shape_cast %get3A_545 : vector<1x16xf32> to vector<16xf32>
      %add3A_547 = arith.addf %add3A_541, %get3A_546 : vector<16xf32>
      %get3A_548 = arith.constant 29 : i32
      %get3A_549 = arith.index_cast %get3A_548 : i32 to index
      %get3A_550 = arith.constant 16 : index
      %get3A_551 = tpu.vector_load %arg7[%get3A_549, %get3A_550] {strides = array<i32>} : memref<32x128xf32, #tpu.memory_space<vmem>>, vector<1x16xf32>,
      %get3A_552 = vector.shape_cast %get3A_551 : vector<1x16xf32> to vector<16xf32>
      %add3A_553 = arith.addf %add3A_547, %get3A_552 : vector<16xf32>
      %get3A_554 = arith.constant 30 : i32
      %get3A_555 = arith.index_cast %get3A_554 : i32 to index
      %get3A_556 = arith.constant 16 : index
      %get3A_557 = tpu.vector_load %arg7[%get3A_555, %get3A_556] {strides = array<i32>} : memref<32x128xf32, #tpu.memory_space<vmem>>, vector<1x16xf32>,
      %get3A_558 = vector.shape_cast %get3A_557 : vector<1x16xf32> to vector<16xf32>
      %add3A_559 = arith.addf %add3A_553, %get3A_558 : vector<16xf32>
      %get3A_560 = arith.constant 31 : i32
      %get3A_561 = arith.index_cast %get3A_560 : i32 to index
      %get3A_562 = arith.constant 16 : index
      %get3A_563 = tpu.vector_load %arg7[%get3A_561, %get3A_562] {strides = array<i32>} : memref<32x128xf32, #tpu.memory_space<vmem>>, vector<1x16xf32>,
      %get3A_564 = vector.shape_cast %get3A_563 : vector<1x16xf32> to vector<16xf32>
      %add3A_565 = arith.addf %add3A_559, %get3A_564 : vector<16xf32>
      %swap3A_566 = arith.constant 3 : i32
      %swap3A_567 = arith.index_cast %swap3A_566 : i32 to index
      %swap3A_568 = arith.constant 16 : index
      %swap3A_569 = tpu.vector_load %arg8[%swap3A_567, %swap3A_568] {strides = array<i32>} : memref<4x128xf32, #tpu.memory_space<vmem>>, vector<1x16xf32>,
      %swap3A_570 = vector.shape_cast %swap3A_569 : vector<1x16xf32> to vector<16xf32>
      %swap3A_571 = vector.shape_cast %add3A_565 : vector<16xf32> to vector<1x16xf32>
      tpu.vector_store %arg8[%swap3A_567, %swap3A_568], %swap3A_571 {strides = array<i32>} : memref<4x128xf32, #tpu.memory_space<vmem>>, vector<1x16xf32>,
      %get3A_572 = arith.constant 0 : i32
      %get3A_573 = arith.index_cast %get3A_572 : i32 to index
      %get3A_574 = arith.constant 32 : index
      %get3A_575 = tpu.vector_load %arg7[%get3A_573, %get3A_574] {strides = array<i32>} : memref<32x128xf32, #tpu.memory_space<vmem>>, vector<1x16xf32>,
      %get3A_576 = vector.shape_cast %get3A_575 : vector<1x16xf32> to vector<16xf32>
      %get3A_577 = arith.constant 1 : i32
      %get3A_578 = arith.index_cast %get3A_577 : i32 to index
      %get3A_579 = arith.constant 32 : index
      %get3A_580 = tpu.vector_load %arg7[%get3A_578, %get3A_579] {strides = array<i32>} : memref<32x128xf32, #tpu.memory_space<vmem>>, vector<1x16xf32>,
      %get3A_581 = vector.shape_cast %get3A_580 : vector<1x16xf32> to vector<16xf32>
      %add3A_582 = arith.addf %get3A_576, %get3A_581 : vector<16xf32>
      %get3A_583 = arith.constant 2 : i32
      %get3A_584 = arith.index_cast %get3A_583 : i32 to index
      %get3A_585 = arith.constant 32 : index
      %get3A_586 = tpu.vector_load %arg7[%get3A_584, %get3A_585] {strides = array<i32>} : memref<32x128xf32, #tpu.memory_space<vmem>>, vector<1x16xf32>,
      %get3A_587 = vector.shape_cast %get3A_586 : vector<1x16xf32> to vector<16xf32>
      %add3A_588 = arith.addf %add3A_582, %get3A_587 : vector<16xf32>
      %get3A_589 = arith.constant 3 : i32
      %get3A_590 = arith.index_cast %get3A_589 : i32 to index
      %get3A_591 = arith.constant 32 : index
      %get3A_592 = tpu.vector_load %arg7[%get3A_590, %get3A_591] {strides = array<i32>} : memref<32x128xf32, #tpu.memory_space<vmem>>, vector<1x16xf32>,
      %get3A_593 = vector.shape_cast %get3A_592 : vector<1x16xf32> to vector<16xf32>
      %add3A_594 = arith.addf %add3A_588, %get3A_593 : vector<16xf32>
      %get3A_595 = arith.constant 4 : i32
      %get3A_596 = arith.index_cast %get3A_595 : i32 to index
      %get3A_597 = arith.constant 32 : index
      %get3A_598 = tpu.vector_load %arg7[%get3A_596, %get3A_597] {strides = array<i32>} : memref<32x128xf32, #tpu.memory_space<vmem>>, vector<1x16xf32>,
      %get3A_599 = vector.shape_cast %get3A_598 : vector<1x16xf32> to vector<16xf32>
      %add3A_600 = arith.addf %add3A_594, %get3A_599 : vector<16xf32>
      %get3A_601 = arith.constant 5 : i32
      %get3A_602 = arith.index_cast %get3A_601 : i32 to index
      %get3A_603 = arith.constant 32 : index
      %get3A_604 = tpu.vector_load %arg7[%get3A_602, %get3A_603] {strides = array<i32>} : memref<32x128xf32, #tpu.memory_space<vmem>>, vector<1x16xf32>,
      %get3A_605 = vector.shape_cast %get3A_604 : vector<1x16xf32> to vector<16xf32>
      %add3A_606 = arith.addf %add3A_600, %get3A_605 : vector<16xf32>
      %get3A_607 = arith.constant 6 : i32
      %get3A_608 = arith.index_cast %get3A_607 : i32 to index
      %get3A_609 = arith.constant 32 : index
      %get3A_610 = tpu.vector_load %arg7[%get3A_608, %get3A_609] {strides = array<i32>} : memref<32x128xf32, #tpu.memory_space<vmem>>, vector<1x16xf32>,
      %get3A_611 = vector.shape_cast %get3A_610 : vector<1x16xf32> to vector<16xf32>
      %add3A_612 = arith.addf %add3A_606, %get3A_611 : vector<16xf32>
      %get3A_613 = arith.constant 7 : i32
      %get3A_614 = arith.index_cast %get3A_613 : i32 to index
      %get3A_615 = arith.constant 32 : index
      %get3A_616 = tpu.vector_load %arg7[%get3A_614, %get3A_615] {strides = array<i32>} : memref<32x128xf32, #tpu.memory_space<vmem>>, vector<1x16xf32>,
      %get3A_617 = vector.shape_cast %get3A_616 : vector<1x16xf32> to vector<16xf32>
      %add3A_618 = arith.addf %add3A_612, %get3A_617 : vector<16xf32>
      %swap3A_619 = arith.constant 0 : i32
      %swap3A_620 = arith.index_cast %swap3A_619 : i32 to index
      %swap3A_621 = arith.constant 32 : index
      %swap3A_622 = tpu.vector_load %arg8[%swap3A_620, %swap3A_621] {strides = array<i32>} : memref<4x128xf32, #tpu.memory_space<vmem>>, vector<1x16xf32>,
      %swap3A_623 = vector.shape_cast %swap3A_622 : vector<1x16xf32> to vector<16xf32>
      %swap3A_624 = vector.shape_cast %add3A_618 : vector<16xf32> to vector<1x16xf32>
      tpu.vector_store %arg8[%swap3A_620, %swap3A_621], %swap3A_624 {strides = array<i32>} : memref<4x128xf32, #tpu.memory_space<vmem>>, vector<1x16xf32>,
      %get3A_625 = arith.constant 8 : i32
      %get3A_626 = arith.index_cast %get3A_625 : i32 to index
      %get3A_627 = arith.constant 32 : index
      %get3A_628 = tpu.vector_load %arg7[%get3A_626, %get3A_627] {strides = array<i32>} : memref<32x128xf32, #tpu.memory_space<vmem>>, vector<1x16xf32>,
      %get3A_629 = vector.shape_cast %get3A_628 : vector<1x16xf32> to vector<16xf32>
      %get3A_630 = arith.constant 9 : i32
      %get3A_631 = arith.index_cast %get3A_630 : i32 to index
      %get3A_632 = arith.constant 32 : index
      %get3A_633 = tpu.vector_load %arg7[%get3A_631, %get3A_632] {strides = array<i32>} : memref<32x128xf32, #tpu.memory_space<vmem>>, vector<1x16xf32>,
      %get3A_634 = vector.shape_cast %get3A_633 : vector<1x16xf32> to vector<16xf32>
      %add3A_635 = arith.addf %get3A_629, %get3A_634 : vector<16xf32>
      %get3A_636 = arith.constant 10 : i32
      %get3A_637 = arith.index_cast %get3A_636 : i32 to index
      %get3A_638 = arith.constant 32 : index
      %get3A_639 = tpu.vector_load %arg7[%get3A_637, %get3A_638] {strides = array<i32>} : memref<32x128xf32, #tpu.memory_space<vmem>>, vector<1x16xf32>,
      %get3A_640 = vector.shape_cast %get3A_639 : vector<1x16xf32> to vector<16xf32>
      %add3A_641 = arith.addf %add3A_635, %get3A_640 : vector<16xf32>
      %get3A_642 = arith.constant 11 : i32
      %get3A_643 = arith.index_cast %get3A_642 : i32 to index
      %get3A_644 = arith.constant 32 : index
      %get3A_645 = tpu.vector_load %arg7[%get3A_643, %get3A_644] {strides = array<i32>} : memref<32x128xf32, #tpu.memory_space<vmem>>, vector<1x16xf32>,
      %get3A_646 = vector.shape_cast %get3A_645 : vector<1x16xf32> to vector<16xf32>
      %add3A_647 = arith.addf %add3A_641, %get3A_646 : vector<16xf32>
      %get3A_648 = arith.constant 12 : i32
      %get3A_649 = arith.index_cast %get3A_648 : i32 to index
      %get3A_650 = arith.constant 32 : index
      %get3A_651 = tpu.vector_load %arg7[%get3A_649, %get3A_650] {strides = array<i32>} : memref<32x128xf32, #tpu.memory_space<vmem>>, vector<1x16xf32>,
      %get3A_652 = vector.shape_cast %get3A_651 : vector<1x16xf32> to vector<16xf32>
      %add3A_653 = arith.addf %add3A_647, %get3A_652 : vector<16xf32>
      %get3A_654 = arith.constant 13 : i32
      %get3A_655 = arith.index_cast %get3A_654 : i32 to index
      %get3A_656 = arith.constant 32 : index
      %get3A_657 = tpu.vector_load %arg7[%get3A_655, %get3A_656] {strides = array<i32>} : memref<32x128xf32, #tpu.memory_space<vmem>>, vector<1x16xf32>,
      %get3A_658 = vector.shape_cast %get3A_657 : vector<1x16xf32> to vector<16xf32>
      %add3A_659 = arith.addf %add3A_653, %get3A_658 : vector<16xf32>
      %get3A_660 = arith.constant 14 : i32
      %get3A_661 = arith.index_cast %get3A_660 : i32 to index
      %get3A_662 = arith.constant 32 : index
      %get3A_663 = tpu.vector_load %arg7[%get3A_661, %get3A_662] {strides = array<i32>} : memref<32x128xf32, #tpu.memory_space<vmem>>, vector<1x16xf32>,
      %get3A_664 = vector.shape_cast %get3A_663 : vector<1x16xf32> to vector<16xf32>
      %add3A_665 = arith.addf %add3A_659, %get3A_664 : vector<16xf32>
      %get3A_666 = arith.constant 15 : i32
      %get3A_667 = arith.index_cast %get3A_666 : i32 to index
      %get3A_668 = arith.constant 32 : index
      %get3A_669 = tpu.vector_load %arg7[%get3A_667, %get3A_668] {strides = array<i32>} : memref<32x128xf32, #tpu.memory_space<vmem>>, vector<1x16xf32>,
      %get3A_670 = vector.shape_cast %get3A_669 : vector<1x16xf32> to vector<16xf32>
      %add3A_671 = arith.addf %add3A_665, %get3A_670 : vector<16xf32>
      %swap3A_672 = arith.constant 1 : i32
      %swap3A_673 = arith.index_cast %swap3A_672 : i32 to index
      %swap3A_674 = arith.constant 32 : index
      %swap3A_675 = tpu.vector_load %arg8[%swap3A_673, %swap3A_674] {strides = array<i32>} : memref<4x128xf32, #tpu.memory_space<vmem>>, vector<1x16xf32>,
      %swap3A_676 = vector.shape_cast %swap3A_675 : vector<1x16xf32> to vector<16xf32>
      %swap3A_677 = vector.shape_cast %add3A_671 : vector<16xf32> to vector<1x16xf32>
      tpu.vector_store %arg8[%swap3A_673, %swap3A_674], %swap3A_677 {strides = array<i32>} : memref<4x128xf32, #tpu.memory_space<vmem>>, vector<1x16xf32>,
      %get3A_678 = arith.constant 16 : i32
      %get3A_679 = arith.index_cast %get3A_678 : i32 to index
      %get3A_680 = arith.constant 32 : index
      %get3A_681 = tpu.vector_load %arg7[%get3A_679, %get3A_680] {strides = array<i32>} : memref<32x128xf32, #tpu.memory_space<vmem>>, vector<1x16xf32>,
      %get3A_682 = vector.shape_cast %get3A_681 : vector<1x16xf32> to vector<16xf32>
      %get3A_683 = arith.constant 17 : i32
      %get3A_684 = arith.index_cast %get3A_683 : i32 to index
      %get3A_685 = arith.constant 32 : index
      %get3A_686 = tpu.vector_load %arg7[%get3A_684, %get3A_685] {strides = array<i32>} : memref<32x128xf32, #tpu.memory_space<vmem>>, vector<1x16xf32>,
      %get3A_687 = vector.shape_cast %get3A_686 : vector<1x16xf32> to vector<16xf32>
      %add3A_688 = arith.addf %get3A_682, %get3A_687 : vector<16xf32>
      %get3A_689 = arith.constant 18 : i32
      %get3A_690 = arith.index_cast %get3A_689 : i32 to index
      %get3A_691 = arith.constant 32 : index
      %get3A_692 = tpu.vector_load %arg7[%get3A_690, %get3A_691] {strides = array<i32>} : memref<32x128xf32, #tpu.memory_space<vmem>>, vector<1x16xf32>,
      %get3A_693 = vector.shape_cast %get3A_692 : vector<1x16xf32> to vector<16xf32>
      %add3A_694 = arith.addf %add3A_688, %get3A_693 : vector<16xf32>
      %get3A_695 = arith.constant 19 : i32
      %get3A_696 = arith.index_cast %get3A_695 : i32 to index
      %get3A_697 = arith.constant 32 : index
      %get3A_698 = tpu.vector_load %arg7[%get3A_696, %get3A_697] {strides = array<i32>} : memref<32x128xf32, #tpu.memory_space<vmem>>, vector<1x16xf32>,
      %get3A_699 = vector.shape_cast %get3A_698 : vector<1x16xf32> to vector<16xf32>
      %add3A_700 = arith.addf %add3A_694, %get3A_699 : vector<16xf32>
      %get3A_701 = arith.constant 20 : i32
      %get3A_702 = arith.index_cast %get3A_701 : i32 to index
      %get3A_703 = arith.constant 32 : index
      %get3A_704 = tpu.vector_load %arg7[%get3A_702, %get3A_703] {strides = array<i32>} : memref<32x128xf32, #tpu.memory_space<vmem>>, vector<1x16xf32>,
      %get3A_705 = vector.shape_cast %get3A_704 : vector<1x16xf32> to vector<16xf32>
      %add3A_706 = arith.addf %add3A_700, %get3A_705 : vector<16xf32>
      %get3A_707 = arith.constant 21 : i32
      %get3A_708 = arith.index_cast %get3A_707 : i32 to index
      %get3A_709 = arith.constant 32 : index
      %get3A_710 = tpu.vector_load %arg7[%get3A_708, %get3A_709] {strides = array<i32>} : memref<32x128xf32, #tpu.memory_space<vmem>>, vector<1x16xf32>,
      %get3A_711 = vector.shape_cast %get3A_710 : vector<1x16xf32> to vector<16xf32>
      %add3A_712 = arith.addf %add3A_706, %get3A_711 : vector<16xf32>
      %get3A_713 = arith.constant 22 : i32
      %get3A_714 = arith.index_cast %get3A_713 : i32 to index
      %get3A_715 = arith.constant 32 : index
      %get3A_716 = tpu.vector_load %arg7[%get3A_714, %get3A_715] {strides = array<i32>} : memref<32x128xf32, #tpu.memory_space<vmem>>, vector<1x16xf32>,
      %get3A_717 = vector.shape_cast %get3A_716 : vector<1x16xf32> to vector<16xf32>
      %add3A_718 = arith.addf %add3A_712, %get3A_717 : vector<16xf32>
      %get3A_719 = arith.constant 23 : i32
      %get3A_720 = arith.index_cast %get3A_719 : i32 to index
      %get3A_721 = arith.constant 32 : index
      %get3A_722 = tpu.vector_load %arg7[%get3A_720, %get3A_721] {strides = array<i32>} : memref<32x128xf32, #tpu.memory_space<vmem>>, vector<1x16xf32>,
      %get3A_723 = vector.shape_cast %get3A_722 : vector<1x16xf32> to vector<16xf32>
      %add3A_724 = arith.addf %add3A_718, %get3A_723 : vector<16xf32>
      %swap3A_725 = arith.constant 2 : i32
      %swap3A_726 = arith.index_cast %swap3A_725 : i32 to index
      %swap3A_727 = arith.constant 32 : index
      %swap3A_728 = tpu.vector_load %arg8[%swap3A_726, %swap3A_727] {strides = array<i32>} : memref<4x128xf32, #tpu.memory_space<vmem>>, vector<1x16xf32>,
      %swap3A_729 = vector.shape_cast %swap3A_728 : vector<1x16xf32> to vector<16xf32>
      %swap3A_730 = vector.shape_cast %add3A_724 : vector<16xf32> to vector<1x16xf32>
      tpu.vector_store %arg8[%swap3A_726, %swap3A_727], %swap3A_730 {strides = array<i32>} : memref<4x128xf32, #tpu.memory_space<vmem>>, vector<1x16xf32>,
      %get3A_731 = arith.constant 24 : i32
      %get3A_732 = arith.index_cast %get3A_731 : i32 to index
      %get3A_733 = arith.constant 32 : index
      %get3A_734 = tpu.vector_load %arg7[%get3A_732, %get3A_733] {strides = array<i32>} : memref<32x128xf32, #tpu.memory_space<vmem>>, vector<1x16xf32>,
      %get3A_735 = vector.shape_cast %get3A_734 : vector<1x16xf32> to vector<16xf32>
      %get3A_736 = arith.constant 25 : i32
      %get3A_737 = arith.index_cast %get3A_736 : i32 to index
      %get3A_738 = arith.constant 32 : index
      %get3A_739 = tpu.vector_load %arg7[%get3A_737, %get3A_738] {strides = array<i32>} : memref<32x128xf32, #tpu.memory_space<vmem>>, vector<1x16xf32>,
      %get3A_740 = vector.shape_cast %get3A_739 : vector<1x16xf32> to vector<16xf32>
      %add3A_741 = arith.addf %get3A_735, %get3A_740 : vector<16xf32>
      %get3A_742 = arith.constant 26 : i32
      %get3A_743 = arith.index_cast %get3A_742 : i32 to index
      %get3A_744 = arith.constant 32 : index
      %get3A_745 = tpu.vector_load %arg7[%get3A_743, %get3A_744] {strides = array<i32>} : memref<32x128xf32, #tpu.memory_space<vmem>>, vector<1x16xf32>,
      %get3A_746 = vector.shape_cast %get3A_745 : vector<1x16xf32> to vector<16xf32>
      %add3A_747 = arith.addf %add3A_741, %get3A_746 : vector<16xf32>
      %get3A_748 = arith.constant 27 : i32
      %get3A_749 = arith.index_cast %get3A_748 : i32 to index
      %get3A_750 = arith.constant 32 : index
      %get3A_751 = tpu.vector_load %arg7[%get3A_749, %get3A_750] {strides = array<i32>} : memref<32x128xf32, #tpu.memory_space<vmem>>, vector<1x16xf32>,
      %get3A_752 = vector.shape_cast %get3A_751 : vector<1x16xf32> to vector<16xf32>
      %add3A_753 = arith.addf %add3A_747, %get3A_752 : vector<16xf32>
      %get3A_754 = arith.constant 28 : i32
      %get3A_755 = arith.index_cast %get3A_754 : i32 to index
      %get3A_756 = arith.constant 32 : index
      %get3A_757 = tpu.vector_load %arg7[%get3A_755, %get3A_756] {strides = array<i32>} : memref<32x128xf32, #tpu.memory_space<vmem>>, vector<1x16xf32>,
      %get3A_758 = vector.shape_cast %get3A_757 : vector<1x16xf32> to vector<16xf32>
      %add3A_759 = arith.addf %add3A_753, %get3A_758 : vector<16xf32>
      %get3A_760 = arith.constant 29 : i32
      %get3A_761 = arith.index_cast %get3A_760 : i32 to index
      %get3A_762 = arith.constant 32 : index
      %get3A_763 = tpu.vector_load %arg7[%get3A_761, %get3A_762] {strides = array<i32>} : memref<32x128xf32, #tpu.memory_space<vmem>>, vector<1x16xf32>,
      %get3A_764 = vector.shape_cast %get3A_763 : vector<1x16xf32> to vector<16xf32>
      %add3A_765 = arith.addf %add3A_759, %get3A_764 : vector<16xf32>
      %get3A_766 = arith.constant 30 : i32
      %get3A_767 = arith.index_cast %get3A_766 : i32 to index
      %get3A_768 = arith.constant 32 : index
      %get3A_769 = tpu.vector_load %arg7[%get3A_767, %get3A_768] {strides = array<i32>} : memref<32x128xf32, #tpu.memory_space<vmem>>, vector<1x16xf32>,
      %get3A_770 = vector.shape_cast %get3A_769 : vector<1x16xf32> to vector<16xf32>
      %add3A_771 = arith.addf %add3A_765, %get3A_770 : vector<16xf32>
      %get3A_772 = arith.constant 31 : i32
      %get3A_773 = arith.index_cast %get3A_772 : i32 to index
      %get3A_774 = arith.constant 32 : index
      %get3A_775 = tpu.vector_load %arg7[%get3A_773, %get3A_774] {strides = array<i32>} : memref<32x128xf32, #tpu.memory_space<vmem>>, vector<1x16xf32>,
      %get3A_776 = vector.shape_cast %get3A_775 : vector<1x16xf32> to vector<16xf32>
      %add3A_777 = arith.addf %add3A_771, %get3A_776 : vector<16xf32>
      %swap3A_778 = arith.constant 3 : i32
      %swap3A_779 = arith.index_cast %swap3A_778 : i32 to index
      %swap3A_780 = arith.constant 32 : index
      %swap3A_781 = tpu.vector_load %arg8[%swap3A_779, %swap3A_780] {strides = array<i32>} : memref<4x128xf32, #tpu.memory_space<vmem>>, vector<1x16xf32>,
      %swap3A_782 = vector.shape_cast %swap3A_781 : vector<1x16xf32> to vector<16xf32>
      %swap3A_783 = vector.shape_cast %add3A_777 : vector<16xf32> to vector<1x16xf32>
      tpu.vector_store %arg8[%swap3A_779, %swap3A_780], %swap3A_783 {strides = array<i32>} : memref<4x128xf32, #tpu.memory_space<vmem>>, vector<1x16xf32>,
      %get3A_784 = arith.constant 0 : i32
      %get3A_785 = arith.index_cast %get3A_784 : i32 to index
      %get3A_786 = arith.constant 48 : index
      %get3A_787 = tpu.vector_load %arg7[%get3A_785, %get3A_786] {strides = array<i32>} : memref<32x128xf32, #tpu.memory_space<vmem>>, vector<1x16xf32>,
      %get3A_788 = vector.shape_cast %get3A_787 : vector<1x16xf32> to vector<16xf32>
      %get3A_789 = arith.constant 1 : i32
      %get3A_790 = arith.index_cast %get3A_789 : i32 to index
      %get3A_791 = arith.constant 48 : index
      %get3A_792 = tpu.vector_load %arg7[%get3A_790, %get3A_791] {strides = array<i32>} : memref<32x128xf32, #tpu.memory_space<vmem>>, vector<1x16xf32>,
      %get3A_793 = vector.shape_cast %get3A_792 : vector<1x16xf32> to vector<16xf32>
      %add3A_794 = arith.addf %get3A_788, %get3A_793 : vector<16xf32>
      %get3A_795 = arith.constant 2 : i32
      %get3A_796 = arith.index_cast %get3A_795 : i32 to index
      %get3A_797 = arith.constant 48 : index
      %get3A_798 = tpu.vector_load %arg7[%get3A_796, %get3A_797] {strides = array<i32>} : memref<32x128xf32, #tpu.memory_space<vmem>>, vector<1x16xf32>,
      %get3A_799 = vector.shape_cast %get3A_798 : vector<1x16xf32> to vector<16xf32>
      %add3A_800 = arith.addf %add3A_794, %get3A_799 : vector<16xf32>
      %get3A_801 = arith.constant 3 : i32
      %get3A_802 = arith.index_cast %get3A_801 : i32 to index
      %get3A_803 = arith.constant 48 : index
      %get3A_804 = tpu.vector_load %arg7[%get3A_802, %get3A_803] {strides = array<i32>} : memref<32x128xf32, #tpu.memory_space<vmem>>, vector<1x16xf32>,
      %get3A_805 = vector.shape_cast %get3A_804 : vector<1x16xf32> to vector<16xf32>
      %add3A_806 = arith.addf %add3A_800, %get3A_805 : vector<16xf32>
      %get3A_807 = arith.constant 4 : i32
      %get3A_808 = arith.index_cast %get3A_807 : i32 to index
      %get3A_809 = arith.constant 48 : index
      %get3A_810 = tpu.vector_load %arg7[%get3A_808, %get3A_809] {strides = array<i32>} : memref<32x128xf32, #tpu.memory_space<vmem>>, vector<1x16xf32>,
      %get3A_811 = vector.shape_cast %get3A_810 : vector<1x16xf32> to vector<16xf32>
      %add3A_812 = arith.addf %add3A_806, %get3A_811 : vector<16xf32>
      %get3A_813 = arith.constant 5 : i32
      %get3A_814 = arith.index_cast %get3A_813 : i32 to index
      %get3A_815 = arith.constant 48 : index
      %get3A_816 = tpu.vector_load %arg7[%get3A_814, %get3A_815] {strides = array<i32>} : memref<32x128xf32, #tpu.memory_space<vmem>>, vector<1x16xf32>,
      %get3A_817 = vector.shape_cast %get3A_816 : vector<1x16xf32> to vector<16xf32>
      %add3A_818 = arith.addf %add3A_812, %get3A_817 : vector<16xf32>
      %get3A_819 = arith.constant 6 : i32
      %get3A_820 = arith.index_cast %get3A_819 : i32 to index
      %get3A_821 = arith.constant 48 : index
      %get3A_822 = tpu.vector_load %arg7[%get3A_820, %get3A_821] {strides = array<i32>} : memref<32x128xf32, #tpu.memory_space<vmem>>, vector<1x16xf32>,
      %get3A_823 = vector.shape_cast %get3A_822 : vector<1x16xf32> to vector<16xf32>
      %add3A_824 = arith.addf %add3A_818, %get3A_823 : vector<16xf32>
      %get3A_825 = arith.constant 7 : i32
      %get3A_826 = arith.index_cast %get3A_825 : i32 to index
      %get3A_827 = arith.constant 48 : index
      %get3A_828 = tpu.vector_load %arg7[%get3A_826, %get3A_827] {strides = array<i32>} : memref<32x128xf32, #tpu.memory_space<vmem>>, vector<1x16xf32>,
      %get3A_829 = vector.shape_cast %get3A_828 : vector<1x16xf32> to vector<16xf32>
      %add3A_830 = arith.addf %add3A_824, %get3A_829 : vector<16xf32>
      %swap3A_831 = arith.constant 0 : i32
      %swap3A_832 = arith.index_cast %swap3A_831 : i32 to index
      %swap3A_833 = arith.constant 48 : index
      %swap3A_834 = tpu.vector_load %arg8[%swap3A_832, %swap3A_833] {strides = array<i32>} : memref<4x128xf32, #tpu.memory_space<vmem>>, vector<1x16xf32>,
      %swap3A_835 = vector.shape_cast %swap3A_834 : vector<1x16xf32> to vector<16xf32>
      %swap3A_836 = vector.shape_cast %add3A_830 : vector<16xf32> to vector<1x16xf32>
      tpu.vector_store %arg8[%swap3A_832, %swap3A_833], %swap3A_836 {strides = array<i32>} : memref<4x128xf32, #tpu.memory_space<vmem>>, vector<1x16xf32>,
      %get3A_837 = arith.constant 8 : i32
      %get3A_838 = arith.index_cast %get3A_837 : i32 to index
      %get3A_839 = arith.constant 48 : index
      %get3A_840 = tpu.vector_load %arg7[%get3A_838, %get3A_839] {strides = array<i32>} : memref<32x128xf32, #tpu.memory_space<vmem>>, vector<1x16xf32>,
      %get3A_841 = vector.shape_cast %get3A_840 : vector<1x16xf32> to vector<16xf32>
      %get3A_842 = arith.constant 9 : i32
      %get3A_843 = arith.index_cast %get3A_842 : i32 to index
      %get3A_844 = arith.constant 48 : index
      %get3A_845 = tpu.vector_load %arg7[%get3A_843, %get3A_844] {strides = array<i32>} : memref<32x128xf32, #tpu.memory_space<vmem>>, vector<1x16xf32>,
      %get3A_846 = vector.shape_cast %get3A_845 : vector<1x16xf32> to vector<16xf32>
      %add3A_847 = arith.addf %get3A_841, %get3A_846 : vector<16xf32>
      %get3A_848 = arith.constant 10 : i32
      %get3A_849 = arith.index_cast %get3A_848 : i32 to index
      %get3A_850 = arith.constant 48 : index
      %get3A_851 = tpu.vector_load %arg7[%get3A_849, %get3A_850] {strides = array<i32>} : memref<32x128xf32, #tpu.memory_space<vmem>>, vector<1x16xf32>,
      %get3A_852 = vector.shape_cast %get3A_851 : vector<1x16xf32> to vector<16xf32>
      %add3A_853 = arith.addf %add3A_847, %get3A_852 : vector<16xf32>
      %get3A_854 = arith.constant 11 : i32
      %get3A_855 = arith.index_cast %get3A_854 : i32 to index
      %get3A_856 = arith.constant 48 : index
      %get3A_857 = tpu.vector_load %arg7[%get3A_855, %get3A_856] {strides = array<i32>} : memref<32x128xf32, #tpu.memory_space<vmem>>, vector<1x16xf32>,
      %get3A_858 = vector.shape_cast %get3A_857 : vector<1x16xf32> to vector<16xf32>
      %add3A_859 = arith.addf %add3A_853, %get3A_858 : vector<16xf32>
      %get3A_860 = arith.constant 12 : i32
      %get3A_861 = arith.index_cast %get3A_860 : i32 to index
      %get3A_862 = arith.constant 48 : index
      %get3A_863 = tpu.vector_load %arg7[%get3A_861, %get3A_862] {strides = array<i32>} : memref<32x128xf32, #tpu.memory_space<vmem>>, vector<1x16xf32>,
      %get3A_864 = vector.shape_cast %get3A_863 : vector<1x16xf32> to vector<16xf32>
      %add3A_865 = arith.addf %add3A_859, %get3A_864 : vector<16xf32>
      %get3A_866 = arith.constant 13 : i32
      %get3A_867 = arith.index_cast %get3A_866 : i32 to index
      %get3A_868 = arith.constant 48 : index
      %get3A_869 = tpu.vector_load %arg7[%get3A_867, %get3A_868] {strides = array<i32>} : memref<32x128xf32, #tpu.memory_space<vmem>>, vector<1x16xf32>,
      %get3A_870 = vector.shape_cast %get3A_869 : vector<1x16xf32> to vector<16xf32>
      %add3A_871 = arith.addf %add3A_865, %get3A_870 : vector<16xf32>
      %get3A_872 = arith.constant 14 : i32
      %get3A_873 = arith.index_cast %get3A_872 : i32 to index
      %get3A_874 = arith.constant 48 : index
      %get3A_875 = tpu.vector_load %arg7[%get3A_873, %get3A_874] {strides = array<i32>} : memref<32x128xf32, #tpu.memory_space<vmem>>, vector<1x16xf32>,
      %get3A_876 = vector.shape_cast %get3A_875 : vector<1x16xf32> to vector<16xf32>
      %add3A_877 = arith.addf %add3A_871, %get3A_876 : vector<16xf32>
      %get3A_878 = arith.constant 15 : i32
      %get3A_879 = arith.index_cast %get3A_878 : i32 to index
      %get3A_880 = arith.constant 48 : index
      %get3A_881 = tpu.vector_load %arg7[%get3A_879, %get3A_880] {strides = array<i32>} : memref<32x128xf32, #tpu.memory_space<vmem>>, vector<1x16xf32>,
      %get3A_882 = vector.shape_cast %get3A_881 : vector<1x16xf32> to vector<16xf32>
      %add3A_883 = arith.addf %add3A_877, %get3A_882 : vector<16xf32>
      %swap3A_884 = arith.constant 1 : i32
      %swap3A_885 = arith.index_cast %swap3A_884 : i32 to index
      %swap3A_886 = arith.constant 48 : index
      %swap3A_887 = tpu.vector_load %arg8[%swap3A_885, %swap3A_886] {strides = array<i32>} : memref<4x128xf32, #tpu.memory_space<vmem>>, vector<1x16xf32>,
      %swap3A_888 = vector.shape_cast %swap3A_887 : vector<1x16xf32> to vector<16xf32>
      %swap3A_889 = vector.shape_cast %add3A_883 : vector<16xf32> to vector<1x16xf32>
      tpu.vector_store %arg8[%swap3A_885, %swap3A_886], %swap3A_889 {strides = array<i32>} : memref<4x128xf32, #tpu.memory_space<vmem>>, vector<1x16xf32>,
      %get3A_890 = arith.constant 16 : i32
      %get3A_891 = arith.index_cast %get3A_890 : i32 to index
      %get3A_892 = arith.constant 48 : index
      %get3A_893 = tpu.vector_load %arg7[%get3A_891, %get3A_892] {strides = array<i32>} : memref<32x128xf32, #tpu.memory_space<vmem>>, vector<1x16xf32>,
      %get3A_894 = vector.shape_cast %get3A_893 : vector<1x16xf32> to vector<16xf32>
      %get3A_895 = arith.constant 17 : i32
      %get3A_896 = arith.index_cast %get3A_895 : i32 to index
      %get3A_897 = arith.constant 48 : index
      %get3A_898 = tpu.vector_load %arg7[%get3A_896, %get3A_897] {strides = array<i32>} : memref<32x128xf32, #tpu.memory_space<vmem>>, vector<1x16xf32>,
      %get3A_899 = vector.shape_cast %get3A_898 : vector<1x16xf32> to vector<16xf32>
      %add3A_900 = arith.addf %get3A_894, %get3A_899 : vector<16xf32>
      %get3A_901 = arith.constant 18 : i32
      %get3A_902 = arith.index_cast %get3A_901 : i32 to index
      %get3A_903 = arith.constant 48 : index
      %get3A_904 = tpu.vector_load %arg7[%get3A_902, %get3A_903] {strides = array<i32>} : memref<32x128xf32, #tpu.memory_space<vmem>>, vector<1x16xf32>,
      %get3A_905 = vector.shape_cast %get3A_904 : vector<1x16xf32> to vector<16xf32>
      %add3A_906 = arith.addf %add3A_900, %get3A_905 : vector<16xf32>
      %get3A_907 = arith.constant 19 : i32
      %get3A_908 = arith.index_cast %get3A_907 : i32 to index
      %get3A_909 = arith.constant 48 : index
      %get3A_910 = tpu.vector_load %arg7[%get3A_908, %get3A_909] {strides = array<i32>} : memref<32x128xf32, #tpu.memory_space<vmem>>, vector<1x16xf32>,
      %get3A_911 = vector.shape_cast %get3A_910 : vector<1x16xf32> to vector<16xf32>
      %add3A_912 = arith.addf %add3A_906, %get3A_911 : vector<16xf32>
      %get3A_913 = arith.constant 20 : i32
      %get3A_914 = arith.index_cast %get3A_913 : i32 to index
      %get3A_915 = arith.constant 48 : index
      %get3A_916 = tpu.vector_load %arg7[%get3A_914, %get3A_915] {strides = array<i32>} : memref<32x128xf32, #tpu.memory_space<vmem>>, vector<1x16xf32>,
      %get3A_917 = vector.shape_cast %get3A_916 : vector<1x16xf32> to vector<16xf32>
      %add3A_918 = arith.addf %add3A_912, %get3A_917 : vector<16xf32>
      %get3A_919 = arith.constant 21 : i32
      %get3A_920 = arith.index_cast %get3A_919 : i32 to index
      %get3A_921 = arith.constant 48 : index
      %get3A_922 = tpu.vector_load %arg7[%get3A_920, %get3A_921] {strides = array<i32>} : memref<32x128xf32, #tpu.memory_space<vmem>>, vector<1x16xf32>,
      %get3A_923 = vector.shape_cast %get3A_922 : vector<1x16xf32> to vector<16xf32>
      %add3A_924 = arith.addf %add3A_918, %get3A_923 : vector<16xf32>
      %get3A_925 = arith.constant 22 : i32
      %get3A_926 = arith.index_cast %get3A_925 : i32 to index
      %get3A_927 = arith.constant 48 : index
      %get3A_928 = tpu.vector_load %arg7[%get3A_926, %get3A_927] {strides = array<i32>} : memref<32x128xf32, #tpu.memory_space<vmem>>, vector<1x16xf32>,
      %get3A_929 = vector.shape_cast %get3A_928 : vector<1x16xf32> to vector<16xf32>
      %add3A_930 = arith.addf %add3A_924, %get3A_929 : vector<16xf32>
      %get3A_931 = arith.constant 23 : i32
      %get3A_932 = arith.index_cast %get3A_931 : i32 to index
      %get3A_933 = arith.constant 48 : index
      %get3A_934 = tpu.vector_load %arg7[%get3A_932, %get3A_933] {strides = array<i32>} : memref<32x128xf32, #tpu.memory_space<vmem>>, vector<1x16xf32>,
      %get3A_935 = vector.shape_cast %get3A_934 : vector<1x16xf32> to vector<16xf32>
      %add3A_936 = arith.addf %add3A_930, %get3A_935 : vector<16xf32>
      %swap3A_937 = arith.constant 2 : i32
      %swap3A_938 = arith.index_cast %swap3A_937 : i32 to index
      %swap3A_939 = arith.constant 48 : index
      %swap3A_940 = tpu.vector_load %arg8[%swap3A_938, %swap3A_939] {strides = array<i32>} : memref<4x128xf32, #tpu.memory_space<vmem>>, vector<1x16xf32>,
      %swap3A_941 = vector.shape_cast %swap3A_940 : vector<1x16xf32> to vector<16xf32>
      %swap3A_942 = vector.shape_cast %add3A_936 : vector<16xf32> to vector<1x16xf32>
      tpu.vector_store %arg8[%swap3A_938, %swap3A_939], %swap3A_942 {strides = array<i32>} : memref<4x128xf32, #tpu.memory_space<vmem>>, vector<1x16xf32>,
      %get3A_943 = arith.constant 24 : i32
      %get3A_944 = arith.index_cast %get3A_943 : i32 to index
      %get3A_945 = arith.constant 48 : index
      %get3A_946 = tpu.vector_load %arg7[%get3A_944, %get3A_945] {strides = array<i32>} : memref<32x128xf32, #tpu.memory_space<vmem>>, vector<1x16xf32>,
      %get3A_947 = vector.shape_cast %get3A_946 : vector<1x16xf32> to vector<16xf32>
      %get3A_948 = arith.constant 25 : i32
      %get3A_949 = arith.index_cast %get3A_948 : i32 to index
      %get3A_950 = arith.constant 48 : index
      %get3A_951 = tpu.vector_load %arg7[%get3A_949, %get3A_950] {strides = array<i32>} : memref<32x128xf32, #tpu.memory_space<vmem>>, vector<1x16xf32>,
      %get3A_952 = vector.shape_cast %get3A_951 : vector<1x16xf32> to vector<16xf32>
      %add3A_953 = arith.addf %get3A_947, %get3A_952 : vector<16xf32>
      %get3A_954 = arith.constant 26 : i32
      %get3A_955 = arith.index_cast %get3A_954 : i32 to index
      %get3A_956 = arith.constant 48 : index
      %get3A_957 = tpu.vector_load %arg7[%get3A_955, %get3A_956] {strides = array<i32>} : memref<32x128xf32, #tpu.memory_space<vmem>>, vector<1x16xf32>,
      %get3A_958 = vector.shape_cast %get3A_957 : vector<1x16xf32> to vector<16xf32>
      %add3A_959 = arith.addf %add3A_953, %get3A_958 : vector<16xf32>
      %get3A_960 = arith.constant 27 : i32
      %get3A_961 = arith.index_cast %get3A_960 : i32 to index
      %get3A_962 = arith.constant 48 : index
      %get3A_963 = tpu.vector_load %arg7[%get3A_961, %get3A_962] {strides = array<i32>} : memref<32x128xf32, #tpu.memory_space<vmem>>, vector<1x16xf32>,
      %get3A_964 = vector.shape_cast %get3A_963 : vector<1x16xf32> to vector<16xf32>
      %add3A_965 = arith.addf %add3A_959, %get3A_964 : vector<16xf32>
      %get3A_966 = arith.constant 28 : i32
      %get3A_967 = arith.index_cast %get3A_966 : i32 to index
      %get3A_968 = arith.constant 48 : index
      %get3A_969 = tpu.vector_load %arg7[%get3A_967, %get3A_968] {strides = array<i32>} : memref<32x128xf32, #tpu.memory_space<vmem>>, vector<1x16xf32>,
      %get3A_970 = vector.shape_cast %get3A_969 : vector<1x16xf32> to vector<16xf32>
      %add3A_971 = arith.addf %add3A_965, %get3A_970 : vector<16xf32>
      %get3A_972 = arith.constant 29 : i32
      %get3A_973 = arith.index_cast %get3A_972 : i32 to index
      %get3A_974 = arith.constant 48 : index
      %get3A_975 = tpu.vector_load %arg7[%get3A_973, %get3A_974] {strides = array<i32>} : memref<32x128xf32, #tpu.memory_space<vmem>>, vector<1x16xf32>,
      %get3A_976 = vector.shape_cast %get3A_975 : vector<1x16xf32> to vector<16xf32>
      %add3A_977 = arith.addf %add3A_971, %get3A_976 : vector<16xf32>
      %get3A_978 = arith.constant 30 : i32
      %get3A_979 = arith.index_cast %get3A_978 : i32 to index
      %get3A_980 = arith.constant 48 : index
      %get3A_981 = tpu.vector_load %arg7[%get3A_979, %get3A_980] {strides = array<i32>} : memref<32x128xf32, #tpu.memory_space<vmem>>, vector<1x16xf32>,
      %get3A_982 = vector.shape_cast %get3A_981 : vector<1x16xf32> to vector<16xf32>
      %add3A_983 = arith.addf %add3A_977, %get3A_982 : vector<16xf32>
      %get3A_984 = arith.constant 31 : i32
      %get3A_985 = arith.index_cast %get3A_984 : i32 to index
      %get3A_986 = arith.constant 48 : index
      %get3A_987 = tpu.vector_load %arg7[%get3A_985, %get3A_986] {strides = array<i32>} : memref<32x128xf32, #tpu.memory_space<vmem>>, vector<1x16xf32>,
      %get3A_988 = vector.shape_cast %get3A_987 : vector<1x16xf32> to vector<16xf32>
      %add3A_989 = arith.addf %add3A_983, %get3A_988 : vector<16xf32>
      %swap3A_990 = arith.constant 3 : i32
      %swap3A_991 = arith.index_cast %swap3A_990 : i32 to index
      %swap3A_992 = arith.constant 48 : index
      %swap3A_993 = tpu.vector_load %arg8[%swap3A_991, %swap3A_992] {strides = array<i32>} : memref<4x128xf32, #tpu.memory_space<vmem>>, vector<1x16xf32>,
      %swap3A_994 = vector.shape_cast %swap3A_993 : vector<1x16xf32> to vector<16xf32>
      %swap3A_995 = vector.shape_cast %add3A_989 : vector<16xf32> to vector<1x16xf32>
      tpu.vector_store %arg8[%swap3A_991, %swap3A_992], %swap3A_995 {strides = array<i32>} : memref<4x128xf32, #tpu.memory_space<vmem>>, vector<1x16xf32>,
      %get3A_996 = arith.constant 0 : i32
      %get3A_997 = arith.index_cast %get3A_996 : i32 to index
      %get3A_998 = arith.constant 64 : index
      %get3A_999 = tpu.vector_load %arg7[%get3A_997, %get3A_998] {strides = array<i32>} : memref<32x128xf32, #tpu.memory_space<vmem>>, vector<1x16xf32>,
      %get3A_1000 = vector.shape_cast %get3A_999 : vector<1x16xf32> to vector<16xf32>
      %get3A_1001 = arith.constant 1 : i32
      %get3A_1002 = arith.index_cast %get3A_1001 : i32 to index
      %get3A_1003 = arith.constant 64 : index
      %get3A_1004 = tpu.vector_load %arg7[%get3A_1002, %get3A_1003] {strides = array<i32>} : memref<32x128xf32, #tpu.memory_space<vmem>>, vector<1x16xf32>,
      %get3A_1005 = vector.shape_cast %get3A_1004 : vector<1x16xf32> to vector<16xf32>
      %add3A_1006 = arith.addf %get3A_1000, %get3A_1005 : vector<16xf32>
      %get3A_1007 = arith.constant 2 : i32
      %get3A_1008 = arith.index_cast %get3A_1007 : i32 to index
      %get3A_1009 = arith.constant 64 : index
      %get3A_1010 = tpu.vector_load %arg7[%get3A_1008, %get3A_1009] {strides = array<i32>} : memref<32x128xf32, #tpu.memory_space<vmem>>, vector<1x16xf32>,
      %get3A_1011 = vector.shape_cast %get3A_1010 : vector<1x16xf32> to vector<16xf32>
      %add3A_1012 = arith.addf %add3A_1006, %get3A_1011 : vector<16xf32>
      %get3A_1013 = arith.constant 3 : i32
      %get3A_1014 = arith.index_cast %get3A_1013 : i32 to index
      %get3A_1015 = arith.constant 64 : index
      %get3A_1016 = tpu.vector_load %arg7[%get3A_1014, %get3A_1015] {strides = array<i32>} : memref<32x128xf32, #tpu.memory_space<vmem>>, vector<1x16xf32>,
      %get3A_1017 = vector.shape_cast %get3A_1016 : vector<1x16xf32> to vector<16xf32>
      %add3A_1018 = arith.addf %add3A_1012, %get3A_1017 : vector<16xf32>
      %get3A_1019 = arith.constant 4 : i32
      %get3A_1020 = arith.index_cast %get3A_1019 : i32 to index
      %get3A_1021 = arith.constant 64 : index
      %get3A_1022 = tpu.vector_load %arg7[%get3A_1020, %get3A_1021] {strides = array<i32>} : memref<32x128xf32, #tpu.memory_space<vmem>>, vector<1x16xf32>,
      %get3A_1023 = vector.shape_cast %get3A_1022 : vector<1x16xf32> to vector<16xf32>
      %add3A_1024 = arith.addf %add3A_1018, %get3A_1023 : vector<16xf32>
      %get3A_1025 = arith.constant 5 : i32
      %get3A_1026 = arith.index_cast %get3A_1025 : i32 to index
      %get3A_1027 = arith.constant 64 : index
      %get3A_1028 = tpu.vector_load %arg7[%get3A_1026, %get3A_1027] {strides = array<i32>} : memref<32x128xf32, #tpu.memory_space<vmem>>, vector<1x16xf32>,
      %get3A_1029 = vector.shape_cast %get3A_1028 : vector<1x16xf32> to vector<16xf32>
      %add3A_1030 = arith.addf %add3A_1024, %get3A_1029 : vector<16xf32>
      %get3A_1031 = arith.constant 6 : i32
      %get3A_1032 = arith.index_cast %get3A_1031 : i32 to index
      %get3A_1033 = arith.constant 64 : index
      %get3A_1034 = tpu.vector_load %arg7[%get3A_1032, %get3A_1033] {strides = array<i32>} : memref<32x128xf32, #tpu.memory_space<vmem>>, vector<1x16xf32>,
      %get3A_1035 = vector.shape_cast %get3A_1034 : vector<1x16xf32> to vector<16xf32>
      %add3A_1036 = arith.addf %add3A_1030, %get3A_1035 : vector<16xf32>
      %get3A_1037 = arith.constant 7 : i32
      %get3A_1038 = arith.index_cast %get3A_1037 : i32 to index
      %get3A_1039 = arith.constant 64 : index
      %get3A_1040 = tpu.vector_load %arg7[%get3A_1038, %get3A_1039] {strides = array<i32>} : memref<32x128xf32, #tpu.memory_space<vmem>>, vector<1x16xf32>,
      %get3A_1041 = vector.shape_cast %get3A_1040 : vector<1x16xf32> to vector<16xf32>
      %add3A_1042 = arith.addf %add3A_1036, %get3A_1041 : vector<16xf32>
      %swap3A_1043 = arith.constant 0 : i32
      %swap3A_1044 = arith.index_cast %swap3A_1043 : i32 to index
      %swap3A_1045 = arith.constant 64 : index
      %swap3A_1046 = tpu.vector_load %arg8[%swap3A_1044, %swap3A_1045] {strides = array<i32>} : memref<4x128xf32, #tpu.memory_space<vmem>>, vector<1x16xf32>,
      %swap3A_1047 = vector.shape_cast %swap3A_1046 : vector<1x16xf32> to vector<16xf32>
      %swap3A_1048 = vector.shape_cast %add3A_1042 : vector<16xf32> to vector<1x16xf32>
      tpu.vector_store %arg8[%swap3A_1044, %swap3A_1045], %swap3A_1048 {strides = array<i32>} : memref<4x128xf32, #tpu.memory_space<vmem>>, vector<1x16xf32>,
      %get3A_1049 = arith.constant 8 : i32
      %get3A_1050 = arith.index_cast %get3A_1049 : i32 to index
      %get3A_1051 = arith.constant 64 : index
      %get3A_1052 = tpu.vector_load %arg7[%get3A_1050, %get3A_1051] {strides = array<i32>} : memref<32x128xf32, #tpu.memory_space<vmem>>, vector<1x16xf32>,
      %get3A_1053 = vector.shape_cast %get3A_1052 : vector<1x16xf32> to vector<16xf32>
      %get3A_1054 = arith.constant 9 : i32
      %get3A_1055 = arith.index_cast %get3A_1054 : i32 to index
      %get3A_1056 = arith.constant 64 : index
      %get3A_1057 = tpu.vector_load %arg7[%get3A_1055, %get3A_1056] {strides = array<i32>} : memref<32x128xf32, #tpu.memory_space<vmem>>, vector<1x16xf32>,
      %get3A_1058 = vector.shape_cast %get3A_1057 : vector<1x16xf32> to vector<16xf32>
      %add3A_1059 = arith.addf %get3A_1053, %get3A_1058 : vector<16xf32>
      %get3A_1060 = arith.constant 10 : i32
      %get3A_1061 = arith.index_cast %get3A_1060 : i32 to index
      %get3A_1062 = arith.constant 64 : index
      %get3A_1063 = tpu.vector_load %arg7[%get3A_1061, %get3A_1062] {strides = array<i32>} : memref<32x128xf32, #tpu.memory_space<vmem>>, vector<1x16xf32>,
      %get3A_1064 = vector.shape_cast %get3A_1063 : vector<1x16xf32> to vector<16xf32>
      %add3A_1065 = arith.addf %add3A_1059, %get3A_1064 : vector<16xf32>
      %get3A_1066 = arith.constant 11 : i32
      %get3A_1067 = arith.index_cast %get3A_1066 : i32 to index
      %get3A_1068 = arith.constant 64 : index
      %get3A_1069 = tpu.vector_load %arg7[%get3A_1067, %get3A_1068] {strides = array<i32>} : memref<32x128xf32, #tpu.memory_space<vmem>>, vector<1x16xf32>,
      %get3A_1070 = vector.shape_cast %get3A_1069 : vector<1x16xf32> to vector<16xf32>
      %add3A_1071 = arith.addf %add3A_1065, %get3A_1070 : vector<16xf32>
      %get3A_1072 = arith.constant 12 : i32
      %get3A_1073 = arith.index_cast %get3A_1072 : i32 to index
      %get3A_1074 = arith.constant 64 : index
      %get3A_1075 = tpu.vector_load %arg7[%get3A_1073, %get3A_1074] {strides = array<i32>} : memref<32x128xf32, #tpu.memory_space<vmem>>, vector<1x16xf32>,
      %get3A_1076 = vector.shape_cast %get3A_1075 : vector<1x16xf32> to vector<16xf32>
      %add3A_1077 = arith.addf %add3A_1071, %get3A_1076 : vector<16xf32>
      %get3A_1078 = arith.constant 13 : i32
      %get3A_1079 = arith.index_cast %get3A_1078 : i32 to index
      %get3A_1080 = arith.constant 64 : index
      %get3A_1081 = tpu.vector_load %arg7[%get3A_1079, %get3A_1080] {strides = array<i32>} : memref<32x128xf32, #tpu.memory_space<vmem>>, vector<1x16xf32>,
      %get3A_1082 = vector.shape_cast %get3A_1081 : vector<1x16xf32> to vector<16xf32>
      %add3A_1083 = arith.addf %add3A_1077, %get3A_1082 : vector<16xf32>
      %get3A_1084 = arith.constant 14 : i32
      %get3A_1085 = arith.index_cast %get3A_1084 : i32 to index
      %get3A_1086 = arith.constant 64 : index
      %get3A_1087 = tpu.vector_load %arg7[%get3A_1085, %get3A_1086] {strides = array<i32>} : memref<32x128xf32, #tpu.memory_space<vmem>>, vector<1x16xf32>,
      %get3A_1088 = vector.shape_cast %get3A_1087 : vector<1x16xf32> to vector<16xf32>
      %add3A_1089 = arith.addf %add3A_1083, %get3A_1088 : vector<16xf32>
      %get3A_1090 = arith.constant 15 : i32
      %get3A_1091 = arith.index_cast %get3A_1090 : i32 to index
      %get3A_1092 = arith.constant 64 : index
      %get3A_1093 = tpu.vector_load %arg7[%get3A_1091, %get3A_1092] {strides = array<i32>} : memref<32x128xf32, #tpu.memory_space<vmem>>, vector<1x16xf32>,
      %get3A_1094 = vector.shape_cast %get3A_1093 : vector<1x16xf32> to vector<16xf32>
      %add3A_1095 = arith.addf %add3A_1089, %get3A_1094 : vector<16xf32>
      %swap3A_1096 = arith.constant 1 : i32
      %swap3A_1097 = arith.index_cast %swap3A_1096 : i32 to index
      %swap3A_1098 = arith.constant 64 : index
      %swap3A_1099 = tpu.vector_load %arg8[%swap3A_1097, %swap3A_1098] {strides = array<i32>} : memref<4x128xf32, #tpu.memory_space<vmem>>, vector<1x16xf32>,
      %swap3A_1100 = vector.shape_cast %swap3A_1099 : vector<1x16xf32> to vector<16xf32>
      %swap3A_1101 = vector.shape_cast %add3A_1095 : vector<16xf32> to vector<1x16xf32>
      tpu.vector_store %arg8[%swap3A_1097, %swap3A_1098], %swap3A_1101 {strides = array<i32>} : memref<4x128xf32, #tpu.memory_space<vmem>>, vector<1x16xf32>,
      %get3A_1102 = arith.constant 16 : i32
      %get3A_1103 = arith.index_cast %get3A_1102 : i32 to index
      %get3A_1104 = arith.constant 64 : index
      %get3A_1105 = tpu.vector_load %arg7[%get3A_1103, %get3A_1104] {strides = array<i32>} : memref<32x128xf32, #tpu.memory_space<vmem>>, vector<1x16xf32>,
      %get3A_1106 = vector.shape_cast %get3A_1105 : vector<1x16xf32> to vector<16xf32>
      %get3A_1107 = arith.constant 17 : i32
      %get3A_1108 = arith.index_cast %get3A_1107 : i32 to index
      %get3A_1109 = arith.constant 64 : index
      %get3A_1110 = tpu.vector_load %arg7[%get3A_1108, %get3A_1109] {strides = array<i32>} : memref<32x128xf32, #tpu.memory_space<vmem>>, vector<1x16xf32>,
      %get3A_1111 = vector.shape_cast %get3A_1110 : vector<1x16xf32> to vector<16xf32>
      %add3A_1112 = arith.addf %get3A_1106, %get3A_1111 : vector<16xf32>
      %get3A_1113 = arith.constant 18 : i32
      %get3A_1114 = arith.index_cast %get3A_1113 : i32 to index
      %get3A_1115 = arith.constant 64 : index
      %get3A_1116 = tpu.vector_load %arg7[%get3A_1114, %get3A_1115] {strides = array<i32>} : memref<32x128xf32, #tpu.memory_space<vmem>>, vector<1x16xf32>,
      %get3A_1117 = vector.shape_cast %get3A_1116 : vector<1x16xf32> to vector<16xf32>
      %add3A_1118 = arith.addf %add3A_1112, %get3A_1117 : vector<16xf32>
      %get3A_1119 = arith.constant 19 : i32
      %get3A_1120 = arith.index_cast %get3A_1119 : i32 to index
      %get3A_1121 = arith.constant 64 : index
      %get3A_1122 = tpu.vector_load %arg7[%get3A_1120, %get3A_1121] {strides = array<i32>} : memref<32x128xf32, #tpu.memory_space<vmem>>, vector<1x16xf32>,
      %get3A_1123 = vector.shape_cast %get3A_1122 : vector<1x16xf32> to vector<16xf32>
      %add3A_1124 = arith.addf %add3A_1118, %get3A_1123 : vector<16xf32>
      %get3A_1125 = arith.constant 20 : i32
      %get3A_1126 = arith.index_cast %get3A_1125 : i32 to index
      %get3A_1127 = arith.constant 64 : index
      %get3A_1128 = tpu.vector_load %arg7[%get3A_1126, %get3A_1127] {strides = array<i32>} : memref<32x128xf32, #tpu.memory_space<vmem>>, vector<1x16xf32>,
      %get3A_1129 = vector.shape_cast %get3A_1128 : vector<1x16xf32> to vector<16xf32>
      %add3A_1130 = arith.addf %add3A_1124, %get3A_1129 : vector<16xf32>
      %get3A_1131 = arith.constant 21 : i32
      %get3A_1132 = arith.index_cast %get3A_1131 : i32 to index
      %get3A_1133 = arith.constant 64 : index
      %get3A_1134 = tpu.vector_load %arg7[%get3A_1132, %get3A_1133] {strides = array<i32>} : memref<32x128xf32, #tpu.memory_space<vmem>>, vector<1x16xf32>,
      %get3A_1135 = vector.shape_cast %get3A_1134 : vector<1x16xf32> to vector<16xf32>
      %add3A_1136 = arith.addf %add3A_1130, %get3A_1135 : vector<16xf32>
      %get3A_1137 = arith.constant 22 : i32
      %get3A_1138 = arith.index_cast %get3A_1137 : i32 to index
      %get3A_1139 = arith.constant 64 : index
      %get3A_1140 = tpu.vector_load %arg7[%get3A_1138, %get3A_1139] {strides = array<i32>} : memref<32x128xf32, #tpu.memory_space<vmem>>, vector<1x16xf32>,
      %get3A_1141 = vector.shape_cast %get3A_1140 : vector<1x16xf32> to vector<16xf32>
      %add3A_1142 = arith.addf %add3A_1136, %get3A_1141 : vector<16xf32>
      %get3A_1143 = arith.constant 23 : i32
      %get3A_1144 = arith.index_cast %get3A_1143 : i32 to index
      %get3A_1145 = arith.constant 64 : index
      %get3A_1146 = tpu.vector_load %arg7[%get3A_1144, %get3A_1145] {strides = array<i32>} : memref<32x128xf32, #tpu.memory_space<vmem>>, vector<1x16xf32>,
      %get3A_1147 = vector.shape_cast %get3A_1146 : vector<1x16xf32> to vector<16xf32>
      %add3A_1148 = arith.addf %add3A_1142, %get3A_1147 : vector<16xf32>
      %swap3A_1149 = arith.constant 2 : i32
      %swap3A_1150 = arith.index_cast %swap3A_1149 : i32 to index
      %swap3A_1151 = arith.constant 64 : index
      %swap3A_1152 = tpu.vector_load %arg8[%swap3A_1150, %swap3A_1151] {strides = array<i32>} : memref<4x128xf32, #tpu.memory_space<vmem>>, vector<1x16xf32>,
      %swap3A_1153 = vector.shape_cast %swap3A_1152 : vector<1x16xf32> to vector<16xf32>
      %swap3A_1154 = vector.shape_cast %add3A_1148 : vector<16xf32> to vector<1x16xf32>
      tpu.vector_store %arg8[%swap3A_1150, %swap3A_1151], %swap3A_1154 {strides = array<i32>} : memref<4x128xf32, #tpu.memory_space<vmem>>, vector<1x16xf32>,
      %get3A_1155 = arith.constant 24 : i32
      %get3A_1156 = arith.index_cast %get3A_1155 : i32 to index
      %get3A_1157 = arith.constant 64 : index
      %get3A_1158 = tpu.vector_load %arg7[%get3A_1156, %get3A_1157] {strides = array<i32>} : memref<32x128xf32, #tpu.memory_space<vmem>>, vector<1x16xf32>,
      %get3A_1159 = vector.shape_cast %get3A_1158 : vector<1x16xf32> to vector<16xf32>
      %get3A_1160 = arith.constant 25 : i32
      %get3A_1161 = arith.index_cast %get3A_1160 : i32 to index
      %get3A_1162 = arith.constant 64 : index
      %get3A_1163 = tpu.vector_load %arg7[%get3A_1161, %get3A_1162] {strides = array<i32>} : memref<32x128xf32, #tpu.memory_space<vmem>>, vector<1x16xf32>,
      %get3A_1164 = vector.shape_cast %get3A_1163 : vector<1x16xf32> to vector<16xf32>
      %add3A_1165 = arith.addf %get3A_1159, %get3A_1164 : vector<16xf32>
      %get3A_1166 = arith.constant 26 : i32
      %get3A_1167 = arith.index_cast %get3A_1166 : i32 to index
      %get3A_1168 = arith.constant 64 : index
      %get3A_1169 = tpu.vector_load %arg7[%get3A_1167, %get3A_1168] {strides = array<i32>} : memref<32x128xf32, #tpu.memory_space<vmem>>, vector<1x16xf32>,
      %get3A_1170 = vector.shape_cast %get3A_1169 : vector<1x16xf32> to vector<16xf32>
      %add3A_1171 = arith.addf %add3A_1165, %get3A_1170 : vector<16xf32>
      %get3A_1172 = arith.constant 27 : i32
      %get3A_1173 = arith.index_cast %get3A_1172 : i32 to index
      %get3A_1174 = arith.constant 64 : index
      %get3A_1175 = tpu.vector_load %arg7[%get3A_1173, %get3A_1174] {strides = array<i32>} : memref<32x128xf32, #tpu.memory_space<vmem>>, vector<1x16xf32>,
      %get3A_1176 = vector.shape_cast %get3A_1175 : vector<1x16xf32> to vector<16xf32>
      %add3A_1177 = arith.addf %add3A_1171, %get3A_1176 : vector<16xf32>
      %get3A_1178 = arith.constant 28 : i32
      %get3A_1179 = arith.index_cast %get3A_1178 : i32 to index
      %get3A_1180 = arith.constant 64 : index
      %get3A_1181 = tpu.vector_load %arg7[%get3A_1179, %get3A_1180] {strides = array<i32>} : memref<32x128xf32, #tpu.memory_space<vmem>>, vector<1x16xf32>,
      %get3A_1182 = vector.shape_cast %get3A_1181 : vector<1x16xf32> to vector<16xf32>
      %add3A_1183 = arith.addf %add3A_1177, %get3A_1182 : vector<16xf32>
      %get3A_1184 = arith.constant 29 : i32
      %get3A_1185 = arith.index_cast %get3A_1184 : i32 to index
      %get3A_1186 = arith.constant 64 : index
      %get3A_1187 = tpu.vector_load %arg7[%get3A_1185, %get3A_1186] {strides = array<i32>} : memref<32x128xf32, #tpu.memory_space<vmem>>, vector<1x16xf32>,
      %get3A_1188 = vector.shape_cast %get3A_1187 : vector<1x16xf32> to vector<16xf32>
      %add3A_1189 = arith.addf %add3A_1183, %get3A_1188 : vector<16xf32>
      %get3A_1190 = arith.constant 30 : i32
      %get3A_1191 = arith.index_cast %get3A_1190 : i32 to index
      %get3A_1192 = arith.constant 64 : index
      %get3A_1193 = tpu.vector_load %arg7[%get3A_1191, %get3A_1192] {strides = array<i32>} : memref<32x128xf32, #tpu.memory_space<vmem>>, vector<1x16xf32>,
      %get3A_1194 = vector.shape_cast %get3A_1193 : vector<1x16xf32> to vector<16xf32>
      %add3A_1195 = arith.addf %add3A_1189, %get3A_1194 : vector<16xf32>
      %get3A_1196 = arith.constant 31 : i32
      %get3A_1197 = arith.index_cast %get3A_1196 : i32 to index
      %get3A_1198 = arith.constant 64 : index
      %get3A_1199 = tpu.vector_load %arg7[%get3A_1197, %get3A_1198] {strides = array<i32>} : memref<32x128xf32, #tpu.memory_space<vmem>>, vector<1x16xf32>,
      %get3A_1200 = vector.shape_cast %get3A_1199 : vector<1x16xf32> to vector<16xf32>
      %add3A_1201 = arith.addf %add3A_1195, %get3A_1200 : vector<16xf32>
      %swap3A_1202 = arith.constant 3 : i32
      %swap3A_1203 = arith.index_cast %swap3A_1202 : i32 to index
      %swap3A_1204 = arith.constant 64 : index
      %swap3A_1205 = tpu.vector_load %arg8[%swap3A_1203, %swap3A_1204] {strides = array<i32>} : memref<4x128xf32, #tpu.memory_space<vmem>>, vector<1x16xf32>,
      %swap3A_1206 = vector.shape_cast %swap3A_1205 : vector<1x16xf32> to vector<16xf32>
      %swap3A_1207 = vector.shape_cast %add3A_1201 : vector<16xf32> to vector<1x16xf32>
      tpu.vector_store %arg8[%swap3A_1203, %swap3A_1204], %swap3A_1207 {strides = array<i32>} : memref<4x128xf32, #tpu.memory_space<vmem>>, vector<1x16xf32>,
      %get3A_1208 = arith.constant 0 : i32
      %get3A_1209 = arith.index_cast %get3A_1208 : i32 to index
      %get3A_1210 = arith.constant 80 : index
      %get3A_1211 = tpu.vector_load %arg7[%get3A_1209, %get3A_1210] {strides = array<i32>} : memref<32x128xf32, #tpu.memory_space<vmem>>, vector<1x16xf32>,
      %get3A_1212 = vector.shape_cast %get3A_1211 : vector<1x16xf32> to vector<16xf32>
      %get3A_1213 = arith.constant 1 : i32
      %get3A_1214 = arith.index_cast %get3A_1213 : i32 to index
      %get3A_1215 = arith.constant 80 : index
      %get3A_1216 = tpu.vector_load %arg7[%get3A_1214, %get3A_1215] {strides = array<i32>} : memref<32x128xf32, #tpu.memory_space<vmem>>, vector<1x16xf32>,
      %get3A_1217 = vector.shape_cast %get3A_1216 : vector<1x16xf32> to vector<16xf32>
      %add3A_1218 = arith.addf %get3A_1212, %get3A_1217 : vector<16xf32>
      %get3A_1219 = arith.constant 2 : i32
      %get3A_1220 = arith.index_cast %get3A_1219 : i32 to index
      %get3A_1221 = arith.constant 80 : index
      %get3A_1222 = tpu.vector_load %arg7[%get3A_1220, %get3A_1221] {strides = array<i32>} : memref<32x128xf32, #tpu.memory_space<vmem>>, vector<1x16xf32>,
      %get3A_1223 = vector.shape_cast %get3A_1222 : vector<1x16xf32> to vector<16xf32>
      %add3A_1224 = arith.addf %add3A_1218, %get3A_1223 : vector<16xf32>
      %get3A_1225 = arith.constant 3 : i32
      %get3A_1226 = arith.index_cast %get3A_1225 : i32 to index
      %get3A_1227 = arith.constant 80 : index
      %get3A_1228 = tpu.vector_load %arg7[%get3A_1226, %get3A_1227] {strides = array<i32>} : memref<32x128xf32, #tpu.memory_space<vmem>>, vector<1x16xf32>,
      %get3A_1229 = vector.shape_cast %get3A_1228 : vector<1x16xf32> to vector<16xf32>
      %add3A_1230 = arith.addf %add3A_1224, %get3A_1229 : vector<16xf32>
      %get3A_1231 = arith.constant 4 : i32
      %get3A_1232 = arith.index_cast %get3A_1231 : i32 to index
      %get3A_1233 = arith.constant 80 : index
      %get3A_1234 = tpu.vector_load %arg7[%get3A_1232, %get3A_1233] {strides = array<i32>} : memref<32x128xf32, #tpu.memory_space<vmem>>, vector<1x16xf32>,
      %get3A_1235 = vector.shape_cast %get3A_1234 : vector<1x16xf32> to vector<16xf32>
      %add3A_1236 = arith.addf %add3A_1230, %get3A_1235 : vector<16xf32>
      %get3A_1237 = arith.constant 5 : i32
      %get3A_1238 = arith.index_cast %get3A_1237 : i32 to index
      %get3A_1239 = arith.constant 80 : index
      %get3A_1240 = tpu.vector_load %arg7[%get3A_1238, %get3A_1239] {strides = array<i32>} : memref<32x128xf32, #tpu.memory_space<vmem>>, vector<1x16xf32>,
      %get3A_1241 = vector.shape_cast %get3A_1240 : vector<1x16xf32> to vector<16xf32>
      %add3A_1242 = arith.addf %add3A_1236, %get3A_1241 : vector<16xf32>
      %get3A_1243 = arith.constant 6 : i32
      %get3A_1244 = arith.index_cast %get3A_1243 : i32 to index
      %get3A_1245 = arith.constant 80 : index
      %get3A_1246 = tpu.vector_load %arg7[%get3A_1244, %get3A_1245] {strides = array<i32>} : memref<32x128xf32, #tpu.memory_space<vmem>>, vector<1x16xf32>,
      %get3A_1247 = vector.shape_cast %get3A_1246 : vector<1x16xf32> to vector<16xf32>
      %add3A_1248 = arith.addf %add3A_1242, %get3A_1247 : vector<16xf32>
      %get3A_1249 = arith.constant 7 : i32
      %get3A_1250 = arith.index_cast %get3A_1249 : i32 to index
      %get3A_1251 = arith.constant 80 : index
      %get3A_1252 = tpu.vector_load %arg7[%get3A_1250, %get3A_1251] {strides = array<i32>} : memref<32x128xf32, #tpu.memory_space<vmem>>, vector<1x16xf32>,
      %get3A_1253 = vector.shape_cast %get3A_1252 : vector<1x16xf32> to vector<16xf32>
      %add3A_1254 = arith.addf %add3A_1248, %get3A_1253 : vector<16xf32>
      %swap3A_1255 = arith.constant 0 : i32
      %swap3A_1256 = arith.index_cast %swap3A_1255 : i32 to index
      %swap3A_1257 = arith.constant 80 : index
      %swap3A_1258 = tpu.vector_load %arg8[%swap3A_1256, %swap3A_1257] {strides = array<i32>} : memref<4x128xf32, #tpu.memory_space<vmem>>, vector<1x16xf32>,
      %swap3A_1259 = vector.shape_cast %swap3A_1258 : vector<1x16xf32> to vector<16xf32>
      %swap3A_1260 = vector.shape_cast %add3A_1254 : vector<16xf32> to vector<1x16xf32>
      tpu.vector_store %arg8[%swap3A_1256, %swap3A_1257], %swap3A_1260 {strides = array<i32>} : memref<4x128xf32, #tpu.memory_space<vmem>>, vector<1x16xf32>,
      %get3A_1261 = arith.constant 8 : i32
      %get3A_1262 = arith.index_cast %get3A_1261 : i32 to index
      %get3A_1263 = arith.constant 80 : index
      %get3A_1264 = tpu.vector_load %arg7[%get3A_1262, %get3A_1263] {strides = array<i32>} : memref<32x128xf32, #tpu.memory_space<vmem>>, vector<1x16xf32>,
      %get3A_1265 = vector.shape_cast %get3A_1264 : vector<1x16xf32> to vector<16xf32>
      %get3A_1266 = arith.constant 9 : i32
      %get3A_1267 = arith.index_cast %get3A_1266 : i32 to index
      %get3A_1268 = arith.constant 80 : index
      %get3A_1269 = tpu.vector_load %arg7[%get3A_1267, %get3A_1268] {strides = array<i32>} : memref<32x128xf32, #tpu.memory_space<vmem>>, vector<1x16xf32>,
      %get3A_1270 = vector.shape_cast %get3A_1269 : vector<1x16xf32> to vector<16xf32>
      %add3A_1271 = arith.addf %get3A_1265, %get3A_1270 : vector<16xf32>
      %get3A_1272 = arith.constant 10 : i32
      %get3A_1273 = arith.index_cast %get3A_1272 : i32 to index
      %get3A_1274 = arith.constant 80 : index
      %get3A_1275 = tpu.vector_load %arg7[%get3A_1273, %get3A_1274] {strides = array<i32>} : memref<32x128xf32, #tpu.memory_space<vmem>>, vector<1x16xf32>,
      %get3A_1276 = vector.shape_cast %get3A_1275 : vector<1x16xf32> to vector<16xf32>
      %add3A_1277 = arith.addf %add3A_1271, %get3A_1276 : vector<16xf32>
      %get3A_1278 = arith.constant 11 : i32
      %get3A_1279 = arith.index_cast %get3A_1278 : i32 to index
      %get3A_1280 = arith.constant 80 : index
      %get3A_1281 = tpu.vector_load %arg7[%get3A_1279, %get3A_1280] {strides = array<i32>} : memref<32x128xf32, #tpu.memory_space<vmem>>, vector<1x16xf32>,
      %get3A_1282 = vector.shape_cast %get3A_1281 : vector<1x16xf32> to vector<16xf32>
      %add3A_1283 = arith.addf %add3A_1277, %get3A_1282 : vector<16xf32>
      %get3A_1284 = arith.constant 12 : i32
      %get3A_1285 = arith.index_cast %get3A_1284 : i32 to index
      %get3A_1286 = arith.constant 80 : index
      %get3A_1287 = tpu.vector_load %arg7[%get3A_1285, %get3A_1286] {strides = array<i32>} : memref<32x128xf32, #tpu.memory_space<vmem>>, vector<1x16xf32>,
      %get3A_1288 = vector.shape_cast %get3A_1287 : vector<1x16xf32> to vector<16xf32>
      %add3A_1289 = arith.addf %add3A_1283, %get3A_1288 : vector<16xf32>
      %get3A_1290 = arith.constant 13 : i32
      %get3A_1291 = arith.index_cast %get3A_1290 : i32 to index
      %get3A_1292 = arith.constant 80 : index
      %get3A_1293 = tpu.vector_load %arg7[%get3A_1291, %get3A_1292] {strides = array<i32>} : memref<32x128xf32, #tpu.memory_space<vmem>>, vector<1x16xf32>,
      %get3A_1294 = vector.shape_cast %get3A_1293 : vector<1x16xf32> to vector<16xf32>
      %add3A_1295 = arith.addf %add3A_1289, %get3A_1294 : vector<16xf32>
      %get3A_1296 = arith.constant 14 : i32
      %get3A_1297 = arith.index_cast %get3A_1296 : i32 to index
      %get3A_1298 = arith.constant 80 : index
      %get3A_1299 = tpu.vector_load %arg7[%get3A_1297, %get3A_1298] {strides = array<i32>} : memref<32x128xf32, #tpu.memory_space<vmem>>, vector<1x16xf32>,
      %get3A_1300 = vector.shape_cast %get3A_1299 : vector<1x16xf32> to vector<16xf32>
      %add3A_1301 = arith.addf %add3A_1295, %get3A_1300 : vector<16xf32>
      %get3A_1302 = arith.constant 15 : i32
      %get3A_1303 = arith.index_cast %get3A_1302 : i32 to index
      %get3A_1304 = arith.constant 80 : index
      %get3A_1305 = tpu.vector_load %arg7[%get3A_1303, %get3A_1304] {strides = array<i32>} : memref<32x128xf32, #tpu.memory_space<vmem>>, vector<1x16xf32>,
      %get3A_1306 = vector.shape_cast %get3A_1305 : vector<1x16xf32> to vector<16xf32>
      %add3A_1307 = arith.addf %add3A_1301, %get3A_1306 : vector<16xf32>
      %swap3A_1308 = arith.constant 1 : i32
      %swap3A_1309 = arith.index_cast %swap3A_1308 : i32 to index
      %swap3A_1310 = arith.constant 80 : index
      %swap3A_1311 = tpu.vector_load %arg8[%swap3A_1309, %swap3A_1310] {strides = array<i32>} : memref<4x128xf32, #tpu.memory_space<vmem>>, vector<1x16xf32>,
      %swap3A_1312 = vector.shape_cast %swap3A_1311 : vector<1x16xf32> to vector<16xf32>
      %swap3A_1313 = vector.shape_cast %add3A_1307 : vector<16xf32> to vector<1x16xf32>
      tpu.vector_store %arg8[%swap3A_1309, %swap3A_1310], %swap3A_1313 {strides = array<i32>} : memref<4x128xf32, #tpu.memory_space<vmem>>, vector<1x16xf32>,
      %get3A_1314 = arith.constant 16 : i32
      %get3A_1315 = arith.index_cast %get3A_1314 : i32 to index
      %get3A_1316 = arith.constant 80 : index
      %get3A_1317 = tpu.vector_load %arg7[%get3A_1315, %get3A_1316] {strides = array<i32>} : memref<32x128xf32, #tpu.memory_space<vmem>>, vector<1x16xf32>,
      %get3A_1318 = vector.shape_cast %get3A_1317 : vector<1x16xf32> to vector<16xf32>
      %get3A_1319 = arith.constant 17 : i32
      %get3A_1320 = arith.index_cast %get3A_1319 : i32 to index
      %get3A_1321 = arith.constant 80 : index
      %get3A_1322 = tpu.vector_load %arg7[%get3A_1320, %get3A_1321] {strides = array<i32>} : memref<32x128xf32, #tpu.memory_space<vmem>>, vector<1x16xf32>,
      %get3A_1323 = vector.shape_cast %get3A_1322 : vector<1x16xf32> to vector<16xf32>
      %add3A_1324 = arith.addf %get3A_1318, %get3A_1323 : vector<16xf32>
      %get3A_1325 = arith.constant 18 : i32
      %get3A_1326 = arith.index_cast %get3A_1325 : i32 to index
      %get3A_1327 = arith.constant 80 : index
      %get3A_1328 = tpu.vector_load %arg7[%get3A_1326, %get3A_1327] {strides = array<i32>} : memref<32x128xf32, #tpu.memory_space<vmem>>, vector<1x16xf32>,
      %get3A_1329 = vector.shape_cast %get3A_1328 : vector<1x16xf32> to vector<16xf32>
      %add3A_1330 = arith.addf %add3A_1324, %get3A_1329 : vector<16xf32>
      %get3A_1331 = arith.constant 19 : i32
      %get3A_1332 = arith.index_cast %get3A_1331 : i32 to index
      %get3A_1333 = arith.constant 80 : index
      %get3A_1334 = tpu.vector_load %arg7[%get3A_1332, %get3A_1333] {strides = array<i32>} : memref<32x128xf32, #tpu.memory_space<vmem>>, vector<1x16xf32>,
      %get3A_1335 = vector.shape_cast %get3A_1334 : vector<1x16xf32> to vector<16xf32>
      %add3A_1336 = arith.addf %add3A_1330, %get3A_1335 : vector<16xf32>
      %get3A_1337 = arith.constant 20 : i32
      %get3A_1338 = arith.index_cast %get3A_1337 : i32 to index
      %get3A_1339 = arith.constant 80 : index
      %get3A_1340 = tpu.vector_load %arg7[%get3A_1338, %get3A_1339] {strides = array<i32>} : memref<32x128xf32, #tpu.memory_space<vmem>>, vector<1x16xf32>,
      %get3A_1341 = vector.shape_cast %get3A_1340 : vector<1x16xf32> to vector<16xf32>
      %add3A_1342 = arith.addf %add3A_1336, %get3A_1341 : vector<16xf32>
      %get3A_1343 = arith.constant 21 : i32
      %get3A_1344 = arith.index_cast %get3A_1343 : i32 to index
      %get3A_1345 = arith.constant 80 : index
      %get3A_1346 = tpu.vector_load %arg7[%get3A_1344, %get3A_1345] {strides = array<i32>} : memref<32x128xf32, #tpu.memory_space<vmem>>, vector<1x16xf32>,
      %get3A_1347 = vector.shape_cast %get3A_1346 : vector<1x16xf32> to vector<16xf32>
      %add3A_1348 = arith.addf %add3A_1342, %get3A_1347 : vector<16xf32>
      %get3A_1349 = arith.constant 22 : i32
      %get3A_1350 = arith.index_cast %get3A_1349 : i32 to index
      %get3A_1351 = arith.constant 80 : index
      %get3A_1352 = tpu.vector_load %arg7[%get3A_1350, %get3A_1351] {strides = array<i32>} : memref<32x128xf32, #tpu.memory_space<vmem>>, vector<1x16xf32>,
      %get3A_1353 = vector.shape_cast %get3A_1352 : vector<1x16xf32> to vector<16xf32>
      %add3A_1354 = arith.addf %add3A_1348, %get3A_1353 : vector<16xf32>
      %get3A_1355 = arith.constant 23 : i32
      %get3A_1356 = arith.index_cast %get3A_1355 : i32 to index
      %get3A_1357 = arith.constant 80 : index
      %get3A_1358 = tpu.vector_load %arg7[%get3A_1356, %get3A_1357] {strides = array<i32>} : memref<32x128xf32, #tpu.memory_space<vmem>>, vector<1x16xf32>,
      %get3A_1359 = vector.shape_cast %get3A_1358 : vector<1x16xf32> to vector<16xf32>
      %add3A_1360 = arith.addf %add3A_1354, %get3A_1359 : vector<16xf32>
      %swap3A_1361 = arith.constant 2 : i32
      %swap3A_1362 = arith.index_cast %swap3A_1361 : i32 to index
      %swap3A_1363 = arith.constant 80 : index
      %swap3A_1364 = tpu.vector_load %arg8[%swap3A_1362, %swap3A_1363] {strides = array<i32>} : memref<4x128xf32, #tpu.memory_space<vmem>>, vector<1x16xf32>,
      %swap3A_1365 = vector.shape_cast %swap3A_1364 : vector<1x16xf32> to vector<16xf32>
      %swap3A_1366 = vector.shape_cast %add3A_1360 : vector<16xf32> to vector<1x16xf32>
      tpu.vector_store %arg8[%swap3A_1362, %swap3A_1363], %swap3A_1366 {strides = array<i32>} : memref<4x128xf32, #tpu.memory_space<vmem>>, vector<1x16xf32>,
      %get3A_1367 = arith.constant 24 : i32
      %get3A_1368 = arith.index_cast %get3A_1367 : i32 to index
      %get3A_1369 = arith.constant 80 : index
      %get3A_1370 = tpu.vector_load %arg7[%get3A_1368, %get3A_1369] {strides = array<i32>} : memref<32x128xf32, #tpu.memory_space<vmem>>, vector<1x16xf32>,
      %get3A_1371 = vector.shape_cast %get3A_1370 : vector<1x16xf32> to vector<16xf32>
      %get3A_1372 = arith.constant 25 : i32
      %get3A_1373 = arith.index_cast %get3A_1372 : i32 to index
      %get3A_1374 = arith.constant 80 : index
      %get3A_1375 = tpu.vector_load %arg7[%get3A_1373, %get3A_1374] {strides = array<i32>} : memref<32x128xf32, #tpu.memory_space<vmem>>, vector<1x16xf32>,
      %get3A_1376 = vector.shape_cast %get3A_1375 : vector<1x16xf32> to vector<16xf32>
      %add3A_1377 = arith.addf %get3A_1371, %get3A_1376 : vector<16xf32>
      %get3A_1378 = arith.constant 26 : i32
      %get3A_1379 = arith.index_cast %get3A_1378 : i32 to index
      %get3A_1380 = arith.constant 80 : index
      %get3A_1381 = tpu.vector_load %arg7[%get3A_1379, %get3A_1380] {strides = array<i32>} : memref<32x128xf32, #tpu.memory_space<vmem>>, vector<1x16xf32>,
      %get3A_1382 = vector.shape_cast %get3A_1381 : vector<1x16xf32> to vector<16xf32>
      %add3A_1383 = arith.addf %add3A_1377, %get3A_1382 : vector<16xf32>
      %get3A_1384 = arith.constant 27 : i32
      %get3A_1385 = arith.index_cast %get3A_1384 : i32 to index
      %get3A_1386 = arith.constant 80 : index
      %get3A_1387 = tpu.vector_load %arg7[%get3A_1385, %get3A_1386] {strides = array<i32>} : memref<32x128xf32, #tpu.memory_space<vmem>>, vector<1x16xf32>,
      %get3A_1388 = vector.shape_cast %get3A_1387 : vector<1x16xf32> to vector<16xf32>
      %add3A_1389 = arith.addf %add3A_1383, %get3A_1388 : vector<16xf32>
      %get3A_1390 = arith.constant 28 : i32
      %get3A_1391 = arith.index_cast %get3A_1390 : i32 to index
      %get3A_1392 = arith.constant 80 : index
      %get3A_1393 = tpu.vector_load %arg7[%get3A_1391, %get3A_1392] {strides = array<i32>} : memref<32x128xf32, #tpu.memory_space<vmem>>, vector<1x16xf32>,
      %get3A_1394 = vector.shape_cast %get3A_1393 : vector<1x16xf32> to vector<16xf32>
      %add3A_1395 = arith.addf %add3A_1389, %get3A_1394 : vector<16xf32>
      %get3A_1396 = arith.constant 29 : i32
      %get3A_1397 = arith.index_cast %get3A_1396 : i32 to index
      %get3A_1398 = arith.constant 80 : index
      %get3A_1399 = tpu.vector_load %arg7[%get3A_1397, %get3A_1398] {strides = array<i32>} : memref<32x128xf32, #tpu.memory_space<vmem>>, vector<1x16xf32>,
      %get3A_1400 = vector.shape_cast %get3A_1399 : vector<1x16xf32> to vector<16xf32>
      %add3A_1401 = arith.addf %add3A_1395, %get3A_1400 : vector<16xf32>
      %get3A_1402 = arith.constant 30 : i32
      %get3A_1403 = arith.index_cast %get3A_1402 : i32 to index
      %get3A_1404 = arith.constant 80 : index
      %get3A_1405 = tpu.vector_load %arg7[%get3A_1403, %get3A_1404] {strides = array<i32>} : memref<32x128xf32, #tpu.memory_space<vmem>>, vector<1x16xf32>,
      %get3A_1406 = vector.shape_cast %get3A_1405 : vector<1x16xf32> to vector<16xf32>
      %add3A_1407 = arith.addf %add3A_1401, %get3A_1406 : vector<16xf32>
      %get3A_1408 = arith.constant 31 : i32
      %get3A_1409 = arith.index_cast %get3A_1408 : i32 to index
      %get3A_1410 = arith.constant 80 : index
      %get3A_1411 = tpu.vector_load %arg7[%get3A_1409, %get3A_1410] {strides = array<i32>} : memref<32x128xf32, #tpu.memory_space<vmem>>, vector<1x16xf32>,
      %get3A_1412 = vector.shape_cast %get3A_1411 : vector<1x16xf32> to vector<16xf32>
      %add3A_1413 = arith.addf %add3A_1407, %get3A_1412 : vector<16xf32>
      %swap3A_1414 = arith.constant 3 : i32
      %swap3A_1415 = arith.index_cast %swap3A_1414 : i32 to index
      %swap3A_1416 = arith.constant 80 : index
      %swap3A_1417 = tpu.vector_load %arg8[%swap3A_1415, %swap3A_1416] {strides = array<i32>} : memref<4x128xf32, #tpu.memory_space<vmem>>, vector<1x16xf32>,
      %swap3A_1418 = vector.shape_cast %swap3A_1417 : vector<1x16xf32> to vector<16xf32>
      %swap3A_1419 = vector.shape_cast %add3A_1413 : vector<16xf32> to vector<1x16xf32>
      tpu.vector_store %arg8[%swap3A_1415, %swap3A_1416], %swap3A_1419 {strides = array<i32>} : memref<4x128xf32, #tpu.memory_space<vmem>>, vector<1x16xf32>,
      %get3A_1420 = arith.constant 0 : i32
      %get3A_1421 = arith.index_cast %get3A_1420 : i32 to index
      %get3A_1422 = arith.constant 96 : index
      %get3A_1423 = tpu.vector_load %arg7[%get3A_1421, %get3A_1422] {strides = array<i32>} : memref<32x128xf32, #tpu.memory_space<vmem>>, vector<1x16xf32>,
      %get3A_1424 = vector.shape_cast %get3A_1423 : vector<1x16xf32> to vector<16xf32>
      %get3A_1425 = arith.constant 1 : i32
      %get3A_1426 = arith.index_cast %get3A_1425 : i32 to index
      %get3A_1427 = arith.constant 96 : index
      %get3A_1428 = tpu.vector_load %arg7[%get3A_1426, %get3A_1427] {strides = array<i32>} : memref<32x128xf32, #tpu.memory_space<vmem>>, vector<1x16xf32>,
      %get3A_1429 = vector.shape_cast %get3A_1428 : vector<1x16xf32> to vector<16xf32>
      %add3A_1430 = arith.addf %get3A_1424, %get3A_1429 : vector<16xf32>
      %get3A_1431 = arith.constant 2 : i32
      %get3A_1432 = arith.index_cast %get3A_1431 : i32 to index
      %get3A_1433 = arith.constant 96 : index
      %get3A_1434 = tpu.vector_load %arg7[%get3A_1432, %get3A_1433] {strides = array<i32>} : memref<32x128xf32, #tpu.memory_space<vmem>>, vector<1x16xf32>,
      %get3A_1435 = vector.shape_cast %get3A_1434 : vector<1x16xf32> to vector<16xf32>
      %add3A_1436 = arith.addf %add3A_1430, %get3A_1435 : vector<16xf32>
      %get3A_1437 = arith.constant 3 : i32
      %get3A_1438 = arith.index_cast %get3A_1437 : i32 to index
      %get3A_1439 = arith.constant 96 : index
      %get3A_1440 = tpu.vector_load %arg7[%get3A_1438, %get3A_1439] {strides = array<i32>} : memref<32x128xf32, #tpu.memory_space<vmem>>, vector<1x16xf32>,
      %get3A_1441 = vector.shape_cast %get3A_1440 : vector<1x16xf32> to vector<16xf32>
      %add3A_1442 = arith.addf %add3A_1436, %get3A_1441 : vector<16xf32>
      %get3A_1443 = arith.constant 4 : i32
      %get3A_1444 = arith.index_cast %get3A_1443 : i32 to index
      %get3A_1445 = arith.constant 96 : index
      %get3A_1446 = tpu.vector_load %arg7[%get3A_1444, %get3A_1445] {strides = array<i32>} : memref<32x128xf32, #tpu.memory_space<vmem>>, vector<1x16xf32>,
      %get3A_1447 = vector.shape_cast %get3A_1446 : vector<1x16xf32> to vector<16xf32>
      %add3A_1448 = arith.addf %add3A_1442, %get3A_1447 : vector<16xf32>
      %get3A_1449 = arith.constant 5 : i32
      %get3A_1450 = arith.index_cast %get3A_1449 : i32 to index
      %get3A_1451 = arith.constant 96 : index
      %get3A_1452 = tpu.vector_load %arg7[%get3A_1450, %get3A_1451] {strides = array<i32>} : memref<32x128xf32, #tpu.memory_space<vmem>>, vector<1x16xf32>,
      %get3A_1453 = vector.shape_cast %get3A_1452 : vector<1x16xf32> to vector<16xf32>
      %add3A_1454 = arith.addf %add3A_1448, %get3A_1453 : vector<16xf32>
      %get3A_1455 = arith.constant 6 : i32
      %get3A_1456 = arith.index_cast %get3A_1455 : i32 to index
      %get3A_1457 = arith.constant 96 : index
      %get3A_1458 = tpu.vector_load %arg7[%get3A_1456, %get3A_1457] {strides = array<i32>} : memref<32x128xf32, #tpu.memory_space<vmem>>, vector<1x16xf32>,
      %get3A_1459 = vector.shape_cast %get3A_1458 : vector<1x16xf32> to vector<16xf32>
      %add3A_1460 = arith.addf %add3A_1454, %get3A_1459 : vector<16xf32>
      %get3A_1461 = arith.constant 7 : i32
      %get3A_1462 = arith.index_cast %get3A_1461 : i32 to index
      %get3A_1463 = arith.constant 96 : index
      %get3A_1464 = tpu.vector_load %arg7[%get3A_1462, %get3A_1463] {strides = array<i32>} : memref<32x128xf32, #tpu.memory_space<vmem>>, vector<1x16xf32>,
      %get3A_1465 = vector.shape_cast %get3A_1464 : vector<1x16xf32> to vector<16xf32>
      %add3A_1466 = arith.addf %add3A_1460, %get3A_1465 : vector<16xf32>
      %swap3A_1467 = arith.constant 0 : i32
      %swap3A_1468 = arith.index_cast %swap3A_1467 : i32 to index
      %swap3A_1469 = arith.constant 96 : index
      %swap3A_1470 = tpu.vector_load %arg8[%swap3A_1468, %swap3A_1469] {strides = array<i32>} : memref<4x128xf32, #tpu.memory_space<vmem>>, vector<1x16xf32>,
      %swap3A_1471 = vector.shape_cast %swap3A_1470 : vector<1x16xf32> to vector<16xf32>
      %swap3A_1472 = vector.shape_cast %add3A_1466 : vector<16xf32> to vector<1x16xf32>
      tpu.vector_store %arg8[%swap3A_1468, %swap3A_1469], %swap3A_1472 {strides = array<i32>} : memref<4x128xf32, #tpu.memory_space<vmem>>, vector<1x16xf32>,
      %get3A_1473 = arith.constant 8 : i32
      %get3A_1474 = arith.index_cast %get3A_1473 : i32 to index
      %get3A_1475 = arith.constant 96 : index
      %get3A_1476 = tpu.vector_load %arg7[%get3A_1474, %get3A_1475] {strides = array<i32>} : memref<32x128xf32, #tpu.memory_space<vmem>>, vector<1x16xf32>,
      %get3A_1477 = vector.shape_cast %get3A_1476 : vector<1x16xf32> to vector<16xf32>
      %get3A_1478 = arith.constant 9 : i32
      %get3A_1479 = arith.index_cast %get3A_1478 : i32 to index
      %get3A_1480 = arith.constant 96 : index
      %get3A_1481 = tpu.vector_load %arg7[%get3A_1479, %get3A_1480] {strides = array<i32>} : memref<32x128xf32, #tpu.memory_space<vmem>>, vector<1x16xf32>,
      %get3A_1482 = vector.shape_cast %get3A_1481 : vector<1x16xf32> to vector<16xf32>
      %add3A_1483 = arith.addf %get3A_1477, %get3A_1482 : vector<16xf32>
      %get3A_1484 = arith.constant 10 : i32
      %get3A_1485 = arith.index_cast %get3A_1484 : i32 to index
      %get3A_1486 = arith.constant 96 : index
      %get3A_1487 = tpu.vector_load %arg7[%get3A_1485, %get3A_1486] {strides = array<i32>} : memref<32x128xf32, #tpu.memory_space<vmem>>, vector<1x16xf32>,
      %get3A_1488 = vector.shape_cast %get3A_1487 : vector<1x16xf32> to vector<16xf32>
      %add3A_1489 = arith.addf %add3A_1483, %get3A_1488 : vector<16xf32>
      %get3A_1490 = arith.constant 11 : i32
      %get3A_1491 = arith.index_cast %get3A_1490 : i32 to index
      %get3A_1492 = arith.constant 96 : index
      %get3A_1493 = tpu.vector_load %arg7[%get3A_1491, %get3A_1492] {strides = array<i32>} : memref<32x128xf32, #tpu.memory_space<vmem>>, vector<1x16xf32>,
      %get3A_1494 = vector.shape_cast %get3A_1493 : vector<1x16xf32> to vector<16xf32>
      %add3A_1495 = arith.addf %add3A_1489, %get3A_1494 : vector<16xf32>
      %get3A_1496 = arith.constant 12 : i32
      %get3A_1497 = arith.index_cast %get3A_1496 : i32 to index
      %get3A_1498 = arith.constant 96 : index
      %get3A_1499 = tpu.vector_load %arg7[%get3A_1497, %get3A_1498] {strides = array<i32>} : memref<32x128xf32, #tpu.memory_space<vmem>>, vector<1x16xf32>,
      %get3A_1500 = vector.shape_cast %get3A_1499 : vector<1x16xf32> to vector<16xf32>
      %add3A_1501 = arith.addf %add3A_1495, %get3A_1500 : vector<16xf32>
      %get3A_1502 = arith.constant 13 : i32
      %get3A_1503 = arith.index_cast %get3A_1502 : i32 to index
      %get3A_1504 = arith.constant 96 : index
      %get3A_1505 = tpu.vector_load %arg7[%get3A_1503, %get3A_1504] {strides = array<i32>} : memref<32x128xf32, #tpu.memory_space<vmem>>, vector<1x16xf32>,
      %get3A_1506 = vector.shape_cast %get3A_1505 : vector<1x16xf32> to vector<16xf32>
      %add3A_1507 = arith.addf %add3A_1501, %get3A_1506 : vector<16xf32>
      %get3A_1508 = arith.constant 14 : i32
      %get3A_1509 = arith.index_cast %get3A_1508 : i32 to index
      %get3A_1510 = arith.constant 96 : index
      %get3A_1511 = tpu.vector_load %arg7[%get3A_1509, %get3A_1510] {strides = array<i32>} : memref<32x128xf32, #tpu.memory_space<vmem>>, vector<1x16xf32>,
      %get3A_1512 = vector.shape_cast %get3A_1511 : vector<1x16xf32> to vector<16xf32>
      %add3A_1513 = arith.addf %add3A_1507, %get3A_1512 : vector<16xf32>
      %get3A_1514 = arith.constant 15 : i32
      %get3A_1515 = arith.index_cast %get3A_1514 : i32 to index
      %get3A_1516 = arith.constant 96 : index
      %get3A_1517 = tpu.vector_load %arg7[%get3A_1515, %get3A_1516] {strides = array<i32>} : memref<32x128xf32, #tpu.memory_space<vmem>>, vector<1x16xf32>,
      %get3A_1518 = vector.shape_cast %get3A_1517 : vector<1x16xf32> to vector<16xf32>
      %add3A_1519 = arith.addf %add3A_1513, %get3A_1518 : vector<16xf32>
      %swap3A_1520 = arith.constant 1 : i32
      %swap3A_1521 = arith.index_cast %swap3A_1520 : i32 to index
      %swap3A_1522 = arith.constant 96 : index
      %swap3A_1523 = tpu.vector_load %arg8[%swap3A_1521, %swap3A_1522] {strides = array<i32>} : memref<4x128xf32, #tpu.memory_space<vmem>>, vector<1x16xf32>,
      %swap3A_1524 = vector.shape_cast %swap3A_1523 : vector<1x16xf32> to vector<16xf32>
      %swap3A_1525 = vector.shape_cast %add3A_1519 : vector<16xf32> to vector<1x16xf32>
      tpu.vector_store %arg8[%swap3A_1521, %swap3A_1522], %swap3A_1525 {strides = array<i32>} : memref<4x128xf32, #tpu.memory_space<vmem>>, vector<1x16xf32>,
      %get3A_1526 = arith.constant 16 : i32
      %get3A_1527 = arith.index_cast %get3A_1526 : i32 to index
      %get3A_1528 = arith.constant 96 : index
      %get3A_1529 = tpu.vector_load %arg7[%get3A_1527, %get3A_1528] {strides = array<i32>} : memref<32x128xf32, #tpu.memory_space<vmem>>, vector<1x16xf32>,
      %get3A_1530 = vector.shape_cast %get3A_1529 : vector<1x16xf32> to vector<16xf32>
      %get3A_1531 = arith.constant 17 : i32
      %get3A_1532 = arith.index_cast %get3A_1531 : i32 to index
      %get3A_1533 = arith.constant 96 : index
      %get3A_1534 = tpu.vector_load %arg7[%get3A_1532, %get3A_1533] {strides = array<i32>} : memref<32x128xf32, #tpu.memory_space<vmem>>, vector<1x16xf32>,
      %get3A_1535 = vector.shape_cast %get3A_1534 : vector<1x16xf32> to vector<16xf32>
      %add3A_1536 = arith.addf %get3A_1530, %get3A_1535 : vector<16xf32>
      %get3A_1537 = arith.constant 18 : i32
      %get3A_1538 = arith.index_cast %get3A_1537 : i32 to index
      %get3A_1539 = arith.constant 96 : index
      %get3A_1540 = tpu.vector_load %arg7[%get3A_1538, %get3A_1539] {strides = array<i32>} : memref<32x128xf32, #tpu.memory_space<vmem>>, vector<1x16xf32>,
      %get3A_1541 = vector.shape_cast %get3A_1540 : vector<1x16xf32> to vector<16xf32>
      %add3A_1542 = arith.addf %add3A_1536, %get3A_1541 : vector<16xf32>
      %get3A_1543 = arith.constant 19 : i32
      %get3A_1544 = arith.index_cast %get3A_1543 : i32 to index
      %get3A_1545 = arith.constant 96 : index
      %get3A_1546 = tpu.vector_load %arg7[%get3A_1544, %get3A_1545] {strides = array<i32>} : memref<32x128xf32, #tpu.memory_space<vmem>>, vector<1x16xf32>,
      %get3A_1547 = vector.shape_cast %get3A_1546 : vector<1x16xf32> to vector<16xf32>
      %add3A_1548 = arith.addf %add3A_1542, %get3A_1547 : vector<16xf32>
      %get3A_1549 = arith.constant 20 : i32
      %get3A_1550 = arith.index_cast %get3A_1549 : i32 to index
      %get3A_1551 = arith.constant 96 : index
      %get3A_1552 = tpu.vector_load %arg7[%get3A_1550, %get3A_1551] {strides = array<i32>} : memref<32x128xf32, #tpu.memory_space<vmem>>, vector<1x16xf32>,
      %get3A_1553 = vector.shape_cast %get3A_1552 : vector<1x16xf32> to vector<16xf32>
      %add3A_1554 = arith.addf %add3A_1548, %get3A_1553 : vector<16xf32>
      %get3A_1555 = arith.constant 21 : i32
      %get3A_1556 = arith.index_cast %get3A_1555 : i32 to index
      %get3A_1557 = arith.constant 96 : index
      %get3A_1558 = tpu.vector_load %arg7[%get3A_1556, %get3A_1557] {strides = array<i32>} : memref<32x128xf32, #tpu.memory_space<vmem>>, vector<1x16xf32>,
      %get3A_1559 = vector.shape_cast %get3A_1558 : vector<1x16xf32> to vector<16xf32>
      %add3A_1560 = arith.addf %add3A_1554, %get3A_1559 : vector<16xf32>
      %get3A_1561 = arith.constant 22 : i32
      %get3A_1562 = arith.index_cast %get3A_1561 : i32 to index
      %get3A_1563 = arith.constant 96 : index
      %get3A_1564 = tpu.vector_load %arg7[%get3A_1562, %get3A_1563] {strides = array<i32>} : memref<32x128xf32, #tpu.memory_space<vmem>>, vector<1x16xf32>,
      %get3A_1565 = vector.shape_cast %get3A_1564 : vector<1x16xf32> to vector<16xf32>
      %add3A_1566 = arith.addf %add3A_1560, %get3A_1565 : vector<16xf32>
      %get3A_1567 = arith.constant 23 : i32
      %get3A_1568 = arith.index_cast %get3A_1567 : i32 to index
      %get3A_1569 = arith.constant 96 : index
      %get3A_1570 = tpu.vector_load %arg7[%get3A_1568, %get3A_1569] {strides = array<i32>} : memref<32x128xf32, #tpu.memory_space<vmem>>, vector<1x16xf32>,
      %get3A_1571 = vector.shape_cast %get3A_1570 : vector<1x16xf32> to vector<16xf32>
      %add3A_1572 = arith.addf %add3A_1566, %get3A_1571 : vector<16xf32>
      %swap3A_1573 = arith.constant 2 : i32
      %swap3A_1574 = arith.index_cast %swap3A_1573 : i32 to index
      %swap3A_1575 = arith.constant 96 : index
      %swap3A_1576 = tpu.vector_load %arg8[%swap3A_1574, %swap3A_1575] {strides = array<i32>} : memref<4x128xf32, #tpu.memory_space<vmem>>, vector<1x16xf32>,
      %swap3A_1577 = vector.shape_cast %swap3A_1576 : vector<1x16xf32> to vector<16xf32>
      %swap3A_1578 = vector.shape_cast %add3A_1572 : vector<16xf32> to vector<1x16xf32>
      tpu.vector_store %arg8[%swap3A_1574, %swap3A_1575], %swap3A_1578 {strides = array<i32>} : memref<4x128xf32, #tpu.memory_space<vmem>>, vector<1x16xf32>,
      %get3A_1579 = arith.constant 24 : i32
      %get3A_1580 = arith.index_cast %get3A_1579 : i32 to index
      %get3A_1581 = arith.constant 96 : index
      %get3A_1582 = tpu.vector_load %arg7[%get3A_1580, %get3A_1581] {strides = array<i32>} : memref<32x128xf32, #tpu.memory_space<vmem>>, vector<1x16xf32>,
      %get3A_1583 = vector.shape_cast %get3A_1582 : vector<1x16xf32> to vector<16xf32>
      %get3A_1584 = arith.constant 25 : i32
      %get3A_1585 = arith.index_cast %get3A_1584 : i32 to index
      %get3A_1586 = arith.constant 96 : index
      %get3A_1587 = tpu.vector_load %arg7[%get3A_1585, %get3A_1586] {strides = array<i32>} : memref<32x128xf32, #tpu.memory_space<vmem>>, vector<1x16xf32>,
      %get3A_1588 = vector.shape_cast %get3A_1587 : vector<1x16xf32> to vector<16xf32>
      %add3A_1589 = arith.addf %get3A_1583, %get3A_1588 : vector<16xf32>
      %get3A_1590 = arith.constant 26 : i32
      %get3A_1591 = arith.index_cast %get3A_1590 : i32 to index
      %get3A_1592 = arith.constant 96 : index
      %get3A_1593 = tpu.vector_load %arg7[%get3A_1591, %get3A_1592] {strides = array<i32>} : memref<32x128xf32, #tpu.memory_space<vmem>>, vector<1x16xf32>,
      %get3A_1594 = vector.shape_cast %get3A_1593 : vector<1x16xf32> to vector<16xf32>
      %add3A_1595 = arith.addf %add3A_1589, %get3A_1594 : vector<16xf32>
      %get3A_1596 = arith.constant 27 : i32
      %get3A_1597 = arith.index_cast %get3A_1596 : i32 to index
      %get3A_1598 = arith.constant 96 : index
      %get3A_1599 = tpu.vector_load %arg7[%get3A_1597, %get3A_1598] {strides = array<i32>} : memref<32x128xf32, #tpu.memory_space<vmem>>, vector<1x16xf32>,
      %get3A_1600 = vector.shape_cast %get3A_1599 : vector<1x16xf32> to vector<16xf32>
      %add3A_1601 = arith.addf %add3A_1595, %get3A_1600 : vector<16xf32>
      %get3A_1602 = arith.constant 28 : i32
      %get3A_1603 = arith.index_cast %get3A_1602 : i32 to index
      %get3A_1604 = arith.constant 96 : index
      %get3A_1605 = tpu.vector_load %arg7[%get3A_1603, %get3A_1604] {strides = array<i32>} : memref<32x128xf32, #tpu.memory_space<vmem>>, vector<1x16xf32>,
      %get3A_1606 = vector.shape_cast %get3A_1605 : vector<1x16xf32> to vector<16xf32>
      %add3A_1607 = arith.addf %add3A_1601, %get3A_1606 : vector<16xf32>
      %get3A_1608 = arith.constant 29 : i32
      %get3A_1609 = arith.index_cast %get3A_1608 : i32 to index
      %get3A_1610 = arith.constant 96 : index
      %get3A_1611 = tpu.vector_load %arg7[%get3A_1609, %get3A_1610] {strides = array<i32>} : memref<32x128xf32, #tpu.memory_space<vmem>>, vector<1x16xf32>,
      %get3A_1612 = vector.shape_cast %get3A_1611 : vector<1x16xf32> to vector<16xf32>
      %add3A_1613 = arith.addf %add3A_1607, %get3A_1612 : vector<16xf32>
      %get3A_1614 = arith.constant 30 : i32
      %get3A_1615 = arith.index_cast %get3A_1614 : i32 to index
      %get3A_1616 = arith.constant 96 : index
      %get3A_1617 = tpu.vector_load %arg7[%get3A_1615, %get3A_1616] {strides = array<i32>} : memref<32x128xf32, #tpu.memory_space<vmem>>, vector<1x16xf32>,
      %get3A_1618 = vector.shape_cast %get3A_1617 : vector<1x16xf32> to vector<16xf32>
      %add3A_1619 = arith.addf %add3A_1613, %get3A_1618 : vector<16xf32>
      %get3A_1620 = arith.constant 31 : i32
      %get3A_1621 = arith.index_cast %get3A_1620 : i32 to index
      %get3A_1622 = arith.constant 96 : index
      %get3A_1623 = tpu.vector_load %arg7[%get3A_1621, %get3A_1622] {strides = array<i32>} : memref<32x128xf32, #tpu.memory_space<vmem>>, vector<1x16xf32>,
      %get3A_1624 = vector.shape_cast %get3A_1623 : vector<1x16xf32> to vector<16xf32>
      %add3A_1625 = arith.addf %add3A_1619, %get3A_1624 : vector<16xf32>
      %swap3A_1626 = arith.constant 3 : i32
      %swap3A_1627 = arith.index_cast %swap3A_1626 : i32 to index
      %swap3A_1628 = arith.constant 96 : index
      %swap3A_1629 = tpu.vector_load %arg8[%swap3A_1627, %swap3A_1628] {strides = array<i32>} : memref<4x128xf32, #tpu.memory_space<vmem>>, vector<1x16xf32>,
      %swap3A_1630 = vector.shape_cast %swap3A_1629 : vector<1x16xf32> to vector<16xf32>
      %swap3A_1631 = vector.shape_cast %add3A_1625 : vector<16xf32> to vector<1x16xf32>
      tpu.vector_store %arg8[%swap3A_1627, %swap3A_1628], %swap3A_1631 {strides = array<i32>} : memref<4x128xf32, #tpu.memory_space<vmem>>, vector<1x16xf32>,
      %get3A_1632 = arith.constant 0 : i32
      %get3A_1633 = arith.index_cast %get3A_1632 : i32 to index
      %get3A_1634 = arith.constant 112 : index
      %get3A_1635 = tpu.vector_load %arg7[%get3A_1633, %get3A_1634] {strides = array<i32>} : memref<32x128xf32, #tpu.memory_space<vmem>>, vector<1x16xf32>,
      %get3A_1636 = vector.shape_cast %get3A_1635 : vector<1x16xf32> to vector<16xf32>
      %get3A_1637 = arith.constant 1 : i32
      %get3A_1638 = arith.index_cast %get3A_1637 : i32 to index
      %get3A_1639 = arith.constant 112 : index
      %get3A_1640 = tpu.vector_load %arg7[%get3A_1638, %get3A_1639] {strides = array<i32>} : memref<32x128xf32, #tpu.memory_space<vmem>>, vector<1x16xf32>,
      %get3A_1641 = vector.shape_cast %get3A_1640 : vector<1x16xf32> to vector<16xf32>
      %add3A_1642 = arith.addf %get3A_1636, %get3A_1641 : vector<16xf32>
      %get3A_1643 = arith.constant 2 : i32
      %get3A_1644 = arith.index_cast %get3A_1643 : i32 to index
      %get3A_1645 = arith.constant 112 : index
      %get3A_1646 = tpu.vector_load %arg7[%get3A_1644, %get3A_1645] {strides = array<i32>} : memref<32x128xf32, #tpu.memory_space<vmem>>, vector<1x16xf32>,
      %get3A_1647 = vector.shape_cast %get3A_1646 : vector<1x16xf32> to vector<16xf32>
      %add3A_1648 = arith.addf %add3A_1642, %get3A_1647 : vector<16xf32>
      %get3A_1649 = arith.constant 3 : i32
      %get3A_1650 = arith.index_cast %get3A_1649 : i32 to index
      %get3A_1651 = arith.constant 112 : index
      %get3A_1652 = tpu.vector_load %arg7[%get3A_1650, %get3A_1651] {strides = array<i32>} : memref<32x128xf32, #tpu.memory_space<vmem>>, vector<1x16xf32>,
      %get3A_1653 = vector.shape_cast %get3A_1652 : vector<1x16xf32> to vector<16xf32>
      %add3A_1654 = arith.addf %add3A_1648, %get3A_1653 : vector<16xf32>
      %get3A_1655 = arith.constant 4 : i32
      %get3A_1656 = arith.index_cast %get3A_1655 : i32 to index
      %get3A_1657 = arith.constant 112 : index
      %get3A_1658 = tpu.vector_load %arg7[%get3A_1656, %get3A_1657] {strides = array<i32>} : memref<32x128xf32, #tpu.memory_space<vmem>>, vector<1x16xf32>,
      %get3A_1659 = vector.shape_cast %get3A_1658 : vector<1x16xf32> to vector<16xf32>
      %add3A_1660 = arith.addf %add3A_1654, %get3A_1659 : vector<16xf32>
      %get3A_1661 = arith.constant 5 : i32
      %get3A_1662 = arith.index_cast %get3A_1661 : i32 to index
      %get3A_1663 = arith.constant 112 : index
      %get3A_1664 = tpu.vector_load %arg7[%get3A_1662, %get3A_1663] {strides = array<i32>} : memref<32x128xf32, #tpu.memory_space<vmem>>, vector<1x16xf32>,
      %get3A_1665 = vector.shape_cast %get3A_1664 : vector<1x16xf32> to vector<16xf32>
      %add3A_1666 = arith.addf %add3A_1660, %get3A_1665 : vector<16xf32>
      %get3A_1667 = arith.constant 6 : i32
      %get3A_1668 = arith.index_cast %get3A_1667 : i32 to index
      %get3A_1669 = arith.constant 112 : index
      %get3A_1670 = tpu.vector_load %arg7[%get3A_1668, %get3A_1669] {strides = array<i32>} : memref<32x128xf32, #tpu.memory_space<vmem>>, vector<1x16xf32>,
      %get3A_1671 = vector.shape_cast %get3A_1670 : vector<1x16xf32> to vector<16xf32>
      %add3A_1672 = arith.addf %add3A_1666, %get3A_1671 : vector<16xf32>
      %get3A_1673 = arith.constant 7 : i32
      %get3A_1674 = arith.index_cast %get3A_1673 : i32 to index
      %get3A_1675 = arith.constant 112 : index
      %get3A_1676 = tpu.vector_load %arg7[%get3A_1674, %get3A_1675] {strides = array<i32>} : memref<32x128xf32, #tpu.memory_space<vmem>>, vector<1x16xf32>,
      %get3A_1677 = vector.shape_cast %get3A_1676 : vector<1x16xf32> to vector<16xf32>
      %add3A_1678 = arith.addf %add3A_1672, %get3A_1677 : vector<16xf32>
      %swap3A_1679 = arith.constant 0 : i32
      %swap3A_1680 = arith.index_cast %swap3A_1679 : i32 to index
      %swap3A_1681 = arith.constant 112 : index
      %swap3A_1682 = tpu.vector_load %arg8[%swap3A_1680, %swap3A_1681] {strides = array<i32>} : memref<4x128xf32, #tpu.memory_space<vmem>>, vector<1x16xf32>,
      %swap3A_1683 = vector.shape_cast %swap3A_1682 : vector<1x16xf32> to vector<16xf32>
      %swap3A_1684 = vector.shape_cast %add3A_1678 : vector<16xf32> to vector<1x16xf32>
      tpu.vector_store %arg8[%swap3A_1680, %swap3A_1681], %swap3A_1684 {strides = array<i32>} : memref<4x128xf32, #tpu.memory_space<vmem>>, vector<1x16xf32>,
      %get3A_1685 = arith.constant 8 : i32
      %get3A_1686 = arith.index_cast %get3A_1685 : i32 to index
      %get3A_1687 = arith.constant 112 : index
      %get3A_1688 = tpu.vector_load %arg7[%get3A_1686, %get3A_1687] {strides = array<i32>} : memref<32x128xf32, #tpu.memory_space<vmem>>, vector<1x16xf32>,
      %get3A_1689 = vector.shape_cast %get3A_1688 : vector<1x16xf32> to vector<16xf32>
      %get3A_1690 = arith.constant 9 : i32
      %get3A_1691 = arith.index_cast %get3A_1690 : i32 to index
      %get3A_1692 = arith.constant 112 : index
      %get3A_1693 = tpu.vector_load %arg7[%get3A_1691, %get3A_1692] {strides = array<i32>} : memref<32x128xf32, #tpu.memory_space<vmem>>, vector<1x16xf32>,
      %get3A_1694 = vector.shape_cast %get3A_1693 : vector<1x16xf32> to vector<16xf32>
      %add3A_1695 = arith.addf %get3A_1689, %get3A_1694 : vector<16xf32>
      %get3A_1696 = arith.constant 10 : i32
      %get3A_1697 = arith.index_cast %get3A_1696 : i32 to index
      %get3A_1698 = arith.constant 112 : index
      %get3A_1699 = tpu.vector_load %arg7[%get3A_1697, %get3A_1698] {strides = array<i32>} : memref<32x128xf32, #tpu.memory_space<vmem>>, vector<1x16xf32>,
      %get3A_1700 = vector.shape_cast %get3A_1699 : vector<1x16xf32> to vector<16xf32>
      %add3A_1701 = arith.addf %add3A_1695, %get3A_1700 : vector<16xf32>
      %get3A_1702 = arith.constant 11 : i32
      %get3A_1703 = arith.index_cast %get3A_1702 : i32 to index
      %get3A_1704 = arith.constant 112 : index
      %get3A_1705 = tpu.vector_load %arg7[%get3A_1703, %get3A_1704] {strides = array<i32>} : memref<32x128xf32, #tpu.memory_space<vmem>>, vector<1x16xf32>,
      %get3A_1706 = vector.shape_cast %get3A_1705 : vector<1x16xf32> to vector<16xf32>
      %add3A_1707 = arith.addf %add3A_1701, %get3A_1706 : vector<16xf32>
      %get3A_1708 = arith.constant 12 : i32
      %get3A_1709 = arith.index_cast %get3A_1708 : i32 to index
      %get3A_1710 = arith.constant 112 : index
      %get3A_1711 = tpu.vector_load %arg7[%get3A_1709, %get3A_1710] {strides = array<i32>} : memref<32x128xf32, #tpu.memory_space<vmem>>, vector<1x16xf32>,
      %get3A_1712 = vector.shape_cast %get3A_1711 : vector<1x16xf32> to vector<16xf32>
      %add3A_1713 = arith.addf %add3A_1707, %get3A_1712 : vector<16xf32>
      %get3A_1714 = arith.constant 13 : i32
      %get3A_1715 = arith.index_cast %get3A_1714 : i32 to index
      %get3A_1716 = arith.constant 112 : index
      %get3A_1717 = tpu.vector_load %arg7[%get3A_1715, %get3A_1716] {strides = array<i32>} : memref<32x128xf32, #tpu.memory_space<vmem>>, vector<1x16xf32>,
      %get3A_1718 = vector.shape_cast %get3A_1717 : vector<1x16xf32> to vector<16xf32>
      %add3A_1719 = arith.addf %add3A_1713, %get3A_1718 : vector<16xf32>
      %get3A_1720 = arith.constant 14 : i32
      %get3A_1721 = arith.index_cast %get3A_1720 : i32 to index
      %get3A_1722 = arith.constant 112 : index
      %get3A_1723 = tpu.vector_load %arg7[%get3A_1721, %get3A_1722] {strides = array<i32>} : memref<32x128xf32, #tpu.memory_space<vmem>>, vector<1x16xf32>,
      %get3A_1724 = vector.shape_cast %get3A_1723 : vector<1x16xf32> to vector<16xf32>
      %add3A_1725 = arith.addf %add3A_1719, %get3A_1724 : vector<16xf32>
      %get3A_1726 = arith.constant 15 : i32
      %get3A_1727 = arith.index_cast %get3A_1726 : i32 to index
      %get3A_1728 = arith.constant 112 : index
      %get3A_1729 = tpu.vector_load %arg7[%get3A_1727, %get3A_1728] {strides = array<i32>} : memref<32x128xf32, #tpu.memory_space<vmem>>, vector<1x16xf32>,
      %get3A_1730 = vector.shape_cast %get3A_1729 : vector<1x16xf32> to vector<16xf32>
      %add3A_1731 = arith.addf %add3A_1725, %get3A_1730 : vector<16xf32>
      %swap3A_1732 = arith.constant 1 : i32
      %swap3A_1733 = arith.index_cast %swap3A_1732 : i32 to index
      %swap3A_1734 = arith.constant 112 : index
      %swap3A_1735 = tpu.vector_load %arg8[%swap3A_1733, %swap3A_1734] {strides = array<i32>} : memref<4x128xf32, #tpu.memory_space<vmem>>, vector<1x16xf32>,
      %swap3A_1736 = vector.shape_cast %swap3A_1735 : vector<1x16xf32> to vector<16xf32>
      %swap3A_1737 = vector.shape_cast %add3A_1731 : vector<16xf32> to vector<1x16xf32>
      tpu.vector_store %arg8[%swap3A_1733, %swap3A_1734], %swap3A_1737 {strides = array<i32>} : memref<4x128xf32, #tpu.memory_space<vmem>>, vector<1x16xf32>,
      %get3A_1738 = arith.constant 16 : i32
      %get3A_1739 = arith.index_cast %get3A_1738 : i32 to index
      %get3A_1740 = arith.constant 112 : index
      %get3A_1741 = tpu.vector_load %arg7[%get3A_1739, %get3A_1740] {strides = array<i32>} : memref<32x128xf32, #tpu.memory_space<vmem>>, vector<1x16xf32>,
      %get3A_1742 = vector.shape_cast %get3A_1741 : vector<1x16xf32> to vector<16xf32>
      %get3A_1743 = arith.constant 17 : i32
      %get3A_1744 = arith.index_cast %get3A_1743 : i32 to index
      %get3A_1745 = arith.constant 112 : index
      %get3A_1746 = tpu.vector_load %arg7[%get3A_1744, %get3A_1745] {strides = array<i32>} : memref<32x128xf32, #tpu.memory_space<vmem>>, vector<1x16xf32>,
      %get3A_1747 = vector.shape_cast %get3A_1746 : vector<1x16xf32> to vector<16xf32>
      %add3A_1748 = arith.addf %get3A_1742, %get3A_1747 : vector<16xf32>
      %get3A_1749 = arith.constant 18 : i32
      %get3A_1750 = arith.index_cast %get3A_1749 : i32 to index
      %get3A_1751 = arith.constant 112 : index
      %get3A_1752 = tpu.vector_load %arg7[%get3A_1750, %get3A_1751] {strides = array<i32>} : memref<32x128xf32, #tpu.memory_space<vmem>>, vector<1x16xf32>,
      %get3A_1753 = vector.shape_cast %get3A_1752 : vector<1x16xf32> to vector<16xf32>
      %add3A_1754 = arith.addf %add3A_1748, %get3A_1753 : vector<16xf32>
      %get3A_1755 = arith.constant 19 : i32
      %get3A_1756 = arith.index_cast %get3A_1755 : i32 to index
      %get3A_1757 = arith.constant 112 : index
      %get3A_1758 = tpu.vector_load %arg7[%get3A_1756, %get3A_1757] {strides = array<i32>} : memref<32x128xf32, #tpu.memory_space<vmem>>, vector<1x16xf32>,
      %get3A_1759 = vector.shape_cast %get3A_1758 : vector<1x16xf32> to vector<16xf32>
      %add3A_1760 = arith.addf %add3A_1754, %get3A_1759 : vector<16xf32>
      %get3A_1761 = arith.constant 20 : i32
      %get3A_1762 = arith.index_cast %get3A_1761 : i32 to index
      %get3A_1763 = arith.constant 112 : index
      %get3A_1764 = tpu.vector_load %arg7[%get3A_1762, %get3A_1763] {strides = array<i32>} : memref<32x128xf32, #tpu.memory_space<vmem>>, vector<1x16xf32>,
      %get3A_1765 = vector.shape_cast %get3A_1764 : vector<1x16xf32> to vector<16xf32>
      %add3A_1766 = arith.addf %add3A_1760, %get3A_1765 : vector<16xf32>
      %get3A_1767 = arith.constant 21 : i32
      %get3A_1768 = arith.index_cast %get3A_1767 : i32 to index
      %get3A_1769 = arith.constant 112 : index
      %get3A_1770 = tpu.vector_load %arg7[%get3A_1768, %get3A_1769] {strides = array<i32>} : memref<32x128xf32, #tpu.memory_space<vmem>>, vector<1x16xf32>,
      %get3A_1771 = vector.shape_cast %get3A_1770 : vector<1x16xf32> to vector<16xf32>
      %add3A_1772 = arith.addf %add3A_1766, %get3A_1771 : vector<16xf32>
      %get3A_1773 = arith.constant 22 : i32
      %get3A_1774 = arith.index_cast %get3A_1773 : i32 to index
      %get3A_1775 = arith.constant 112 : index
      %get3A_1776 = tpu.vector_load %arg7[%get3A_1774, %get3A_1775] {strides = array<i32>} : memref<32x128xf32, #tpu.memory_space<vmem>>, vector<1x16xf32>,
      %get3A_1777 = vector.shape_cast %get3A_1776 : vector<1x16xf32> to vector<16xf32>
      %add3A_1778 = arith.addf %add3A_1772, %get3A_1777 : vector<16xf32>
      %get3A_1779 = arith.constant 23 : i32
      %get3A_1780 = arith.index_cast %get3A_1779 : i32 to index
      %get3A_1781 = arith.constant 112 : index
      %get3A_1782 = tpu.vector_load %arg7[%get3A_1780, %get3A_1781] {strides = array<i32>} : memref<32x128xf32, #tpu.memory_space<vmem>>, vector<1x16xf32>,
      %get3A_1783 = vector.shape_cast %get3A_1782 : vector<1x16xf32> to vector<16xf32>
      %add3A_1784 = arith.addf %add3A_1778, %get3A_1783 : vector<16xf32>
      %swap3A_1785 = arith.constant 2 : i32
      %swap3A_1786 = arith.index_cast %swap3A_1785 : i32 to index
      %swap3A_1787 = arith.constant 112 : index
      %swap3A_1788 = tpu.vector_load %arg8[%swap3A_1786, %swap3A_1787] {strides = array<i32>} : memref<4x128xf32, #tpu.memory_space<vmem>>, vector<1x16xf32>,
      %swap3A_1789 = vector.shape_cast %swap3A_1788 : vector<1x16xf32> to vector<16xf32>
      %swap3A_1790 = vector.shape_cast %add3A_1784 : vector<16xf32> to vector<1x16xf32>
      tpu.vector_store %arg8[%swap3A_1786, %swap3A_1787], %swap3A_1790 {strides = array<i32>} : memref<4x128xf32, #tpu.memory_space<vmem>>, vector<1x16xf32>,
      %get3A_1791 = arith.constant 24 : i32
      %get3A_1792 = arith.index_cast %get3A_1791 : i32 to index
      %get3A_1793 = arith.constant 112 : index
      %get3A_1794 = tpu.vector_load %arg7[%get3A_1792, %get3A_1793] {strides = array<i32>} : memref<32x128xf32, #tpu.memory_space<vmem>>, vector<1x16xf32>,
      %get3A_1795 = vector.shape_cast %get3A_1794 : vector<1x16xf32> to vector<16xf32>
      %get3A_1796 = arith.constant 25 : i32
      %get3A_1797 = arith.index_cast %get3A_1796 : i32 to index
      %get3A_1798 = arith.constant 112 : index
      %get3A_1799 = tpu.vector_load %arg7[%get3A_1797, %get3A_1798] {strides = array<i32>} : memref<32x128xf32, #tpu.memory_space<vmem>>, vector<1x16xf32>,
      %get3A_1800 = vector.shape_cast %get3A_1799 : vector<1x16xf32> to vector<16xf32>
      %add3A_1801 = arith.addf %get3A_1795, %get3A_1800 : vector<16xf32>
      %get3A_1802 = arith.constant 26 : i32
      %get3A_1803 = arith.index_cast %get3A_1802 : i32 to index
      %get3A_1804 = arith.constant 112 : index
      %get3A_1805 = tpu.vector_load %arg7[%get3A_1803, %get3A_1804] {strides = array<i32>} : memref<32x128xf32, #tpu.memory_space<vmem>>, vector<1x16xf32>,
      %get3A_1806 = vector.shape_cast %get3A_1805 : vector<1x16xf32> to vector<16xf32>
      %add3A_1807 = arith.addf %add3A_1801, %get3A_1806 : vector<16xf32>
      %get3A_1808 = arith.constant 27 : i32
      %get3A_1809 = arith.index_cast %get3A_1808 : i32 to index
      %get3A_1810 = arith.constant 112 : index
      %get3A_1811 = tpu.vector_load %arg7[%get3A_1809, %get3A_1810] {strides = array<i32>} : memref<32x128xf32, #tpu.memory_space<vmem>>, vector<1x16xf32>,
      %get3A_1812 = vector.shape_cast %get3A_1811 : vector<1x16xf32> to vector<16xf32>
      %add3A_1813 = arith.addf %add3A_1807, %get3A_1812 : vector<16xf32>
      %get3A_1814 = arith.constant 28 : i32
      %get3A_1815 = arith.index_cast %get3A_1814 : i32 to index
      %get3A_1816 = arith.constant 112 : index
      %get3A_1817 = tpu.vector_load %arg7[%get3A_1815, %get3A_1816] {strides = array<i32>} : memref<32x128xf32, #tpu.memory_space<vmem>>, vector<1x16xf32>,
      %get3A_1818 = vector.shape_cast %get3A_1817 : vector<1x16xf32> to vector<16xf32>
      %add3A_1819 = arith.addf %add3A_1813, %get3A_1818 : vector<16xf32>
      %get3A_1820 = arith.constant 29 : i32
      %get3A_1821 = arith.index_cast %get3A_1820 : i32 to index
      %get3A_1822 = arith.constant 112 : index
      %get3A_1823 = tpu.vector_load %arg7[%get3A_1821, %get3A_1822] {strides = array<i32>} : memref<32x128xf32, #tpu.memory_space<vmem>>, vector<1x16xf32>,
      %get3A_1824 = vector.shape_cast %get3A_1823 : vector<1x16xf32> to vector<16xf32>
      %add3A_1825 = arith.addf %add3A_1819, %get3A_1824 : vector<16xf32>
      %get3A_1826 = arith.constant 30 : i32
      %get3A_1827 = arith.index_cast %get3A_1826 : i32 to index
      %get3A_1828 = arith.constant 112 : index
      %get3A_1829 = tpu.vector_load %arg7[%get3A_1827, %get3A_1828] {strides = array<i32>} : memref<32x128xf32, #tpu.memory_space<vmem>>, vector<1x16xf32>,
      %get3A_1830 = vector.shape_cast %get3A_1829 : vector<1x16xf32> to vector<16xf32>
      %add3A_1831 = arith.addf %add3A_1825, %get3A_1830 : vector<16xf32>
      %get3A_1832 = arith.constant 31 : i32
      %get3A_1833 = arith.index_cast %get3A_1832 : i32 to index
      %get3A_1834 = arith.constant 112 : index
      %get3A_1835 = tpu.vector_load %arg7[%get3A_1833, %get3A_1834] {strides = array<i32>} : memref<32x128xf32, #tpu.memory_space<vmem>>, vector<1x16xf32>,
      %get3A_1836 = vector.shape_cast %get3A_1835 : vector<1x16xf32> to vector<16xf32>
      %add3A_1837 = arith.addf %add3A_1831, %get3A_1836 : vector<16xf32>
      %swap3A_1838 = arith.constant 3 : i32
      %swap3A_1839 = arith.index_cast %swap3A_1838 : i32 to index
      %swap3A_1840 = arith.constant 112 : index
      %swap3A_1841 = tpu.vector_load %arg8[%swap3A_1839, %swap3A_1840] {strides = array<i32>} : memref<4x128xf32, #tpu.memory_space<vmem>>, vector<1x16xf32>,
      %swap3A_1842 = vector.shape_cast %swap3A_1841 : vector<1x16xf32> to vector<16xf32>
      %swap3A_1843 = vector.shape_cast %add3A_1837 : vector<16xf32> to vector<1x16xf32>
      tpu.vector_store %arg8[%swap3A_1839, %swap3A_1840], %swap3A_1843 {strides = array<i32>} : memref<4x128xf32, #tpu.memory_space<vmem>>, vector<1x16xf32>,
      "tpu.region"() ({
        %run_scoped3A = tpu.sem_alloc : memref<!tpu.dma_semaphore, #tpu.memory_space<semaphore_mem>>
        %dma_start3A_1844 = arith.constant 0 : i32
        %dma_start3A_1845 = tpu.memref_slice %arg4[%mul3A_13, %dma_start3A_1844] : memref<40x128xf32, #tpu.memory_space<hbm>> -> memref<4x128xf32, #tpu.memory_space<hbm>>
        %dma_start3A_1846 = arith.constant 0 : i32
        %dma_start3A_1847 = tpu.memref_slice %arg4[%mul3A_13, %dma_start3A_1846] : memref<40x128xf32, #tpu.memory_space<hbm>> -> memref<4x128xf32, #tpu.memory_space<hbm>>
        tpu.enqueue_dma source(%arg8 : memref<4x128xf32, #tpu.memory_space<vmem>>) target(%dma_start3A_1847 : memref<4x128xf32, #tpu.memory_space<hbm>>) target_semaphore(%run_scoped3A : memref<!tpu.dma_semaphore, #tpu.memory_space<semaphore_mem>>)
        %dma_wait3A_1848 = arith.constant 0 : i32
        %dma_wait3A_1849 = tpu.memref_slice %arg4[%mul3A_13, %dma_wait3A_1848] : memref<40x128xf32, #tpu.memory_space<hbm>> -> memref<4x128xf32, #tpu.memory_space<hbm>>
        %dma_wait3A_1850 = arith.constant 0 : i32
        %dma_wait3A_1851 = tpu.memref_slice %arg4[%mul3A_13, %dma_wait3A_1850] : memref<40x128xf32, #tpu.memory_space<hbm>> -> memref<4x128xf32, #tpu.memory_space<hbm>>
        tpu.wait_dma2 semaphore(%run_scoped3A : memref<!tpu.dma_semaphore, #tpu.memory_space<semaphore_mem>>) src(%arg8 : memref<4x128xf32, #tpu.memory_space<vmem>>) dst(%dma_wait3A_1851 : memref<4x128xf32, #tpu.memory_space<hbm>>)
        tpu.yield
      }) : () -> ()
    } else {
    }
    %ge3A = arith.constant 8 : i32
    %ge3A_6 = arith.cmpi sge, %arg1, %ge3A : i32
    %lt3A_7 = arith.constant 12 : i32
    %lt3A_8 = arith.cmpi slt, %arg1, %lt3A_7 : i32
    %and3A_9 = arith.andi %ge3A_6, %lt3A_8 : i1
    %convert_element_type3A_10 = arith.extui %and3A_9 : i1 to i32
    %cond3A_11 = arith.constant 0 : i32
    %cond3A_12 = arith.cmpi ne, %convert_element_type3A_10, %cond3A_11 : i32
    scf.if %cond3A_12 {
      %sub3A = arith.constant 8 : i32
      %sub3A_13 = arith.subi %arg1, %sub3A : i32
      %mul3A = arith.constant 2 : i32
      %mul3A_14 = arith.muli %mul3A, %sub3A_13 : i32
      %add3A = arith.constant 32 : i32
      %add3A_15 = arith.addi %add3A, %mul3A_14 : i32
      %get3A = arith.constant 0 : i32
      %get3A_16 = arith.index_cast %get3A : i32 to index
      %get3A_17 = arith.index_cast %add3A_15 : i32 to index
      %get3A_18 = tpu.vector_load %arg5[%get3A_16, %get3A_17] {strides = array<i32>} : memref<5x64xi32, #tpu.memory_space<vmem>>, vector<1x16xi32>,
      %get3A_19 = vector.shape_cast %get3A_18 : vector<1x16xi32> to vector<16xi32>
      %broadcast_in_dim3A = vector.shape_cast %shift_right_arithmetic3A_1 : vector<16xi32> to vector<16x1xi32>
      %gather3A = vector.shape_cast %broadcast_in_dim3A : vector<16x1xi32> to vector<16xi32>
      %gather3A_20 = tpu.dynamic_gather %get3A_19[%gather3A] in [0] : vector<16xi32>, vector<16xi32> -> vector<16xi32>
      %eq3A = arith.constant 1 : i32
      %eq3A_21 = vector.broadcast %eq3A : i32 to vector<16xi32>
      %eq3A_22 = arith.cmpi eq, %and3A_3, %eq3A_21 : vector<16xi32>
      %get3A_23 = arith.constant 1 : i32
      %get3A_24 = arith.index_cast %get3A_23 : i32 to index
      %get3A_25 = arith.index_cast %add3A_15 : i32 to index
      %get3A_26 = tpu.vector_load %arg5[%get3A_24, %get3A_25] {strides = array<i32>} : memref<5x64xi32, #tpu.memory_space<vmem>>, vector<1x16xi32>,
      %get3A_27 = vector.shape_cast %get3A_26 : vector<1x16xi32> to vector<16xi32>
      %broadcast_in_dim3A_28 = vector.shape_cast %shift_right_arithmetic3A_1 : vector<16xi32> to vector<16x1xi32>
      %gather3A_29 = vector.shape_cast %broadcast_in_dim3A_28 : vector<16x1xi32> to vector<16xi32>
      %gather3A_30 = tpu.dynamic_gather %get3A_27[%gather3A_29] in [0] : vector<16xi32>, vector<16xi32> -> vector<16xi32>
      %select_n3A = arith.select %eq3A_22, %gather3A_30, %gather3A_20 : vector<16xi1>, vector<16xi32>
      %eq3A_31 = arith.constant 2 : i32
      %eq3A_32 = vector.broadcast %eq3A_31 : i32 to vector<16xi32>
      %eq3A_33 = arith.cmpi eq, %and3A_3, %eq3A_32 : vector<16xi32>
      %get3A_34 = arith.constant 2 : i32
      %get3A_35 = arith.index_cast %get3A_34 : i32 to index
      %get3A_36 = arith.index_cast %add3A_15 : i32 to index
      %get3A_37 = tpu.vector_load %arg5[%get3A_35, %get3A_36] {strides = array<i32>} : memref<5x64xi32, #tpu.memory_space<vmem>>, vector<1x16xi32>,
      %get3A_38 = vector.shape_cast %get3A_37 : vector<1x16xi32> to vector<16xi32>
      %broadcast_in_dim3A_39 = vector.shape_cast %shift_right_arithmetic3A_1 : vector<16xi32> to vector<16x1xi32>
      %gather3A_40 = vector.shape_cast %broadcast_in_dim3A_39 : vector<16x1xi32> to vector<16xi32>
      %gather3A_41 = tpu.dynamic_gather %get3A_38[%gather3A_40] in [0] : vector<16xi32>, vector<16xi32> -> vector<16xi32>
      %select_n3A_42 = arith.select %eq3A_33, %gather3A_41, %select_n3A : vector<16xi1>, vector<16xi32>
      %eq3A_43 = arith.constant 3 : i32
      %eq3A_44 = vector.broadcast %eq3A_43 : i32 to vector<16xi32>
      %eq3A_45 = arith.cmpi eq, %and3A_3, %eq3A_44 : vector<16xi32>
      %get3A_46 = arith.constant 3 : i32
      %get3A_47 = arith.index_cast %get3A_46 : i32 to index
      %get3A_48 = arith.index_cast %add3A_15 : i32 to index
      %get3A_49 = tpu.vector_load %arg5[%get3A_47, %get3A_48] {strides = array<i32>} : memref<5x64xi32, #tpu.memory_space<vmem>>, vector<1x16xi32>,
      %get3A_50 = vector.shape_cast %get3A_49 : vector<1x16xi32> to vector<16xi32>
      %broadcast_in_dim3A_51 = vector.shape_cast %shift_right_arithmetic3A_1 : vector<16xi32> to vector<16x1xi32>
      %gather3A_52 = vector.shape_cast %broadcast_in_dim3A_51 : vector<16x1xi32> to vector<16xi32>
      %gather3A_53 = tpu.dynamic_gather %get3A_50[%gather3A_52] in [0] : vector<16xi32>, vector<16xi32> -> vector<16xi32>
      %select_n3A_54 = arith.select %eq3A_45, %gather3A_53, %select_n3A_42 : vector<16xi1>, vector<16xi32>
      %eq3A_55 = arith.constant 4 : i32
      %eq3A_56 = vector.broadcast %eq3A_55 : i32 to vector<16xi32>
      %eq3A_57 = arith.cmpi eq, %and3A_3, %eq3A_56 : vector<16xi32>
      %get3A_58 = arith.constant 4 : i32
      %get3A_59 = arith.index_cast %get3A_58 : i32 to index
      %get3A_60 = arith.index_cast %add3A_15 : i32 to index
      %get3A_61 = tpu.vector_load %arg5[%get3A_59, %get3A_60] {strides = array<i32>} : memref<5x64xi32, #tpu.memory_space<vmem>>, vector<1x16xi32>,
      %get3A_62 = vector.shape_cast %get3A_61 : vector<1x16xi32> to vector<16xi32>
      %broadcast_in_dim3A_63 = vector.shape_cast %shift_right_arithmetic3A_1 : vector<16xi32> to vector<16x1xi32>
      %gather3A_64 = vector.shape_cast %broadcast_in_dim3A_63 : vector<16x1xi32> to vector<16xi32>
      %gather3A_65 = tpu.dynamic_gather %get3A_62[%gather3A_64] in [0] : vector<16xi32>, vector<16xi32> -> vector<16xi32>
      %select_n3A_66 = arith.select %eq3A_57, %gather3A_65, %select_n3A_54 : vector<16xi1>, vector<16xi32>
      %ge3A_67 = arith.constant 5 : i32
      %ge3A_68 = vector.broadcast %ge3A_67 : i32 to vector<16xi32>
      %ge3A_69 = arith.cmpi sge, %and3A_3, %ge3A_68 : vector<16xi32>
      %add3A_70 = arith.constant 23 : i32
      %add3A_71 = vector.broadcast %add3A_70 : i32 to vector<16xi32>
      %add3A_72 = arith.addi %and3A_3, %add3A_71 : vector<16xi32>
      %select_n3A_73 = arith.select %ge3A_69, %add3A_72, %select_n3A_66 : vector<16xi1>, vector<16xi32>
      %swap3A = arith.constant 0 : index
      %swap3A_74 = tpu.vector_load %arg6[%swap3A] {strides = array<i32>} : memref<32xi32, #tpu.memory_space<vmem>>, vector<16xi32>,
      %swap3A_75 = vector.shape_cast %swap3A_74 : vector<16xi32> to vector<16xi32>
      %swap3A_76 = vector.shape_cast %select_n3A_73 : vector<16xi32> to vector<16xi32>
      tpu.vector_store %arg6[%swap3A], %swap3A_76 {strides = array<i32>} : memref<32xi32, #tpu.memory_space<vmem>>, vector<16xi32>,
      %dma_start3A = arith.constant 0 : i32
      %dma_start3A_77 = arith.constant 0 : i32
      %dma_start3A_78 = tpu.memref_slice %arg7[%dma_start3A, %dma_start3A_77] : memref<32x128xf32, #tpu.memory_space<vmem>> -> memref<16x128xf32, #tpu.memory_space<vmem>>
      %dma_start3A_79 = arith.constant 0 : i32
      %dma_start3A_80 = tpu.memref_slice %arg6[%dma_start3A_79] : memref<32xi32, #tpu.memory_space<vmem>> -> memref<16xi32, #tpu.memory_space<vmem>>
      %dma_start3A_81 = arith.constant 0 : i32
      %dma_start3A_82 = arith.constant 0 : i32
      %dma_start3A_83 = tpu.memref_slice %arg2[%dma_start3A_81, %dma_start3A_82] : memref<32x128xf32, #tpu.memory_space<hbm>> -> memref<32x128xf32, #tpu.memory_space<hbm>>
      tpu.enqueue_indirect_dma source(%dma_start3A_83 : memref<32x128xf32, #tpu.memory_space<hbm>>) target(%dma_start3A_78 : memref<16x128xf32, #tpu.memory_space<vmem>>) offsets(%dma_start3A_80 : memref<16xi32, #tpu.memory_space<vmem>>) semaphore(%arg9 : memref<!tpu.dma_semaphore, #tpu.memory_space<semaphore_mem>>)
      %dma_wait3A = arith.constant 0 : i32
      %dma_wait3A_84 = arith.constant 0 : i32
      %dma_wait3A_85 = tpu.memref_slice %arg7[%dma_wait3A, %dma_wait3A_84] : memref<32x128xf32, #tpu.memory_space<vmem>> -> memref<16x128xf32, #tpu.memory_space<vmem>>
      %dma_wait3A_86 = arith.constant 0 : i32
      %dma_wait3A_87 = tpu.memref_slice %arg6[%dma_wait3A_86] : memref<32xi32, #tpu.memory_space<vmem>> -> memref<16xi32, #tpu.memory_space<vmem>>
      %dma_wait3A_88 = arith.constant 0 : i32
      %dma_wait3A_89 = arith.constant 0 : i32
      %dma_wait3A_90 = tpu.memref_slice %arg2[%dma_wait3A_88, %dma_wait3A_89] : memref<32x128xf32, #tpu.memory_space<hbm>> -> memref<32x128xf32, #tpu.memory_space<hbm>>
      tpu.wait_indirect_dma semaphore(%arg9 : memref<!tpu.dma_semaphore, #tpu.memory_space<semaphore_mem>>) src(%dma_wait3A_90 : memref<32x128xf32, #tpu.memory_space<hbm>>) dst(%dma_wait3A_85 : memref<16x128xf32, #tpu.memory_space<vmem>>)
      %get3A_91 = arith.constant 0 : i32
      %get3A_92 = arith.index_cast %get3A_91 : i32 to index
      %get3A_93 = arith.constant 0 : index
      %get3A_94 = tpu.vector_load %arg7[%get3A_92, %get3A_93] {strides = array<i32>} : memref<32x128xf32, #tpu.memory_space<vmem>>, vector<1x16xf32>,
      %get3A_95 = vector.shape_cast %get3A_94 : vector<1x16xf32> to vector<16xf32>
      %get3A_96 = arith.constant 1 : i32
      %get3A_97 = arith.index_cast %get3A_96 : i32 to index
      %get3A_98 = arith.constant 0 : index
      %get3A_99 = tpu.vector_load %arg7[%get3A_97, %get3A_98] {strides = array<i32>} : memref<32x128xf32, #tpu.memory_space<vmem>>, vector<1x16xf32>,
      %get3A_100 = vector.shape_cast %get3A_99 : vector<1x16xf32> to vector<16xf32>
      %add3A_101 = arith.addf %get3A_95, %get3A_100 : vector<16xf32>
      %get3A_102 = arith.constant 2 : i32
      %get3A_103 = arith.index_cast %get3A_102 : i32 to index
      %get3A_104 = arith.constant 0 : index
      %get3A_105 = tpu.vector_load %arg7[%get3A_103, %get3A_104] {strides = array<i32>} : memref<32x128xf32, #tpu.memory_space<vmem>>, vector<1x16xf32>,
      %get3A_106 = vector.shape_cast %get3A_105 : vector<1x16xf32> to vector<16xf32>
      %add3A_107 = arith.addf %add3A_101, %get3A_106 : vector<16xf32>
      %get3A_108 = arith.constant 3 : i32
      %get3A_109 = arith.index_cast %get3A_108 : i32 to index
      %get3A_110 = arith.constant 0 : index
      %get3A_111 = tpu.vector_load %arg7[%get3A_109, %get3A_110] {strides = array<i32>} : memref<32x128xf32, #tpu.memory_space<vmem>>, vector<1x16xf32>,
      %get3A_112 = vector.shape_cast %get3A_111 : vector<1x16xf32> to vector<16xf32>
      %add3A_113 = arith.addf %add3A_107, %get3A_112 : vector<16xf32>
      %get3A_114 = arith.constant 4 : i32
      %get3A_115 = arith.index_cast %get3A_114 : i32 to index
      %get3A_116 = arith.constant 0 : index
      %get3A_117 = tpu.vector_load %arg7[%get3A_115, %get3A_116] {strides = array<i32>} : memref<32x128xf32, #tpu.memory_space<vmem>>, vector<1x16xf32>,
      %get3A_118 = vector.shape_cast %get3A_117 : vector<1x16xf32> to vector<16xf32>
      %add3A_119 = arith.addf %add3A_113, %get3A_118 : vector<16xf32>
      %get3A_120 = arith.constant 5 : i32
      %get3A_121 = arith.index_cast %get3A_120 : i32 to index
      %get3A_122 = arith.constant 0 : index
      %get3A_123 = tpu.vector_load %arg7[%get3A_121, %get3A_122] {strides = array<i32>} : memref<32x128xf32, #tpu.memory_space<vmem>>, vector<1x16xf32>,
      %get3A_124 = vector.shape_cast %get3A_123 : vector<1x16xf32> to vector<16xf32>
      %add3A_125 = arith.addf %add3A_119, %get3A_124 : vector<16xf32>
      %get3A_126 = arith.constant 6 : i32
      %get3A_127 = arith.index_cast %get3A_126 : i32 to index
      %get3A_128 = arith.constant 0 : index
      %get3A_129 = tpu.vector_load %arg7[%get3A_127, %get3A_128] {strides = array<i32>} : memref<32x128xf32, #tpu.memory_space<vmem>>, vector<1x16xf32>,
      %get3A_130 = vector.shape_cast %get3A_129 : vector<1x16xf32> to vector<16xf32>
      %add3A_131 = arith.addf %add3A_125, %get3A_130 : vector<16xf32>
      %get3A_132 = arith.constant 7 : i32
      %get3A_133 = arith.index_cast %get3A_132 : i32 to index
      %get3A_134 = arith.constant 0 : index
      %get3A_135 = tpu.vector_load %arg7[%get3A_133, %get3A_134] {strides = array<i32>} : memref<32x128xf32, #tpu.memory_space<vmem>>, vector<1x16xf32>,
      %get3A_136 = vector.shape_cast %get3A_135 : vector<1x16xf32> to vector<16xf32>
      %add3A_137 = arith.addf %add3A_131, %get3A_136 : vector<16xf32>
      %swap3A_138 = arith.constant 0 : i32
      %swap3A_139 = arith.index_cast %swap3A_138 : i32 to index
      %swap3A_140 = arith.constant 0 : index
      %swap3A_141 = tpu.vector_load %arg8[%swap3A_139, %swap3A_140] {strides = array<i32>} : memref<4x128xf32, #tpu.memory_space<vmem>>, vector<1x16xf32>,
      %swap3A_142 = vector.shape_cast %swap3A_141 : vector<1x16xf32> to vector<16xf32>
      %swap3A_143 = vector.shape_cast %add3A_137 : vector<16xf32> to vector<1x16xf32>
      tpu.vector_store %arg8[%swap3A_139, %swap3A_140], %swap3A_143 {strides = array<i32>} : memref<4x128xf32, #tpu.memory_space<vmem>>, vector<1x16xf32>,
      %get3A_144 = arith.constant 8 : i32
      %get3A_145 = arith.index_cast %get3A_144 : i32 to index
      %get3A_146 = arith.constant 0 : index
      %get3A_147 = tpu.vector_load %arg7[%get3A_145, %get3A_146] {strides = array<i32>} : memref<32x128xf32, #tpu.memory_space<vmem>>, vector<1x16xf32>,
      %get3A_148 = vector.shape_cast %get3A_147 : vector<1x16xf32> to vector<16xf32>
      %get3A_149 = arith.constant 9 : i32
      %get3A_150 = arith.index_cast %get3A_149 : i32 to index
      %get3A_151 = arith.constant 0 : index
      %get3A_152 = tpu.vector_load %arg7[%get3A_150, %get3A_151] {strides = array<i32>} : memref<32x128xf32, #tpu.memory_space<vmem>>, vector<1x16xf32>,
      %get3A_153 = vector.shape_cast %get3A_152 : vector<1x16xf32> to vector<16xf32>
      %add3A_154 = arith.addf %get3A_148, %get3A_153 : vector<16xf32>
      %get3A_155 = arith.constant 10 : i32
      %get3A_156 = arith.index_cast %get3A_155 : i32 to index
      %get3A_157 = arith.constant 0 : index
      %get3A_158 = tpu.vector_load %arg7[%get3A_156, %get3A_157] {strides = array<i32>} : memref<32x128xf32, #tpu.memory_space<vmem>>, vector<1x16xf32>,
      %get3A_159 = vector.shape_cast %get3A_158 : vector<1x16xf32> to vector<16xf32>
      %add3A_160 = arith.addf %add3A_154, %get3A_159 : vector<16xf32>
      %get3A_161 = arith.constant 11 : i32
      %get3A_162 = arith.index_cast %get3A_161 : i32 to index
      %get3A_163 = arith.constant 0 : index
      %get3A_164 = tpu.vector_load %arg7[%get3A_162, %get3A_163] {strides = array<i32>} : memref<32x128xf32, #tpu.memory_space<vmem>>, vector<1x16xf32>,
      %get3A_165 = vector.shape_cast %get3A_164 : vector<1x16xf32> to vector<16xf32>
      %add3A_166 = arith.addf %add3A_160, %get3A_165 : vector<16xf32>
      %get3A_167 = arith.constant 12 : i32
      %get3A_168 = arith.index_cast %get3A_167 : i32 to index
      %get3A_169 = arith.constant 0 : index
      %get3A_170 = tpu.vector_load %arg7[%get3A_168, %get3A_169] {strides = array<i32>} : memref<32x128xf32, #tpu.memory_space<vmem>>, vector<1x16xf32>,
      %get3A_171 = vector.shape_cast %get3A_170 : vector<1x16xf32> to vector<16xf32>
      %add3A_172 = arith.addf %add3A_166, %get3A_171 : vector<16xf32>
      %get3A_173 = arith.constant 13 : i32
      %get3A_174 = arith.index_cast %get3A_173 : i32 to index
      %get3A_175 = arith.constant 0 : index
      %get3A_176 = tpu.vector_load %arg7[%get3A_174, %get3A_175] {strides = array<i32>} : memref<32x128xf32, #tpu.memory_space<vmem>>, vector<1x16xf32>,
      %get3A_177 = vector.shape_cast %get3A_176 : vector<1x16xf32> to vector<16xf32>
      %add3A_178 = arith.addf %add3A_172, %get3A_177 : vector<16xf32>
      %get3A_179 = arith.constant 14 : i32
      %get3A_180 = arith.index_cast %get3A_179 : i32 to index
      %get3A_181 = arith.constant 0 : index
      %get3A_182 = tpu.vector_load %arg7[%get3A_180, %get3A_181] {strides = array<i32>} : memref<32x128xf32, #tpu.memory_space<vmem>>, vector<1x16xf32>,
      %get3A_183 = vector.shape_cast %get3A_182 : vector<1x16xf32> to vector<16xf32>
      %add3A_184 = arith.addf %add3A_178, %get3A_183 : vector<16xf32>
      %get3A_185 = arith.constant 15 : i32
      %get3A_186 = arith.index_cast %get3A_185 : i32 to index
      %get3A_187 = arith.constant 0 : index
      %get3A_188 = tpu.vector_load %arg7[%get3A_186, %get3A_187] {strides = array<i32>} : memref<32x128xf32, #tpu.memory_space<vmem>>, vector<1x16xf32>,
      %get3A_189 = vector.shape_cast %get3A_188 : vector<1x16xf32> to vector<16xf32>
      %add3A_190 = arith.addf %add3A_184, %get3A_189 : vector<16xf32>
      %swap3A_191 = arith.constant 1 : i32
      %swap3A_192 = arith.index_cast %swap3A_191 : i32 to index
      %swap3A_193 = arith.constant 0 : index
      %swap3A_194 = tpu.vector_load %arg8[%swap3A_192, %swap3A_193] {strides = array<i32>} : memref<4x128xf32, #tpu.memory_space<vmem>>, vector<1x16xf32>,
      %swap3A_195 = vector.shape_cast %swap3A_194 : vector<1x16xf32> to vector<16xf32>
      %swap3A_196 = vector.shape_cast %add3A_190 : vector<16xf32> to vector<1x16xf32>
      tpu.vector_store %arg8[%swap3A_192, %swap3A_193], %swap3A_196 {strides = array<i32>} : memref<4x128xf32, #tpu.memory_space<vmem>>, vector<1x16xf32>,
      %get3A_197 = arith.constant 0 : i32
      %get3A_198 = arith.index_cast %get3A_197 : i32 to index
      %get3A_199 = arith.constant 16 : index
      %get3A_200 = tpu.vector_load %arg7[%get3A_198, %get3A_199] {strides = array<i32>} : memref<32x128xf32, #tpu.memory_space<vmem>>, vector<1x16xf32>,
      %get3A_201 = vector.shape_cast %get3A_200 : vector<1x16xf32> to vector<16xf32>
      %get3A_202 = arith.constant 1 : i32
      %get3A_203 = arith.index_cast %get3A_202 : i32 to index
      %get3A_204 = arith.constant 16 : index
      %get3A_205 = tpu.vector_load %arg7[%get3A_203, %get3A_204] {strides = array<i32>} : memref<32x128xf32, #tpu.memory_space<vmem>>, vector<1x16xf32>,
      %get3A_206 = vector.shape_cast %get3A_205 : vector<1x16xf32> to vector<16xf32>
      %add3A_207 = arith.addf %get3A_201, %get3A_206 : vector<16xf32>
      %get3A_208 = arith.constant 2 : i32
      %get3A_209 = arith.index_cast %get3A_208 : i32 to index
      %get3A_210 = arith.constant 16 : index
      %get3A_211 = tpu.vector_load %arg7[%get3A_209, %get3A_210] {strides = array<i32>} : memref<32x128xf32, #tpu.memory_space<vmem>>, vector<1x16xf32>,
      %get3A_212 = vector.shape_cast %get3A_211 : vector<1x16xf32> to vector<16xf32>
      %add3A_213 = arith.addf %add3A_207, %get3A_212 : vector<16xf32>
      %get3A_214 = arith.constant 3 : i32
      %get3A_215 = arith.index_cast %get3A_214 : i32 to index
      %get3A_216 = arith.constant 16 : index
      %get3A_217 = tpu.vector_load %arg7[%get3A_215, %get3A_216] {strides = array<i32>} : memref<32x128xf32, #tpu.memory_space<vmem>>, vector<1x16xf32>,
      %get3A_218 = vector.shape_cast %get3A_217 : vector<1x16xf32> to vector<16xf32>
      %add3A_219 = arith.addf %add3A_213, %get3A_218 : vector<16xf32>
      %get3A_220 = arith.constant 4 : i32
      %get3A_221 = arith.index_cast %get3A_220 : i32 to index
      %get3A_222 = arith.constant 16 : index
      %get3A_223 = tpu.vector_load %arg7[%get3A_221, %get3A_222] {strides = array<i32>} : memref<32x128xf32, #tpu.memory_space<vmem>>, vector<1x16xf32>,
      %get3A_224 = vector.shape_cast %get3A_223 : vector<1x16xf32> to vector<16xf32>
      %add3A_225 = arith.addf %add3A_219, %get3A_224 : vector<16xf32>
      %get3A_226 = arith.constant 5 : i32
      %get3A_227 = arith.index_cast %get3A_226 : i32 to index
      %get3A_228 = arith.constant 16 : index
      %get3A_229 = tpu.vector_load %arg7[%get3A_227, %get3A_228] {strides = array<i32>} : memref<32x128xf32, #tpu.memory_space<vmem>>, vector<1x16xf32>,
      %get3A_230 = vector.shape_cast %get3A_229 : vector<1x16xf32> to vector<16xf32>
      %add3A_231 = arith.addf %add3A_225, %get3A_230 : vector<16xf32>
      %get3A_232 = arith.constant 6 : i32
      %get3A_233 = arith.index_cast %get3A_232 : i32 to index
      %get3A_234 = arith.constant 16 : index
      %get3A_235 = tpu.vector_load %arg7[%get3A_233, %get3A_234] {strides = array<i32>} : memref<32x128xf32, #tpu.memory_space<vmem>>, vector<1x16xf32>,
      %get3A_236 = vector.shape_cast %get3A_235 : vector<1x16xf32> to vector<16xf32>
      %add3A_237 = arith.addf %add3A_231, %get3A_236 : vector<16xf32>
      %get3A_238 = arith.constant 7 : i32
      %get3A_239 = arith.index_cast %get3A_238 : i32 to index
      %get3A_240 = arith.constant 16 : index
      %get3A_241 = tpu.vector_load %arg7[%get3A_239, %get3A_240] {strides = array<i32>} : memref<32x128xf32, #tpu.memory_space<vmem>>, vector<1x16xf32>,
      %get3A_242 = vector.shape_cast %get3A_241 : vector<1x16xf32> to vector<16xf32>
      %add3A_243 = arith.addf %add3A_237, %get3A_242 : vector<16xf32>
      %swap3A_244 = arith.constant 0 : i32
      %swap3A_245 = arith.index_cast %swap3A_244 : i32 to index
      %swap3A_246 = arith.constant 16 : index
      %swap3A_247 = tpu.vector_load %arg8[%swap3A_245, %swap3A_246] {strides = array<i32>} : memref<4x128xf32, #tpu.memory_space<vmem>>, vector<1x16xf32>,
      %swap3A_248 = vector.shape_cast %swap3A_247 : vector<1x16xf32> to vector<16xf32>
      %swap3A_249 = vector.shape_cast %add3A_243 : vector<16xf32> to vector<1x16xf32>
      tpu.vector_store %arg8[%swap3A_245, %swap3A_246], %swap3A_249 {strides = array<i32>} : memref<4x128xf32, #tpu.memory_space<vmem>>, vector<1x16xf32>,
      %get3A_250 = arith.constant 8 : i32
      %get3A_251 = arith.index_cast %get3A_250 : i32 to index
      %get3A_252 = arith.constant 16 : index
      %get3A_253 = tpu.vector_load %arg7[%get3A_251, %get3A_252] {strides = array<i32>} : memref<32x128xf32, #tpu.memory_space<vmem>>, vector<1x16xf32>,
      %get3A_254 = vector.shape_cast %get3A_253 : vector<1x16xf32> to vector<16xf32>
      %get3A_255 = arith.constant 9 : i32
      %get3A_256 = arith.index_cast %get3A_255 : i32 to index
      %get3A_257 = arith.constant 16 : index
      %get3A_258 = tpu.vector_load %arg7[%get3A_256, %get3A_257] {strides = array<i32>} : memref<32x128xf32, #tpu.memory_space<vmem>>, vector<1x16xf32>,
      %get3A_259 = vector.shape_cast %get3A_258 : vector<1x16xf32> to vector<16xf32>
      %add3A_260 = arith.addf %get3A_254, %get3A_259 : vector<16xf32>
      %get3A_261 = arith.constant 10 : i32
      %get3A_262 = arith.index_cast %get3A_261 : i32 to index
      %get3A_263 = arith.constant 16 : index
      %get3A_264 = tpu.vector_load %arg7[%get3A_262, %get3A_263] {strides = array<i32>} : memref<32x128xf32, #tpu.memory_space<vmem>>, vector<1x16xf32>,
      %get3A_265 = vector.shape_cast %get3A_264 : vector<1x16xf32> to vector<16xf32>
      %add3A_266 = arith.addf %add3A_260, %get3A_265 : vector<16xf32>
      %get3A_267 = arith.constant 11 : i32
      %get3A_268 = arith.index_cast %get3A_267 : i32 to index
      %get3A_269 = arith.constant 16 : index
      %get3A_270 = tpu.vector_load %arg7[%get3A_268, %get3A_269] {strides = array<i32>} : memref<32x128xf32, #tpu.memory_space<vmem>>, vector<1x16xf32>,
      %get3A_271 = vector.shape_cast %get3A_270 : vector<1x16xf32> to vector<16xf32>
      %add3A_272 = arith.addf %add3A_266, %get3A_271 : vector<16xf32>
      %get3A_273 = arith.constant 12 : i32
      %get3A_274 = arith.index_cast %get3A_273 : i32 to index
      %get3A_275 = arith.constant 16 : index
      %get3A_276 = tpu.vector_load %arg7[%get3A_274, %get3A_275] {strides = array<i32>} : memref<32x128xf32, #tpu.memory_space<vmem>>, vector<1x16xf32>,
      %get3A_277 = vector.shape_cast %get3A_276 : vector<1x16xf32> to vector<16xf32>
      %add3A_278 = arith.addf %add3A_272, %get3A_277 : vector<16xf32>
      %get3A_279 = arith.constant 13 : i32
      %get3A_280 = arith.index_cast %get3A_279 : i32 to index
      %get3A_281 = arith.constant 16 : index
      %get3A_282 = tpu.vector_load %arg7[%get3A_280, %get3A_281] {strides = array<i32>} : memref<32x128xf32, #tpu.memory_space<vmem>>, vector<1x16xf32>,
      %get3A_283 = vector.shape_cast %get3A_282 : vector<1x16xf32> to vector<16xf32>
      %add3A_284 = arith.addf %add3A_278, %get3A_283 : vector<16xf32>
      %get3A_285 = arith.constant 14 : i32
      %get3A_286 = arith.index_cast %get3A_285 : i32 to index
      %get3A_287 = arith.constant 16 : index
      %get3A_288 = tpu.vector_load %arg7[%get3A_286, %get3A_287] {strides = array<i32>} : memref<32x128xf32, #tpu.memory_space<vmem>>, vector<1x16xf32>,
      %get3A_289 = vector.shape_cast %get3A_288 : vector<1x16xf32> to vector<16xf32>
      %add3A_290 = arith.addf %add3A_284, %get3A_289 : vector<16xf32>
      %get3A_291 = arith.constant 15 : i32
      %get3A_292 = arith.index_cast %get3A_291 : i32 to index
      %get3A_293 = arith.constant 16 : index
      %get3A_294 = tpu.vector_load %arg7[%get3A_292, %get3A_293] {strides = array<i32>} : memref<32x128xf32, #tpu.memory_space<vmem>>, vector<1x16xf32>,
      %get3A_295 = vector.shape_cast %get3A_294 : vector<1x16xf32> to vector<16xf32>
      %add3A_296 = arith.addf %add3A_290, %get3A_295 : vector<16xf32>
      %swap3A_297 = arith.constant 1 : i32
      %swap3A_298 = arith.index_cast %swap3A_297 : i32 to index
      %swap3A_299 = arith.constant 16 : index
      %swap3A_300 = tpu.vector_load %arg8[%swap3A_298, %swap3A_299] {strides = array<i32>} : memref<4x128xf32, #tpu.memory_space<vmem>>, vector<1x16xf32>,
      %swap3A_301 = vector.shape_cast %swap3A_300 : vector<1x16xf32> to vector<16xf32>
      %swap3A_302 = vector.shape_cast %add3A_296 : vector<16xf32> to vector<1x16xf32>
      tpu.vector_store %arg8[%swap3A_298, %swap3A_299], %swap3A_302 {strides = array<i32>} : memref<4x128xf32, #tpu.memory_space<vmem>>, vector<1x16xf32>,
      %get3A_303 = arith.constant 0 : i32
      %get3A_304 = arith.index_cast %get3A_303 : i32 to index
      %get3A_305 = arith.constant 32 : index
      %get3A_306 = tpu.vector_load %arg7[%get3A_304, %get3A_305] {strides = array<i32>} : memref<32x128xf32, #tpu.memory_space<vmem>>, vector<1x16xf32>,
      %get3A_307 = vector.shape_cast %get3A_306 : vector<1x16xf32> to vector<16xf32>
      %get3A_308 = arith.constant 1 : i32
      %get3A_309 = arith.index_cast %get3A_308 : i32 to index
      %get3A_310 = arith.constant 32 : index
      %get3A_311 = tpu.vector_load %arg7[%get3A_309, %get3A_310] {strides = array<i32>} : memref<32x128xf32, #tpu.memory_space<vmem>>, vector<1x16xf32>,
      %get3A_312 = vector.shape_cast %get3A_311 : vector<1x16xf32> to vector<16xf32>
      %add3A_313 = arith.addf %get3A_307, %get3A_312 : vector<16xf32>
      %get3A_314 = arith.constant 2 : i32
      %get3A_315 = arith.index_cast %get3A_314 : i32 to index
      %get3A_316 = arith.constant 32 : index
      %get3A_317 = tpu.vector_load %arg7[%get3A_315, %get3A_316] {strides = array<i32>} : memref<32x128xf32, #tpu.memory_space<vmem>>, vector<1x16xf32>,
      %get3A_318 = vector.shape_cast %get3A_317 : vector<1x16xf32> to vector<16xf32>
      %add3A_319 = arith.addf %add3A_313, %get3A_318 : vector<16xf32>
      %get3A_320 = arith.constant 3 : i32
      %get3A_321 = arith.index_cast %get3A_320 : i32 to index
      %get3A_322 = arith.constant 32 : index
      %get3A_323 = tpu.vector_load %arg7[%get3A_321, %get3A_322] {strides = array<i32>} : memref<32x128xf32, #tpu.memory_space<vmem>>, vector<1x16xf32>,
      %get3A_324 = vector.shape_cast %get3A_323 : vector<1x16xf32> to vector<16xf32>
      %add3A_325 = arith.addf %add3A_319, %get3A_324 : vector<16xf32>
      %get3A_326 = arith.constant 4 : i32
      %get3A_327 = arith.index_cast %get3A_326 : i32 to index
      %get3A_328 = arith.constant 32 : index
      %get3A_329 = tpu.vector_load %arg7[%get3A_327, %get3A_328] {strides = array<i32>} : memref<32x128xf32, #tpu.memory_space<vmem>>, vector<1x16xf32>,
      %get3A_330 = vector.shape_cast %get3A_329 : vector<1x16xf32> to vector<16xf32>
      %add3A_331 = arith.addf %add3A_325, %get3A_330 : vector<16xf32>
      %get3A_332 = arith.constant 5 : i32
      %get3A_333 = arith.index_cast %get3A_332 : i32 to index
      %get3A_334 = arith.constant 32 : index
      %get3A_335 = tpu.vector_load %arg7[%get3A_333, %get3A_334] {strides = array<i32>} : memref<32x128xf32, #tpu.memory_space<vmem>>, vector<1x16xf32>,
      %get3A_336 = vector.shape_cast %get3A_335 : vector<1x16xf32> to vector<16xf32>
      %add3A_337 = arith.addf %add3A_331, %get3A_336 : vector<16xf32>
      %get3A_338 = arith.constant 6 : i32
      %get3A_339 = arith.index_cast %get3A_338 : i32 to index
      %get3A_340 = arith.constant 32 : index
      %get3A_341 = tpu.vector_load %arg7[%get3A_339, %get3A_340] {strides = array<i32>} : memref<32x128xf32, #tpu.memory_space<vmem>>, vector<1x16xf32>,
      %get3A_342 = vector.shape_cast %get3A_341 : vector<1x16xf32> to vector<16xf32>
      %add3A_343 = arith.addf %add3A_337, %get3A_342 : vector<16xf32>
      %get3A_344 = arith.constant 7 : i32
      %get3A_345 = arith.index_cast %get3A_344 : i32 to index
      %get3A_346 = arith.constant 32 : index
      %get3A_347 = tpu.vector_load %arg7[%get3A_345, %get3A_346] {strides = array<i32>} : memref<32x128xf32, #tpu.memory_space<vmem>>, vector<1x16xf32>,
      %get3A_348 = vector.shape_cast %get3A_347 : vector<1x16xf32> to vector<16xf32>
      %add3A_349 = arith.addf %add3A_343, %get3A_348 : vector<16xf32>
      %swap3A_350 = arith.constant 0 : i32
      %swap3A_351 = arith.index_cast %swap3A_350 : i32 to index
      %swap3A_352 = arith.constant 32 : index
      %swap3A_353 = tpu.vector_load %arg8[%swap3A_351, %swap3A_352] {strides = array<i32>} : memref<4x128xf32, #tpu.memory_space<vmem>>, vector<1x16xf32>,
      %swap3A_354 = vector.shape_cast %swap3A_353 : vector<1x16xf32> to vector<16xf32>
      %swap3A_355 = vector.shape_cast %add3A_349 : vector<16xf32> to vector<1x16xf32>
      tpu.vector_store %arg8[%swap3A_351, %swap3A_352], %swap3A_355 {strides = array<i32>} : memref<4x128xf32, #tpu.memory_space<vmem>>, vector<1x16xf32>,
      %get3A_356 = arith.constant 8 : i32
      %get3A_357 = arith.index_cast %get3A_356 : i32 to index
      %get3A_358 = arith.constant 32 : index
      %get3A_359 = tpu.vector_load %arg7[%get3A_357, %get3A_358] {strides = array<i32>} : memref<32x128xf32, #tpu.memory_space<vmem>>, vector<1x16xf32>,
      %get3A_360 = vector.shape_cast %get3A_359 : vector<1x16xf32> to vector<16xf32>
      %get3A_361 = arith.constant 9 : i32
      %get3A_362 = arith.index_cast %get3A_361 : i32 to index
      %get3A_363 = arith.constant 32 : index
      %get3A_364 = tpu.vector_load %arg7[%get3A_362, %get3A_363] {strides = array<i32>} : memref<32x128xf32, #tpu.memory_space<vmem>>, vector<1x16xf32>,
      %get3A_365 = vector.shape_cast %get3A_364 : vector<1x16xf32> to vector<16xf32>
      %add3A_366 = arith.addf %get3A_360, %get3A_365 : vector<16xf32>
      %get3A_367 = arith.constant 10 : i32
      %get3A_368 = arith.index_cast %get3A_367 : i32 to index
      %get3A_369 = arith.constant 32 : index
      %get3A_370 = tpu.vector_load %arg7[%get3A_368, %get3A_369] {strides = array<i32>} : memref<32x128xf32, #tpu.memory_space<vmem>>, vector<1x16xf32>,
      %get3A_371 = vector.shape_cast %get3A_370 : vector<1x16xf32> to vector<16xf32>
      %add3A_372 = arith.addf %add3A_366, %get3A_371 : vector<16xf32>
      %get3A_373 = arith.constant 11 : i32
      %get3A_374 = arith.index_cast %get3A_373 : i32 to index
      %get3A_375 = arith.constant 32 : index
      %get3A_376 = tpu.vector_load %arg7[%get3A_374, %get3A_375] {strides = array<i32>} : memref<32x128xf32, #tpu.memory_space<vmem>>, vector<1x16xf32>,
      %get3A_377 = vector.shape_cast %get3A_376 : vector<1x16xf32> to vector<16xf32>
      %add3A_378 = arith.addf %add3A_372, %get3A_377 : vector<16xf32>
      %get3A_379 = arith.constant 12 : i32
      %get3A_380 = arith.index_cast %get3A_379 : i32 to index
      %get3A_381 = arith.constant 32 : index
      %get3A_382 = tpu.vector_load %arg7[%get3A_380, %get3A_381] {strides = array<i32>} : memref<32x128xf32, #tpu.memory_space<vmem>>, vector<1x16xf32>,
      %get3A_383 = vector.shape_cast %get3A_382 : vector<1x16xf32> to vector<16xf32>
      %add3A_384 = arith.addf %add3A_378, %get3A_383 : vector<16xf32>
      %get3A_385 = arith.constant 13 : i32
      %get3A_386 = arith.index_cast %get3A_385 : i32 to index
      %get3A_387 = arith.constant 32 : index
      %get3A_388 = tpu.vector_load %arg7[%get3A_386, %get3A_387] {strides = array<i32>} : memref<32x128xf32, #tpu.memory_space<vmem>>, vector<1x16xf32>,
      %get3A_389 = vector.shape_cast %get3A_388 : vector<1x16xf32> to vector<16xf32>
      %add3A_390 = arith.addf %add3A_384, %get3A_389 : vector<16xf32>
      %get3A_391 = arith.constant 14 : i32
      %get3A_392 = arith.index_cast %get3A_391 : i32 to index
      %get3A_393 = arith.constant 32 : index
      %get3A_394 = tpu.vector_load %arg7[%get3A_392, %get3A_393] {strides = array<i32>} : memref<32x128xf32, #tpu.memory_space<vmem>>, vector<1x16xf32>,
      %get3A_395 = vector.shape_cast %get3A_394 : vector<1x16xf32> to vector<16xf32>
      %add3A_396 = arith.addf %add3A_390, %get3A_395 : vector<16xf32>
      %get3A_397 = arith.constant 15 : i32
      %get3A_398 = arith.index_cast %get3A_397 : i32 to index
      %get3A_399 = arith.constant 32 : index
      %get3A_400 = tpu.vector_load %arg7[%get3A_398, %get3A_399] {strides = array<i32>} : memref<32x128xf32, #tpu.memory_space<vmem>>, vector<1x16xf32>,
      %get3A_401 = vector.shape_cast %get3A_400 : vector<1x16xf32> to vector<16xf32>
      %add3A_402 = arith.addf %add3A_396, %get3A_401 : vector<16xf32>
      %swap3A_403 = arith.constant 1 : i32
      %swap3A_404 = arith.index_cast %swap3A_403 : i32 to index
      %swap3A_405 = arith.constant 32 : index
      %swap3A_406 = tpu.vector_load %arg8[%swap3A_404, %swap3A_405] {strides = array<i32>} : memref<4x128xf32, #tpu.memory_space<vmem>>, vector<1x16xf32>,
      %swap3A_407 = vector.shape_cast %swap3A_406 : vector<1x16xf32> to vector<16xf32>
      %swap3A_408 = vector.shape_cast %add3A_402 : vector<16xf32> to vector<1x16xf32>
      tpu.vector_store %arg8[%swap3A_404, %swap3A_405], %swap3A_408 {strides = array<i32>} : memref<4x128xf32, #tpu.memory_space<vmem>>, vector<1x16xf32>,
      %get3A_409 = arith.constant 0 : i32
      %get3A_410 = arith.index_cast %get3A_409 : i32 to index
      %get3A_411 = arith.constant 48 : index
      %get3A_412 = tpu.vector_load %arg7[%get3A_410, %get3A_411] {strides = array<i32>} : memref<32x128xf32, #tpu.memory_space<vmem>>, vector<1x16xf32>,
      %get3A_413 = vector.shape_cast %get3A_412 : vector<1x16xf32> to vector<16xf32>
      %get3A_414 = arith.constant 1 : i32
      %get3A_415 = arith.index_cast %get3A_414 : i32 to index
      %get3A_416 = arith.constant 48 : index
      %get3A_417 = tpu.vector_load %arg7[%get3A_415, %get3A_416] {strides = array<i32>} : memref<32x128xf32, #tpu.memory_space<vmem>>, vector<1x16xf32>,
      %get3A_418 = vector.shape_cast %get3A_417 : vector<1x16xf32> to vector<16xf32>
      %add3A_419 = arith.addf %get3A_413, %get3A_418 : vector<16xf32>
      %get3A_420 = arith.constant 2 : i32
      %get3A_421 = arith.index_cast %get3A_420 : i32 to index
      %get3A_422 = arith.constant 48 : index
      %get3A_423 = tpu.vector_load %arg7[%get3A_421, %get3A_422] {strides = array<i32>} : memref<32x128xf32, #tpu.memory_space<vmem>>, vector<1x16xf32>,
      %get3A_424 = vector.shape_cast %get3A_423 : vector<1x16xf32> to vector<16xf32>
      %add3A_425 = arith.addf %add3A_419, %get3A_424 : vector<16xf32>
      %get3A_426 = arith.constant 3 : i32
      %get3A_427 = arith.index_cast %get3A_426 : i32 to index
      %get3A_428 = arith.constant 48 : index
      %get3A_429 = tpu.vector_load %arg7[%get3A_427, %get3A_428] {strides = array<i32>} : memref<32x128xf32, #tpu.memory_space<vmem>>, vector<1x16xf32>,
      %get3A_430 = vector.shape_cast %get3A_429 : vector<1x16xf32> to vector<16xf32>
      %add3A_431 = arith.addf %add3A_425, %get3A_430 : vector<16xf32>
      %get3A_432 = arith.constant 4 : i32
      %get3A_433 = arith.index_cast %get3A_432 : i32 to index
      %get3A_434 = arith.constant 48 : index
      %get3A_435 = tpu.vector_load %arg7[%get3A_433, %get3A_434] {strides = array<i32>} : memref<32x128xf32, #tpu.memory_space<vmem>>, vector<1x16xf32>,
      %get3A_436 = vector.shape_cast %get3A_435 : vector<1x16xf32> to vector<16xf32>
      %add3A_437 = arith.addf %add3A_431, %get3A_436 : vector<16xf32>
      %get3A_438 = arith.constant 5 : i32
      %get3A_439 = arith.index_cast %get3A_438 : i32 to index
      %get3A_440 = arith.constant 48 : index
      %get3A_441 = tpu.vector_load %arg7[%get3A_439, %get3A_440] {strides = array<i32>} : memref<32x128xf32, #tpu.memory_space<vmem>>, vector<1x16xf32>,
      %get3A_442 = vector.shape_cast %get3A_441 : vector<1x16xf32> to vector<16xf32>
      %add3A_443 = arith.addf %add3A_437, %get3A_442 : vector<16xf32>
      %get3A_444 = arith.constant 6 : i32
      %get3A_445 = arith.index_cast %get3A_444 : i32 to index
      %get3A_446 = arith.constant 48 : index
      %get3A_447 = tpu.vector_load %arg7[%get3A_445, %get3A_446] {strides = array<i32>} : memref<32x128xf32, #tpu.memory_space<vmem>>, vector<1x16xf32>,
      %get3A_448 = vector.shape_cast %get3A_447 : vector<1x16xf32> to vector<16xf32>
      %add3A_449 = arith.addf %add3A_443, %get3A_448 : vector<16xf32>
      %get3A_450 = arith.constant 7 : i32
      %get3A_451 = arith.index_cast %get3A_450 : i32 to index
      %get3A_452 = arith.constant 48 : index
      %get3A_453 = tpu.vector_load %arg7[%get3A_451, %get3A_452] {strides = array<i32>} : memref<32x128xf32, #tpu.memory_space<vmem>>, vector<1x16xf32>,
      %get3A_454 = vector.shape_cast %get3A_453 : vector<1x16xf32> to vector<16xf32>
      %add3A_455 = arith.addf %add3A_449, %get3A_454 : vector<16xf32>
      %swap3A_456 = arith.constant 0 : i32
      %swap3A_457 = arith.index_cast %swap3A_456 : i32 to index
      %swap3A_458 = arith.constant 48 : index
      %swap3A_459 = tpu.vector_load %arg8[%swap3A_457, %swap3A_458] {strides = array<i32>} : memref<4x128xf32, #tpu.memory_space<vmem>>, vector<1x16xf32>,
      %swap3A_460 = vector.shape_cast %swap3A_459 : vector<1x16xf32> to vector<16xf32>
      %swap3A_461 = vector.shape_cast %add3A_455 : vector<16xf32> to vector<1x16xf32>
      tpu.vector_store %arg8[%swap3A_457, %swap3A_458], %swap3A_461 {strides = array<i32>} : memref<4x128xf32, #tpu.memory_space<vmem>>, vector<1x16xf32>,
      %get3A_462 = arith.constant 8 : i32
      %get3A_463 = arith.index_cast %get3A_462 : i32 to index
      %get3A_464 = arith.constant 48 : index
      %get3A_465 = tpu.vector_load %arg7[%get3A_463, %get3A_464] {strides = array<i32>} : memref<32x128xf32, #tpu.memory_space<vmem>>, vector<1x16xf32>,
      %get3A_466 = vector.shape_cast %get3A_465 : vector<1x16xf32> to vector<16xf32>
      %get3A_467 = arith.constant 9 : i32
      %get3A_468 = arith.index_cast %get3A_467 : i32 to index
      %get3A_469 = arith.constant 48 : index
      %get3A_470 = tpu.vector_load %arg7[%get3A_468, %get3A_469] {strides = array<i32>} : memref<32x128xf32, #tpu.memory_space<vmem>>, vector<1x16xf32>,
      %get3A_471 = vector.shape_cast %get3A_470 : vector<1x16xf32> to vector<16xf32>
      %add3A_472 = arith.addf %get3A_466, %get3A_471 : vector<16xf32>
      %get3A_473 = arith.constant 10 : i32
      %get3A_474 = arith.index_cast %get3A_473 : i32 to index
      %get3A_475 = arith.constant 48 : index
      %get3A_476 = tpu.vector_load %arg7[%get3A_474, %get3A_475] {strides = array<i32>} : memref<32x128xf32, #tpu.memory_space<vmem>>, vector<1x16xf32>,
      %get3A_477 = vector.shape_cast %get3A_476 : vector<1x16xf32> to vector<16xf32>
      %add3A_478 = arith.addf %add3A_472, %get3A_477 : vector<16xf32>
      %get3A_479 = arith.constant 11 : i32
      %get3A_480 = arith.index_cast %get3A_479 : i32 to index
      %get3A_481 = arith.constant 48 : index
      %get3A_482 = tpu.vector_load %arg7[%get3A_480, %get3A_481] {strides = array<i32>} : memref<32x128xf32, #tpu.memory_space<vmem>>, vector<1x16xf32>,
      %get3A_483 = vector.shape_cast %get3A_482 : vector<1x16xf32> to vector<16xf32>
      %add3A_484 = arith.addf %add3A_478, %get3A_483 : vector<16xf32>
      %get3A_485 = arith.constant 12 : i32
      %get3A_486 = arith.index_cast %get3A_485 : i32 to index
      %get3A_487 = arith.constant 48 : index
      %get3A_488 = tpu.vector_load %arg7[%get3A_486, %get3A_487] {strides = array<i32>} : memref<32x128xf32, #tpu.memory_space<vmem>>, vector<1x16xf32>,
      %get3A_489 = vector.shape_cast %get3A_488 : vector<1x16xf32> to vector<16xf32>
      %add3A_490 = arith.addf %add3A_484, %get3A_489 : vector<16xf32>
      %get3A_491 = arith.constant 13 : i32
      %get3A_492 = arith.index_cast %get3A_491 : i32 to index
      %get3A_493 = arith.constant 48 : index
      %get3A_494 = tpu.vector_load %arg7[%get3A_492, %get3A_493] {strides = array<i32>} : memref<32x128xf32, #tpu.memory_space<vmem>>, vector<1x16xf32>,
      %get3A_495 = vector.shape_cast %get3A_494 : vector<1x16xf32> to vector<16xf32>
      %add3A_496 = arith.addf %add3A_490, %get3A_495 : vector<16xf32>
      %get3A_497 = arith.constant 14 : i32
      %get3A_498 = arith.index_cast %get3A_497 : i32 to index
      %get3A_499 = arith.constant 48 : index
      %get3A_500 = tpu.vector_load %arg7[%get3A_498, %get3A_499] {strides = array<i32>} : memref<32x128xf32, #tpu.memory_space<vmem>>, vector<1x16xf32>,
      %get3A_501 = vector.shape_cast %get3A_500 : vector<1x16xf32> to vector<16xf32>
      %add3A_502 = arith.addf %add3A_496, %get3A_501 : vector<16xf32>
      %get3A_503 = arith.constant 15 : i32
      %get3A_504 = arith.index_cast %get3A_503 : i32 to index
      %get3A_505 = arith.constant 48 : index
      %get3A_506 = tpu.vector_load %arg7[%get3A_504, %get3A_505] {strides = array<i32>} : memref<32x128xf32, #tpu.memory_space<vmem>>, vector<1x16xf32>,
      %get3A_507 = vector.shape_cast %get3A_506 : vector<1x16xf32> to vector<16xf32>
      %add3A_508 = arith.addf %add3A_502, %get3A_507 : vector<16xf32>
      %swap3A_509 = arith.constant 1 : i32
      %swap3A_510 = arith.index_cast %swap3A_509 : i32 to index
      %swap3A_511 = arith.constant 48 : index
      %swap3A_512 = tpu.vector_load %arg8[%swap3A_510, %swap3A_511] {strides = array<i32>} : memref<4x128xf32, #tpu.memory_space<vmem>>, vector<1x16xf32>,
      %swap3A_513 = vector.shape_cast %swap3A_512 : vector<1x16xf32> to vector<16xf32>
      %swap3A_514 = vector.shape_cast %add3A_508 : vector<16xf32> to vector<1x16xf32>
      tpu.vector_store %arg8[%swap3A_510, %swap3A_511], %swap3A_514 {strides = array<i32>} : memref<4x128xf32, #tpu.memory_space<vmem>>, vector<1x16xf32>,
      %get3A_515 = arith.constant 0 : i32
      %get3A_516 = arith.index_cast %get3A_515 : i32 to index
      %get3A_517 = arith.constant 64 : index
      %get3A_518 = tpu.vector_load %arg7[%get3A_516, %get3A_517] {strides = array<i32>} : memref<32x128xf32, #tpu.memory_space<vmem>>, vector<1x16xf32>,
      %get3A_519 = vector.shape_cast %get3A_518 : vector<1x16xf32> to vector<16xf32>
      %get3A_520 = arith.constant 1 : i32
      %get3A_521 = arith.index_cast %get3A_520 : i32 to index
      %get3A_522 = arith.constant 64 : index
      %get3A_523 = tpu.vector_load %arg7[%get3A_521, %get3A_522] {strides = array<i32>} : memref<32x128xf32, #tpu.memory_space<vmem>>, vector<1x16xf32>,
      %get3A_524 = vector.shape_cast %get3A_523 : vector<1x16xf32> to vector<16xf32>
      %add3A_525 = arith.addf %get3A_519, %get3A_524 : vector<16xf32>
      %get3A_526 = arith.constant 2 : i32
      %get3A_527 = arith.index_cast %get3A_526 : i32 to index
      %get3A_528 = arith.constant 64 : index
      %get3A_529 = tpu.vector_load %arg7[%get3A_527, %get3A_528] {strides = array<i32>} : memref<32x128xf32, #tpu.memory_space<vmem>>, vector<1x16xf32>,
      %get3A_530 = vector.shape_cast %get3A_529 : vector<1x16xf32> to vector<16xf32>
      %add3A_531 = arith.addf %add3A_525, %get3A_530 : vector<16xf32>
      %get3A_532 = arith.constant 3 : i32
      %get3A_533 = arith.index_cast %get3A_532 : i32 to index
      %get3A_534 = arith.constant 64 : index
      %get3A_535 = tpu.vector_load %arg7[%get3A_533, %get3A_534] {strides = array<i32>} : memref<32x128xf32, #tpu.memory_space<vmem>>, vector<1x16xf32>,
      %get3A_536 = vector.shape_cast %get3A_535 : vector<1x16xf32> to vector<16xf32>
      %add3A_537 = arith.addf %add3A_531, %get3A_536 : vector<16xf32>
      %get3A_538 = arith.constant 4 : i32
      %get3A_539 = arith.index_cast %get3A_538 : i32 to index
      %get3A_540 = arith.constant 64 : index
      %get3A_541 = tpu.vector_load %arg7[%get3A_539, %get3A_540] {strides = array<i32>} : memref<32x128xf32, #tpu.memory_space<vmem>>, vector<1x16xf32>,
      %get3A_542 = vector.shape_cast %get3A_541 : vector<1x16xf32> to vector<16xf32>
      %add3A_543 = arith.addf %add3A_537, %get3A_542 : vector<16xf32>
      %get3A_544 = arith.constant 5 : i32
      %get3A_545 = arith.index_cast %get3A_544 : i32 to index
      %get3A_546 = arith.constant 64 : index
      %get3A_547 = tpu.vector_load %arg7[%get3A_545, %get3A_546] {strides = array<i32>} : memref<32x128xf32, #tpu.memory_space<vmem>>, vector<1x16xf32>,
      %get3A_548 = vector.shape_cast %get3A_547 : vector<1x16xf32> to vector<16xf32>
      %add3A_549 = arith.addf %add3A_543, %get3A_548 : vector<16xf32>
      %get3A_550 = arith.constant 6 : i32
      %get3A_551 = arith.index_cast %get3A_550 : i32 to index
      %get3A_552 = arith.constant 64 : index
      %get3A_553 = tpu.vector_load %arg7[%get3A_551, %get3A_552] {strides = array<i32>} : memref<32x128xf32, #tpu.memory_space<vmem>>, vector<1x16xf32>,
      %get3A_554 = vector.shape_cast %get3A_553 : vector<1x16xf32> to vector<16xf32>
      %add3A_555 = arith.addf %add3A_549, %get3A_554 : vector<16xf32>
      %get3A_556 = arith.constant 7 : i32
      %get3A_557 = arith.index_cast %get3A_556 : i32 to index
      %get3A_558 = arith.constant 64 : index
      %get3A_559 = tpu.vector_load %arg7[%get3A_557, %get3A_558] {strides = array<i32>} : memref<32x128xf32, #tpu.memory_space<vmem>>, vector<1x16xf32>,
      %get3A_560 = vector.shape_cast %get3A_559 : vector<1x16xf32> to vector<16xf32>
      %add3A_561 = arith.addf %add3A_555, %get3A_560 : vector<16xf32>
      %swap3A_562 = arith.constant 0 : i32
      %swap3A_563 = arith.index_cast %swap3A_562 : i32 to index
      %swap3A_564 = arith.constant 64 : index
      %swap3A_565 = tpu.vector_load %arg8[%swap3A_563, %swap3A_564] {strides = array<i32>} : memref<4x128xf32, #tpu.memory_space<vmem>>, vector<1x16xf32>,
      %swap3A_566 = vector.shape_cast %swap3A_565 : vector<1x16xf32> to vector<16xf32>
      %swap3A_567 = vector.shape_cast %add3A_561 : vector<16xf32> to vector<1x16xf32>
      tpu.vector_store %arg8[%swap3A_563, %swap3A_564], %swap3A_567 {strides = array<i32>} : memref<4x128xf32, #tpu.memory_space<vmem>>, vector<1x16xf32>,
      %get3A_568 = arith.constant 8 : i32
      %get3A_569 = arith.index_cast %get3A_568 : i32 to index
      %get3A_570 = arith.constant 64 : index
      %get3A_571 = tpu.vector_load %arg7[%get3A_569, %get3A_570] {strides = array<i32>} : memref<32x128xf32, #tpu.memory_space<vmem>>, vector<1x16xf32>,
      %get3A_572 = vector.shape_cast %get3A_571 : vector<1x16xf32> to vector<16xf32>
      %get3A_573 = arith.constant 9 : i32
      %get3A_574 = arith.index_cast %get3A_573 : i32 to index
      %get3A_575 = arith.constant 64 : index
      %get3A_576 = tpu.vector_load %arg7[%get3A_574, %get3A_575] {strides = array<i32>} : memref<32x128xf32, #tpu.memory_space<vmem>>, vector<1x16xf32>,
      %get3A_577 = vector.shape_cast %get3A_576 : vector<1x16xf32> to vector<16xf32>
      %add3A_578 = arith.addf %get3A_572, %get3A_577 : vector<16xf32>
      %get3A_579 = arith.constant 10 : i32
      %get3A_580 = arith.index_cast %get3A_579 : i32 to index
      %get3A_581 = arith.constant 64 : index
      %get3A_582 = tpu.vector_load %arg7[%get3A_580, %get3A_581] {strides = array<i32>} : memref<32x128xf32, #tpu.memory_space<vmem>>, vector<1x16xf32>,
      %get3A_583 = vector.shape_cast %get3A_582 : vector<1x16xf32> to vector<16xf32>
      %add3A_584 = arith.addf %add3A_578, %get3A_583 : vector<16xf32>
      %get3A_585 = arith.constant 11 : i32
      %get3A_586 = arith.index_cast %get3A_585 : i32 to index
      %get3A_587 = arith.constant 64 : index
      %get3A_588 = tpu.vector_load %arg7[%get3A_586, %get3A_587] {strides = array<i32>} : memref<32x128xf32, #tpu.memory_space<vmem>>, vector<1x16xf32>,
      %get3A_589 = vector.shape_cast %get3A_588 : vector<1x16xf32> to vector<16xf32>
      %add3A_590 = arith.addf %add3A_584, %get3A_589 : vector<16xf32>
      %get3A_591 = arith.constant 12 : i32
      %get3A_592 = arith.index_cast %get3A_591 : i32 to index
      %get3A_593 = arith.constant 64 : index
      %get3A_594 = tpu.vector_load %arg7[%get3A_592, %get3A_593] {strides = array<i32>} : memref<32x128xf32, #tpu.memory_space<vmem>>, vector<1x16xf32>,
      %get3A_595 = vector.shape_cast %get3A_594 : vector<1x16xf32> to vector<16xf32>
      %add3A_596 = arith.addf %add3A_590, %get3A_595 : vector<16xf32>
      %get3A_597 = arith.constant 13 : i32
      %get3A_598 = arith.index_cast %get3A_597 : i32 to index
      %get3A_599 = arith.constant 64 : index
      %get3A_600 = tpu.vector_load %arg7[%get3A_598, %get3A_599] {strides = array<i32>} : memref<32x128xf32, #tpu.memory_space<vmem>>, vector<1x16xf32>,
      %get3A_601 = vector.shape_cast %get3A_600 : vector<1x16xf32> to vector<16xf32>
      %add3A_602 = arith.addf %add3A_596, %get3A_601 : vector<16xf32>
      %get3A_603 = arith.constant 14 : i32
      %get3A_604 = arith.index_cast %get3A_603 : i32 to index
      %get3A_605 = arith.constant 64 : index
      %get3A_606 = tpu.vector_load %arg7[%get3A_604, %get3A_605] {strides = array<i32>} : memref<32x128xf32, #tpu.memory_space<vmem>>, vector<1x16xf32>,
      %get3A_607 = vector.shape_cast %get3A_606 : vector<1x16xf32> to vector<16xf32>
      %add3A_608 = arith.addf %add3A_602, %get3A_607 : vector<16xf32>
      %get3A_609 = arith.constant 15 : i32
      %get3A_610 = arith.index_cast %get3A_609 : i32 to index
      %get3A_611 = arith.constant 64 : index
      %get3A_612 = tpu.vector_load %arg7[%get3A_610, %get3A_611] {strides = array<i32>} : memref<32x128xf32, #tpu.memory_space<vmem>>, vector<1x16xf32>,
      %get3A_613 = vector.shape_cast %get3A_612 : vector<1x16xf32> to vector<16xf32>
      %add3A_614 = arith.addf %add3A_608, %get3A_613 : vector<16xf32>
      %swap3A_615 = arith.constant 1 : i32
      %swap3A_616 = arith.index_cast %swap3A_615 : i32 to index
      %swap3A_617 = arith.constant 64 : index
      %swap3A_618 = tpu.vector_load %arg8[%swap3A_616, %swap3A_617] {strides = array<i32>} : memref<4x128xf32, #tpu.memory_space<vmem>>, vector<1x16xf32>,
      %swap3A_619 = vector.shape_cast %swap3A_618 : vector<1x16xf32> to vector<16xf32>
      %swap3A_620 = vector.shape_cast %add3A_614 : vector<16xf32> to vector<1x16xf32>
      tpu.vector_store %arg8[%swap3A_616, %swap3A_617], %swap3A_620 {strides = array<i32>} : memref<4x128xf32, #tpu.memory_space<vmem>>, vector<1x16xf32>,
      %get3A_621 = arith.constant 0 : i32
      %get3A_622 = arith.index_cast %get3A_621 : i32 to index
      %get3A_623 = arith.constant 80 : index
      %get3A_624 = tpu.vector_load %arg7[%get3A_622, %get3A_623] {strides = array<i32>} : memref<32x128xf32, #tpu.memory_space<vmem>>, vector<1x16xf32>,
      %get3A_625 = vector.shape_cast %get3A_624 : vector<1x16xf32> to vector<16xf32>
      %get3A_626 = arith.constant 1 : i32
      %get3A_627 = arith.index_cast %get3A_626 : i32 to index
      %get3A_628 = arith.constant 80 : index
      %get3A_629 = tpu.vector_load %arg7[%get3A_627, %get3A_628] {strides = array<i32>} : memref<32x128xf32, #tpu.memory_space<vmem>>, vector<1x16xf32>,
      %get3A_630 = vector.shape_cast %get3A_629 : vector<1x16xf32> to vector<16xf32>
      %add3A_631 = arith.addf %get3A_625, %get3A_630 : vector<16xf32>
      %get3A_632 = arith.constant 2 : i32
      %get3A_633 = arith.index_cast %get3A_632 : i32 to index
      %get3A_634 = arith.constant 80 : index
      %get3A_635 = tpu.vector_load %arg7[%get3A_633, %get3A_634] {strides = array<i32>} : memref<32x128xf32, #tpu.memory_space<vmem>>, vector<1x16xf32>,
      %get3A_636 = vector.shape_cast %get3A_635 : vector<1x16xf32> to vector<16xf32>
      %add3A_637 = arith.addf %add3A_631, %get3A_636 : vector<16xf32>
      %get3A_638 = arith.constant 3 : i32
      %get3A_639 = arith.index_cast %get3A_638 : i32 to index
      %get3A_640 = arith.constant 80 : index
      %get3A_641 = tpu.vector_load %arg7[%get3A_639, %get3A_640] {strides = array<i32>} : memref<32x128xf32, #tpu.memory_space<vmem>>, vector<1x16xf32>,
      %get3A_642 = vector.shape_cast %get3A_641 : vector<1x16xf32> to vector<16xf32>
      %add3A_643 = arith.addf %add3A_637, %get3A_642 : vector<16xf32>
      %get3A_644 = arith.constant 4 : i32
      %get3A_645 = arith.index_cast %get3A_644 : i32 to index
      %get3A_646 = arith.constant 80 : index
      %get3A_647 = tpu.vector_load %arg7[%get3A_645, %get3A_646] {strides = array<i32>} : memref<32x128xf32, #tpu.memory_space<vmem>>, vector<1x16xf32>,
      %get3A_648 = vector.shape_cast %get3A_647 : vector<1x16xf32> to vector<16xf32>
      %add3A_649 = arith.addf %add3A_643, %get3A_648 : vector<16xf32>
      %get3A_650 = arith.constant 5 : i32
      %get3A_651 = arith.index_cast %get3A_650 : i32 to index
      %get3A_652 = arith.constant 80 : index
      %get3A_653 = tpu.vector_load %arg7[%get3A_651, %get3A_652] {strides = array<i32>} : memref<32x128xf32, #tpu.memory_space<vmem>>, vector<1x16xf32>,
      %get3A_654 = vector.shape_cast %get3A_653 : vector<1x16xf32> to vector<16xf32>
      %add3A_655 = arith.addf %add3A_649, %get3A_654 : vector<16xf32>
      %get3A_656 = arith.constant 6 : i32
      %get3A_657 = arith.index_cast %get3A_656 : i32 to index
      %get3A_658 = arith.constant 80 : index
      %get3A_659 = tpu.vector_load %arg7[%get3A_657, %get3A_658] {strides = array<i32>} : memref<32x128xf32, #tpu.memory_space<vmem>>, vector<1x16xf32>,
      %get3A_660 = vector.shape_cast %get3A_659 : vector<1x16xf32> to vector<16xf32>
      %add3A_661 = arith.addf %add3A_655, %get3A_660 : vector<16xf32>
      %get3A_662 = arith.constant 7 : i32
      %get3A_663 = arith.index_cast %get3A_662 : i32 to index
      %get3A_664 = arith.constant 80 : index
      %get3A_665 = tpu.vector_load %arg7[%get3A_663, %get3A_664] {strides = array<i32>} : memref<32x128xf32, #tpu.memory_space<vmem>>, vector<1x16xf32>,
      %get3A_666 = vector.shape_cast %get3A_665 : vector<1x16xf32> to vector<16xf32>
      %add3A_667 = arith.addf %add3A_661, %get3A_666 : vector<16xf32>
      %swap3A_668 = arith.constant 0 : i32
      %swap3A_669 = arith.index_cast %swap3A_668 : i32 to index
      %swap3A_670 = arith.constant 80 : index
      %swap3A_671 = tpu.vector_load %arg8[%swap3A_669, %swap3A_670] {strides = array<i32>} : memref<4x128xf32, #tpu.memory_space<vmem>>, vector<1x16xf32>,
      %swap3A_672 = vector.shape_cast %swap3A_671 : vector<1x16xf32> to vector<16xf32>
      %swap3A_673 = vector.shape_cast %add3A_667 : vector<16xf32> to vector<1x16xf32>
      tpu.vector_store %arg8[%swap3A_669, %swap3A_670], %swap3A_673 {strides = array<i32>} : memref<4x128xf32, #tpu.memory_space<vmem>>, vector<1x16xf32>,
      %get3A_674 = arith.constant 8 : i32
      %get3A_675 = arith.index_cast %get3A_674 : i32 to index
      %get3A_676 = arith.constant 80 : index
      %get3A_677 = tpu.vector_load %arg7[%get3A_675, %get3A_676] {strides = array<i32>} : memref<32x128xf32, #tpu.memory_space<vmem>>, vector<1x16xf32>,
      %get3A_678 = vector.shape_cast %get3A_677 : vector<1x16xf32> to vector<16xf32>
      %get3A_679 = arith.constant 9 : i32
      %get3A_680 = arith.index_cast %get3A_679 : i32 to index
      %get3A_681 = arith.constant 80 : index
      %get3A_682 = tpu.vector_load %arg7[%get3A_680, %get3A_681] {strides = array<i32>} : memref<32x128xf32, #tpu.memory_space<vmem>>, vector<1x16xf32>,
      %get3A_683 = vector.shape_cast %get3A_682 : vector<1x16xf32> to vector<16xf32>
      %add3A_684 = arith.addf %get3A_678, %get3A_683 : vector<16xf32>
      %get3A_685 = arith.constant 10 : i32
      %get3A_686 = arith.index_cast %get3A_685 : i32 to index
      %get3A_687 = arith.constant 80 : index
      %get3A_688 = tpu.vector_load %arg7[%get3A_686, %get3A_687] {strides = array<i32>} : memref<32x128xf32, #tpu.memory_space<vmem>>, vector<1x16xf32>,
      %get3A_689 = vector.shape_cast %get3A_688 : vector<1x16xf32> to vector<16xf32>
      %add3A_690 = arith.addf %add3A_684, %get3A_689 : vector<16xf32>
      %get3A_691 = arith.constant 11 : i32
      %get3A_692 = arith.index_cast %get3A_691 : i32 to index
      %get3A_693 = arith.constant 80 : index
      %get3A_694 = tpu.vector_load %arg7[%get3A_692, %get3A_693] {strides = array<i32>} : memref<32x128xf32, #tpu.memory_space<vmem>>, vector<1x16xf32>,
      %get3A_695 = vector.shape_cast %get3A_694 : vector<1x16xf32> to vector<16xf32>
      %add3A_696 = arith.addf %add3A_690, %get3A_695 : vector<16xf32>
      %get3A_697 = arith.constant 12 : i32
      %get3A_698 = arith.index_cast %get3A_697 : i32 to index
      %get3A_699 = arith.constant 80 : index
      %get3A_700 = tpu.vector_load %arg7[%get3A_698, %get3A_699] {strides = array<i32>} : memref<32x128xf32, #tpu.memory_space<vmem>>, vector<1x16xf32>,
      %get3A_701 = vector.shape_cast %get3A_700 : vector<1x16xf32> to vector<16xf32>
      %add3A_702 = arith.addf %add3A_696, %get3A_701 : vector<16xf32>
      %get3A_703 = arith.constant 13 : i32
      %get3A_704 = arith.index_cast %get3A_703 : i32 to index
      %get3A_705 = arith.constant 80 : index
      %get3A_706 = tpu.vector_load %arg7[%get3A_704, %get3A_705] {strides = array<i32>} : memref<32x128xf32, #tpu.memory_space<vmem>>, vector<1x16xf32>,
      %get3A_707 = vector.shape_cast %get3A_706 : vector<1x16xf32> to vector<16xf32>
      %add3A_708 = arith.addf %add3A_702, %get3A_707 : vector<16xf32>
      %get3A_709 = arith.constant 14 : i32
      %get3A_710 = arith.index_cast %get3A_709 : i32 to index
      %get3A_711 = arith.constant 80 : index
      %get3A_712 = tpu.vector_load %arg7[%get3A_710, %get3A_711] {strides = array<i32>} : memref<32x128xf32, #tpu.memory_space<vmem>>, vector<1x16xf32>,
      %get3A_713 = vector.shape_cast %get3A_712 : vector<1x16xf32> to vector<16xf32>
      %add3A_714 = arith.addf %add3A_708, %get3A_713 : vector<16xf32>
      %get3A_715 = arith.constant 15 : i32
      %get3A_716 = arith.index_cast %get3A_715 : i32 to index
      %get3A_717 = arith.constant 80 : index
      %get3A_718 = tpu.vector_load %arg7[%get3A_716, %get3A_717] {strides = array<i32>} : memref<32x128xf32, #tpu.memory_space<vmem>>, vector<1x16xf32>,
      %get3A_719 = vector.shape_cast %get3A_718 : vector<1x16xf32> to vector<16xf32>
      %add3A_720 = arith.addf %add3A_714, %get3A_719 : vector<16xf32>
      %swap3A_721 = arith.constant 1 : i32
      %swap3A_722 = arith.index_cast %swap3A_721 : i32 to index
      %swap3A_723 = arith.constant 80 : index
      %swap3A_724 = tpu.vector_load %arg8[%swap3A_722, %swap3A_723] {strides = array<i32>} : memref<4x128xf32, #tpu.memory_space<vmem>>, vector<1x16xf32>,
      %swap3A_725 = vector.shape_cast %swap3A_724 : vector<1x16xf32> to vector<16xf32>
      %swap3A_726 = vector.shape_cast %add3A_720 : vector<16xf32> to vector<1x16xf32>
      tpu.vector_store %arg8[%swap3A_722, %swap3A_723], %swap3A_726 {strides = array<i32>} : memref<4x128xf32, #tpu.memory_space<vmem>>, vector<1x16xf32>,
      %get3A_727 = arith.constant 0 : i32
      %get3A_728 = arith.index_cast %get3A_727 : i32 to index
      %get3A_729 = arith.constant 96 : index
      %get3A_730 = tpu.vector_load %arg7[%get3A_728, %get3A_729] {strides = array<i32>} : memref<32x128xf32, #tpu.memory_space<vmem>>, vector<1x16xf32>,
      %get3A_731 = vector.shape_cast %get3A_730 : vector<1x16xf32> to vector<16xf32>
      %get3A_732 = arith.constant 1 : i32
      %get3A_733 = arith.index_cast %get3A_732 : i32 to index
      %get3A_734 = arith.constant 96 : index
      %get3A_735 = tpu.vector_load %arg7[%get3A_733, %get3A_734] {strides = array<i32>} : memref<32x128xf32, #tpu.memory_space<vmem>>, vector<1x16xf32>,
      %get3A_736 = vector.shape_cast %get3A_735 : vector<1x16xf32> to vector<16xf32>
      %add3A_737 = arith.addf %get3A_731, %get3A_736 : vector<16xf32>
      %get3A_738 = arith.constant 2 : i32
      %get3A_739 = arith.index_cast %get3A_738 : i32 to index
      %get3A_740 = arith.constant 96 : index
      %get3A_741 = tpu.vector_load %arg7[%get3A_739, %get3A_740] {strides = array<i32>} : memref<32x128xf32, #tpu.memory_space<vmem>>, vector<1x16xf32>,
      %get3A_742 = vector.shape_cast %get3A_741 : vector<1x16xf32> to vector<16xf32>
      %add3A_743 = arith.addf %add3A_737, %get3A_742 : vector<16xf32>
      %get3A_744 = arith.constant 3 : i32
      %get3A_745 = arith.index_cast %get3A_744 : i32 to index
      %get3A_746 = arith.constant 96 : index
      %get3A_747 = tpu.vector_load %arg7[%get3A_745, %get3A_746] {strides = array<i32>} : memref<32x128xf32, #tpu.memory_space<vmem>>, vector<1x16xf32>,
      %get3A_748 = vector.shape_cast %get3A_747 : vector<1x16xf32> to vector<16xf32>
      %add3A_749 = arith.addf %add3A_743, %get3A_748 : vector<16xf32>
      %get3A_750 = arith.constant 4 : i32
      %get3A_751 = arith.index_cast %get3A_750 : i32 to index
      %get3A_752 = arith.constant 96 : index
      %get3A_753 = tpu.vector_load %arg7[%get3A_751, %get3A_752] {strides = array<i32>} : memref<32x128xf32, #tpu.memory_space<vmem>>, vector<1x16xf32>,
      %get3A_754 = vector.shape_cast %get3A_753 : vector<1x16xf32> to vector<16xf32>
      %add3A_755 = arith.addf %add3A_749, %get3A_754 : vector<16xf32>
      %get3A_756 = arith.constant 5 : i32
      %get3A_757 = arith.index_cast %get3A_756 : i32 to index
      %get3A_758 = arith.constant 96 : index
      %get3A_759 = tpu.vector_load %arg7[%get3A_757, %get3A_758] {strides = array<i32>} : memref<32x128xf32, #tpu.memory_space<vmem>>, vector<1x16xf32>,
      %get3A_760 = vector.shape_cast %get3A_759 : vector<1x16xf32> to vector<16xf32>
      %add3A_761 = arith.addf %add3A_755, %get3A_760 : vector<16xf32>
      %get3A_762 = arith.constant 6 : i32
      %get3A_763 = arith.index_cast %get3A_762 : i32 to index
      %get3A_764 = arith.constant 96 : index
      %get3A_765 = tpu.vector_load %arg7[%get3A_763, %get3A_764] {strides = array<i32>} : memref<32x128xf32, #tpu.memory_space<vmem>>, vector<1x16xf32>,
      %get3A_766 = vector.shape_cast %get3A_765 : vector<1x16xf32> to vector<16xf32>
      %add3A_767 = arith.addf %add3A_761, %get3A_766 : vector<16xf32>
      %get3A_768 = arith.constant 7 : i32
      %get3A_769 = arith.index_cast %get3A_768 : i32 to index
      %get3A_770 = arith.constant 96 : index
      %get3A_771 = tpu.vector_load %arg7[%get3A_769, %get3A_770] {strides = array<i32>} : memref<32x128xf32, #tpu.memory_space<vmem>>, vector<1x16xf32>,
      %get3A_772 = vector.shape_cast %get3A_771 : vector<1x16xf32> to vector<16xf32>
      %add3A_773 = arith.addf %add3A_767, %get3A_772 : vector<16xf32>
      %swap3A_774 = arith.constant 0 : i32
      %swap3A_775 = arith.index_cast %swap3A_774 : i32 to index
      %swap3A_776 = arith.constant 96 : index
      %swap3A_777 = tpu.vector_load %arg8[%swap3A_775, %swap3A_776] {strides = array<i32>} : memref<4x128xf32, #tpu.memory_space<vmem>>, vector<1x16xf32>,
      %swap3A_778 = vector.shape_cast %swap3A_777 : vector<1x16xf32> to vector<16xf32>
      %swap3A_779 = vector.shape_cast %add3A_773 : vector<16xf32> to vector<1x16xf32>
      tpu.vector_store %arg8[%swap3A_775, %swap3A_776], %swap3A_779 {strides = array<i32>} : memref<4x128xf32, #tpu.memory_space<vmem>>, vector<1x16xf32>,
      %get3A_780 = arith.constant 8 : i32
      %get3A_781 = arith.index_cast %get3A_780 : i32 to index
      %get3A_782 = arith.constant 96 : index
      %get3A_783 = tpu.vector_load %arg7[%get3A_781, %get3A_782] {strides = array<i32>} : memref<32x128xf32, #tpu.memory_space<vmem>>, vector<1x16xf32>,
      %get3A_784 = vector.shape_cast %get3A_783 : vector<1x16xf32> to vector<16xf32>
      %get3A_785 = arith.constant 9 : i32
      %get3A_786 = arith.index_cast %get3A_785 : i32 to index
      %get3A_787 = arith.constant 96 : index
      %get3A_788 = tpu.vector_load %arg7[%get3A_786, %get3A_787] {strides = array<i32>} : memref<32x128xf32, #tpu.memory_space<vmem>>, vector<1x16xf32>,
      %get3A_789 = vector.shape_cast %get3A_788 : vector<1x16xf32> to vector<16xf32>
      %add3A_790 = arith.addf %get3A_784, %get3A_789 : vector<16xf32>
      %get3A_791 = arith.constant 10 : i32
      %get3A_792 = arith.index_cast %get3A_791 : i32 to index
      %get3A_793 = arith.constant 96 : index
      %get3A_794 = tpu.vector_load %arg7[%get3A_792, %get3A_793] {strides = array<i32>} : memref<32x128xf32, #tpu.memory_space<vmem>>, vector<1x16xf32>,
      %get3A_795 = vector.shape_cast %get3A_794 : vector<1x16xf32> to vector<16xf32>
      %add3A_796 = arith.addf %add3A_790, %get3A_795 : vector<16xf32>
      %get3A_797 = arith.constant 11 : i32
      %get3A_798 = arith.index_cast %get3A_797 : i32 to index
      %get3A_799 = arith.constant 96 : index
      %get3A_800 = tpu.vector_load %arg7[%get3A_798, %get3A_799] {strides = array<i32>} : memref<32x128xf32, #tpu.memory_space<vmem>>, vector<1x16xf32>,
      %get3A_801 = vector.shape_cast %get3A_800 : vector<1x16xf32> to vector<16xf32>
      %add3A_802 = arith.addf %add3A_796, %get3A_801 : vector<16xf32>
      %get3A_803 = arith.constant 12 : i32
      %get3A_804 = arith.index_cast %get3A_803 : i32 to index
      %get3A_805 = arith.constant 96 : index
      %get3A_806 = tpu.vector_load %arg7[%get3A_804, %get3A_805] {strides = array<i32>} : memref<32x128xf32, #tpu.memory_space<vmem>>, vector<1x16xf32>,
      %get3A_807 = vector.shape_cast %get3A_806 : vector<1x16xf32> to vector<16xf32>
      %add3A_808 = arith.addf %add3A_802, %get3A_807 : vector<16xf32>
      %get3A_809 = arith.constant 13 : i32
      %get3A_810 = arith.index_cast %get3A_809 : i32 to index
      %get3A_811 = arith.constant 96 : index
      %get3A_812 = tpu.vector_load %arg7[%get3A_810, %get3A_811] {strides = array<i32>} : memref<32x128xf32, #tpu.memory_space<vmem>>, vector<1x16xf32>,
      %get3A_813 = vector.shape_cast %get3A_812 : vector<1x16xf32> to vector<16xf32>
      %add3A_814 = arith.addf %add3A_808, %get3A_813 : vector<16xf32>
      %get3A_815 = arith.constant 14 : i32
      %get3A_816 = arith.index_cast %get3A_815 : i32 to index
      %get3A_817 = arith.constant 96 : index
      %get3A_818 = tpu.vector_load %arg7[%get3A_816, %get3A_817] {strides = array<i32>} : memref<32x128xf32, #tpu.memory_space<vmem>>, vector<1x16xf32>,
      %get3A_819 = vector.shape_cast %get3A_818 : vector<1x16xf32> to vector<16xf32>
      %add3A_820 = arith.addf %add3A_814, %get3A_819 : vector<16xf32>
      %get3A_821 = arith.constant 15 : i32
      %get3A_822 = arith.index_cast %get3A_821 : i32 to index
      %get3A_823 = arith.constant 96 : index
      %get3A_824 = tpu.vector_load %arg7[%get3A_822, %get3A_823] {strides = array<i32>} : memref<32x128xf32, #tpu.memory_space<vmem>>, vector<1x16xf32>,
      %get3A_825 = vector.shape_cast %get3A_824 : vector<1x16xf32> to vector<16xf32>
      %add3A_826 = arith.addf %add3A_820, %get3A_825 : vector<16xf32>
      %swap3A_827 = arith.constant 1 : i32
      %swap3A_828 = arith.index_cast %swap3A_827 : i32 to index
      %swap3A_829 = arith.constant 96 : index
      %swap3A_830 = tpu.vector_load %arg8[%swap3A_828, %swap3A_829] {strides = array<i32>} : memref<4x128xf32, #tpu.memory_space<vmem>>, vector<1x16xf32>,
      %swap3A_831 = vector.shape_cast %swap3A_830 : vector<1x16xf32> to vector<16xf32>
      %swap3A_832 = vector.shape_cast %add3A_826 : vector<16xf32> to vector<1x16xf32>
      tpu.vector_store %arg8[%swap3A_828, %swap3A_829], %swap3A_832 {strides = array<i32>} : memref<4x128xf32, #tpu.memory_space<vmem>>, vector<1x16xf32>,
      %get3A_833 = arith.constant 0 : i32
      %get3A_834 = arith.index_cast %get3A_833 : i32 to index
      %get3A_835 = arith.constant 112 : index
      %get3A_836 = tpu.vector_load %arg7[%get3A_834, %get3A_835] {strides = array<i32>} : memref<32x128xf32, #tpu.memory_space<vmem>>, vector<1x16xf32>,
      %get3A_837 = vector.shape_cast %get3A_836 : vector<1x16xf32> to vector<16xf32>
      %get3A_838 = arith.constant 1 : i32
      %get3A_839 = arith.index_cast %get3A_838 : i32 to index
      %get3A_840 = arith.constant 112 : index
      %get3A_841 = tpu.vector_load %arg7[%get3A_839, %get3A_840] {strides = array<i32>} : memref<32x128xf32, #tpu.memory_space<vmem>>, vector<1x16xf32>,
      %get3A_842 = vector.shape_cast %get3A_841 : vector<1x16xf32> to vector<16xf32>
      %add3A_843 = arith.addf %get3A_837, %get3A_842 : vector<16xf32>
      %get3A_844 = arith.constant 2 : i32
      %get3A_845 = arith.index_cast %get3A_844 : i32 to index
      %get3A_846 = arith.constant 112 : index
      %get3A_847 = tpu.vector_load %arg7[%get3A_845, %get3A_846] {strides = array<i32>} : memref<32x128xf32, #tpu.memory_space<vmem>>, vector<1x16xf32>,
      %get3A_848 = vector.shape_cast %get3A_847 : vector<1x16xf32> to vector<16xf32>
      %add3A_849 = arith.addf %add3A_843, %get3A_848 : vector<16xf32>
      %get3A_850 = arith.constant 3 : i32
      %get3A_851 = arith.index_cast %get3A_850 : i32 to index
      %get3A_852 = arith.constant 112 : index
      %get3A_853 = tpu.vector_load %arg7[%get3A_851, %get3A_852] {strides = array<i32>} : memref<32x128xf32, #tpu.memory_space<vmem>>, vector<1x16xf32>,
      %get3A_854 = vector.shape_cast %get3A_853 : vector<1x16xf32> to vector<16xf32>
      %add3A_855 = arith.addf %add3A_849, %get3A_854 : vector<16xf32>
      %get3A_856 = arith.constant 4 : i32
      %get3A_857 = arith.index_cast %get3A_856 : i32 to index
      %get3A_858 = arith.constant 112 : index
      %get3A_859 = tpu.vector_load %arg7[%get3A_857, %get3A_858] {strides = array<i32>} : memref<32x128xf32, #tpu.memory_space<vmem>>, vector<1x16xf32>,
      %get3A_860 = vector.shape_cast %get3A_859 : vector<1x16xf32> to vector<16xf32>
      %add3A_861 = arith.addf %add3A_855, %get3A_860 : vector<16xf32>
      %get3A_862 = arith.constant 5 : i32
      %get3A_863 = arith.index_cast %get3A_862 : i32 to index
      %get3A_864 = arith.constant 112 : index
      %get3A_865 = tpu.vector_load %arg7[%get3A_863, %get3A_864] {strides = array<i32>} : memref<32x128xf32, #tpu.memory_space<vmem>>, vector<1x16xf32>,
      %get3A_866 = vector.shape_cast %get3A_865 : vector<1x16xf32> to vector<16xf32>
      %add3A_867 = arith.addf %add3A_861, %get3A_866 : vector<16xf32>
      %get3A_868 = arith.constant 6 : i32
      %get3A_869 = arith.index_cast %get3A_868 : i32 to index
      %get3A_870 = arith.constant 112 : index
      %get3A_871 = tpu.vector_load %arg7[%get3A_869, %get3A_870] {strides = array<i32>} : memref<32x128xf32, #tpu.memory_space<vmem>>, vector<1x16xf32>,
      %get3A_872 = vector.shape_cast %get3A_871 : vector<1x16xf32> to vector<16xf32>
      %add3A_873 = arith.addf %add3A_867, %get3A_872 : vector<16xf32>
      %get3A_874 = arith.constant 7 : i32
      %get3A_875 = arith.index_cast %get3A_874 : i32 to index
      %get3A_876 = arith.constant 112 : index
      %get3A_877 = tpu.vector_load %arg7[%get3A_875, %get3A_876] {strides = array<i32>} : memref<32x128xf32, #tpu.memory_space<vmem>>, vector<1x16xf32>,
      %get3A_878 = vector.shape_cast %get3A_877 : vector<1x16xf32> to vector<16xf32>
      %add3A_879 = arith.addf %add3A_873, %get3A_878 : vector<16xf32>
      %swap3A_880 = arith.constant 0 : i32
      %swap3A_881 = arith.index_cast %swap3A_880 : i32 to index
      %swap3A_882 = arith.constant 112 : index
      %swap3A_883 = tpu.vector_load %arg8[%swap3A_881, %swap3A_882] {strides = array<i32>} : memref<4x128xf32, #tpu.memory_space<vmem>>, vector<1x16xf32>,
      %swap3A_884 = vector.shape_cast %swap3A_883 : vector<1x16xf32> to vector<16xf32>
      %swap3A_885 = vector.shape_cast %add3A_879 : vector<16xf32> to vector<1x16xf32>
      tpu.vector_store %arg8[%swap3A_881, %swap3A_882], %swap3A_885 {strides = array<i32>} : memref<4x128xf32, #tpu.memory_space<vmem>>, vector<1x16xf32>,
      %get3A_886 = arith.constant 8 : i32
      %get3A_887 = arith.index_cast %get3A_886 : i32 to index
      %get3A_888 = arith.constant 112 : index
      %get3A_889 = tpu.vector_load %arg7[%get3A_887, %get3A_888] {strides = array<i32>} : memref<32x128xf32, #tpu.memory_space<vmem>>, vector<1x16xf32>,
      %get3A_890 = vector.shape_cast %get3A_889 : vector<1x16xf32> to vector<16xf32>
      %get3A_891 = arith.constant 9 : i32
      %get3A_892 = arith.index_cast %get3A_891 : i32 to index
      %get3A_893 = arith.constant 112 : index
      %get3A_894 = tpu.vector_load %arg7[%get3A_892, %get3A_893] {strides = array<i32>} : memref<32x128xf32, #tpu.memory_space<vmem>>, vector<1x16xf32>,
      %get3A_895 = vector.shape_cast %get3A_894 : vector<1x16xf32> to vector<16xf32>
      %add3A_896 = arith.addf %get3A_890, %get3A_895 : vector<16xf32>
      %get3A_897 = arith.constant 10 : i32
      %get3A_898 = arith.index_cast %get3A_897 : i32 to index
      %get3A_899 = arith.constant 112 : index
      %get3A_900 = tpu.vector_load %arg7[%get3A_898, %get3A_899] {strides = array<i32>} : memref<32x128xf32, #tpu.memory_space<vmem>>, vector<1x16xf32>,
      %get3A_901 = vector.shape_cast %get3A_900 : vector<1x16xf32> to vector<16xf32>
      %add3A_902 = arith.addf %add3A_896, %get3A_901 : vector<16xf32>
      %get3A_903 = arith.constant 11 : i32
      %get3A_904 = arith.index_cast %get3A_903 : i32 to index
      %get3A_905 = arith.constant 112 : index
      %get3A_906 = tpu.vector_load %arg7[%get3A_904, %get3A_905] {strides = array<i32>} : memref<32x128xf32, #tpu.memory_space<vmem>>, vector<1x16xf32>,
      %get3A_907 = vector.shape_cast %get3A_906 : vector<1x16xf32> to vector<16xf32>
      %add3A_908 = arith.addf %add3A_902, %get3A_907 : vector<16xf32>
      %get3A_909 = arith.constant 12 : i32
      %get3A_910 = arith.index_cast %get3A_909 : i32 to index
      %get3A_911 = arith.constant 112 : index
      %get3A_912 = tpu.vector_load %arg7[%get3A_910, %get3A_911] {strides = array<i32>} : memref<32x128xf32, #tpu.memory_space<vmem>>, vector<1x16xf32>,
      %get3A_913 = vector.shape_cast %get3A_912 : vector<1x16xf32> to vector<16xf32>
      %add3A_914 = arith.addf %add3A_908, %get3A_913 : vector<16xf32>
      %get3A_915 = arith.constant 13 : i32
      %get3A_916 = arith.index_cast %get3A_915 : i32 to index
      %get3A_917 = arith.constant 112 : index
      %get3A_918 = tpu.vector_load %arg7[%get3A_916, %get3A_917] {strides = array<i32>} : memref<32x128xf32, #tpu.memory_space<vmem>>, vector<1x16xf32>,
      %get3A_919 = vector.shape_cast %get3A_918 : vector<1x16xf32> to vector<16xf32>
      %add3A_920 = arith.addf %add3A_914, %get3A_919 : vector<16xf32>
      %get3A_921 = arith.constant 14 : i32
      %get3A_922 = arith.index_cast %get3A_921 : i32 to index
      %get3A_923 = arith.constant 112 : index
      %get3A_924 = tpu.vector_load %arg7[%get3A_922, %get3A_923] {strides = array<i32>} : memref<32x128xf32, #tpu.memory_space<vmem>>, vector<1x16xf32>,
      %get3A_925 = vector.shape_cast %get3A_924 : vector<1x16xf32> to vector<16xf32>
      %add3A_926 = arith.addf %add3A_920, %get3A_925 : vector<16xf32>
      %get3A_927 = arith.constant 15 : i32
      %get3A_928 = arith.index_cast %get3A_927 : i32 to index
      %get3A_929 = arith.constant 112 : index
      %get3A_930 = tpu.vector_load %arg7[%get3A_928, %get3A_929] {strides = array<i32>} : memref<32x128xf32, #tpu.memory_space<vmem>>, vector<1x16xf32>,
      %get3A_931 = vector.shape_cast %get3A_930 : vector<1x16xf32> to vector<16xf32>
      %add3A_932 = arith.addf %add3A_926, %get3A_931 : vector<16xf32>
      %swap3A_933 = arith.constant 1 : i32
      %swap3A_934 = arith.index_cast %swap3A_933 : i32 to index
      %swap3A_935 = arith.constant 112 : index
      %swap3A_936 = tpu.vector_load %arg8[%swap3A_934, %swap3A_935] {strides = array<i32>} : memref<4x128xf32, #tpu.memory_space<vmem>>, vector<1x16xf32>,
      %swap3A_937 = vector.shape_cast %swap3A_936 : vector<1x16xf32> to vector<16xf32>
      %swap3A_938 = vector.shape_cast %add3A_932 : vector<16xf32> to vector<1x16xf32>
      tpu.vector_store %arg8[%swap3A_934, %swap3A_935], %swap3A_938 {strides = array<i32>} : memref<4x128xf32, #tpu.memory_space<vmem>>, vector<1x16xf32>,
      "tpu.region"() ({
        %run_scoped3A = tpu.sem_alloc : memref<!tpu.dma_semaphore, #tpu.memory_space<semaphore_mem>>
        %dma_start3A_939 = arith.constant 0 : i32
        %dma_start3A_940 = arith.constant 0 : i32
        %dma_start3A_941 = tpu.memref_slice %arg8[%dma_start3A_939, %dma_start3A_940] : memref<4x128xf32, #tpu.memory_space<vmem>> -> memref<2x128xf32, #tpu.memory_space<vmem>>
        %dma_start3A_942 = arith.constant 0 : i32
        %dma_start3A_943 = tpu.memref_slice %arg4[%add3A_15, %dma_start3A_942] : memref<40x128xf32, #tpu.memory_space<hbm>> -> memref<2x128xf32, #tpu.memory_space<hbm>>
        %dma_start3A_944 = arith.constant 0 : i32
        %dma_start3A_945 = tpu.memref_slice %arg4[%add3A_15, %dma_start3A_944] : memref<40x128xf32, #tpu.memory_space<hbm>> -> memref<2x128xf32, #tpu.memory_space<hbm>>
        %dma_start3A_946 = arith.constant 0 : i32
        %dma_start3A_947 = arith.constant 0 : i32
        %dma_start3A_948 = tpu.memref_slice %arg8[%dma_start3A_946, %dma_start3A_947] : memref<4x128xf32, #tpu.memory_space<vmem>> -> memref<2x128xf32, #tpu.memory_space<vmem>>
        tpu.enqueue_dma source(%dma_start3A_948 : memref<2x128xf32, #tpu.memory_space<vmem>>) target(%dma_start3A_945 : memref<2x128xf32, #tpu.memory_space<hbm>>) target_semaphore(%run_scoped3A : memref<!tpu.dma_semaphore, #tpu.memory_space<semaphore_mem>>)
        %dma_wait3A_949 = arith.constant 0 : i32
        %dma_wait3A_950 = arith.constant 0 : i32
        %dma_wait3A_951 = tpu.memref_slice %arg8[%dma_wait3A_949, %dma_wait3A_950] : memref<4x128xf32, #tpu.memory_space<vmem>> -> memref<2x128xf32, #tpu.memory_space<vmem>>
        %dma_wait3A_952 = arith.constant 0 : i32
        %dma_wait3A_953 = tpu.memref_slice %arg4[%add3A_15, %dma_wait3A_952] : memref<40x128xf32, #tpu.memory_space<hbm>> -> memref<2x128xf32, #tpu.memory_space<hbm>>
        %dma_wait3A_954 = arith.constant 0 : i32
        %dma_wait3A_955 = tpu.memref_slice %arg4[%add3A_15, %dma_wait3A_954] : memref<40x128xf32, #tpu.memory_space<hbm>> -> memref<2x128xf32, #tpu.memory_space<hbm>>
        %dma_wait3A_956 = arith.constant 0 : i32
        %dma_wait3A_957 = arith.constant 0 : i32
        %dma_wait3A_958 = tpu.memref_slice %arg8[%dma_wait3A_956, %dma_wait3A_957] : memref<4x128xf32, #tpu.memory_space<vmem>> -> memref<2x128xf32, #tpu.memory_space<vmem>>
        tpu.wait_dma2 semaphore(%run_scoped3A : memref<!tpu.dma_semaphore, #tpu.memory_space<semaphore_mem>>) src(%dma_wait3A_958 : memref<2x128xf32, #tpu.memory_space<vmem>>) dst(%dma_wait3A_955 : memref<2x128xf32, #tpu.memory_space<hbm>>)
        tpu.yield
      }) : () -> ()
    } else {
    }
    return
  }
}

module attributes {stable_mosaic.version = 14 : i64} {
  func.func @_project_body(%arg0: memref<10x25xf32, #tpu.memory_space<vmem>>, %arg1: memref<2x25xf32, #tpu.memory_space<vmem>>, %arg2: memref<4x25xf32, #tpu.memory_space<vmem>>, %arg3: memref<4x25xf32, #tpu.memory_space<vmem>>, %arg4: memref<8x28xf32, #tpu.memory_space<vmem>>, %arg5: memref<128x128xf32, #tpu.memory_space<vmem>>, %arg6: memref<128xf32, #tpu.memory_space<vmem>>, %arg7: memref<40xi32, #tpu.memory_space<vmem>>, %arg8: memref<40xi32, #tpu.memory_space<vmem>>, %arg9: memref<40xi32, #tpu.memory_space<vmem>>, %arg10: memref<40xi32, #tpu.memory_space<vmem>>, %arg11: memref<40xi32, #tpu.memory_space<vmem>>, %arg12: memref<32x128xf32, #tpu.memory_space<vmem>>, %arg13: memref<5x64xi32, #tpu.memory_space<vmem>>) attributes {dimension_semantics = [], scalar_prefetch = 0 : i64, scratch_operands = 0 : i64, tpu.core_type = #tpu.core_type<tc>} {
    %get3A = arith.constant 0 : index
    %get3A_0 = arith.constant 0 : index
    %get3A_1 = vector.load %arg5[%get3A, %get3A_0] : memref<128x128xf32, #tpu.memory_space<vmem>>, vector<128x128xf32>
    %slice3A = vector.extract_strided_slice %get3A_1 {offsets = [0, 0], sizes = [128, 25], strides = [1, 1]} : vector<128x128xf32> to vector<128x25xf32>
    %get3A_2 = arith.constant 0 : index
    %get3A_3 = arith.constant 0 : index
    %get3A_4 = vector.load %arg0[%get3A_2, %get3A_3] : memref<10x25xf32, #tpu.memory_space<vmem>>, vector<10x25xf32>
    %dot_general3A = arith.constant dense<0.000000e+00> : vector<10x128xf32>
    %dot_general3A_5 = tpu.matmul %get3A_4, %slice3A, %dot_general3A {dimension_numbers = #tpu.dot_dimension_numbers<[1], [1], [0], [0], [0, 0, 1, 0], [], []>, transpose_lhs_hint = false} : vector<10x25xf32>, vector<128x25xf32>, vector<10x128xf32> -> vector<10x128xf32>
    %slice3A_6 = vector.extract_strided_slice %get3A_1 {offsets = [0, 25], sizes = [128, 25], strides = [1, 1]} : vector<128x128xf32> to vector<128x25xf32>
    %get3A_7 = arith.constant 0 : index
    %get3A_8 = arith.constant 0 : index
    %get3A_9 = vector.load %arg1[%get3A_7, %get3A_8] : memref<2x25xf32, #tpu.memory_space<vmem>>, vector<2x25xf32>
    %dot_general3A_10 = arith.constant dense<0.000000e+00> : vector<2x128xf32>
    %dot_general3A_11 = tpu.matmul %get3A_9, %slice3A_6, %dot_general3A_10 {dimension_numbers = #tpu.dot_dimension_numbers<[1], [1], [0], [0], [0, 0, 1, 0], [], []>, transpose_lhs_hint = false} : vector<2x25xf32>, vector<128x25xf32>, vector<2x128xf32> -> vector<2x128xf32>
    %slice3A_12 = vector.extract_strided_slice %get3A_1 {offsets = [0, 50], sizes = [128, 25], strides = [1, 1]} : vector<128x128xf32> to vector<128x25xf32>
    %get3A_13 = arith.constant 0 : index
    %get3A_14 = arith.constant 0 : index
    %get3A_15 = vector.load %arg2[%get3A_13, %get3A_14] : memref<4x25xf32, #tpu.memory_space<vmem>>, vector<4x25xf32>
    %dot_general3A_16 = arith.constant dense<0.000000e+00> : vector<4x128xf32>
    %dot_general3A_17 = tpu.matmul %get3A_15, %slice3A_12, %dot_general3A_16 {dimension_numbers = #tpu.dot_dimension_numbers<[1], [1], [0], [0], [0, 0, 1, 0], [], []>, transpose_lhs_hint = false} : vector<4x25xf32>, vector<128x25xf32>, vector<4x128xf32> -> vector<4x128xf32>
    %slice3A_18 = vector.extract_strided_slice %get3A_1 {offsets = [0, 75], sizes = [128, 25], strides = [1, 1]} : vector<128x128xf32> to vector<128x25xf32>
    %get3A_19 = arith.constant 0 : index
    %get3A_20 = arith.constant 0 : index
    %get3A_21 = vector.load %arg3[%get3A_19, %get3A_20] : memref<4x25xf32, #tpu.memory_space<vmem>>, vector<4x25xf32>
    %dot_general3A_22 = arith.constant dense<0.000000e+00> : vector<4x128xf32>
    %dot_general3A_23 = tpu.matmul %get3A_21, %slice3A_18, %dot_general3A_22 {dimension_numbers = #tpu.dot_dimension_numbers<[1], [1], [0], [0], [0, 0, 1, 0], [], []>, transpose_lhs_hint = false} : vector<4x25xf32>, vector<128x25xf32>, vector<4x128xf32> -> vector<4x128xf32>
    %slice3A_24 = vector.extract_strided_slice %get3A_1 {offsets = [0, 100], sizes = [128, 28], strides = [1, 1]} : vector<128x128xf32> to vector<128x28xf32>
    %get3A_25 = arith.constant 0 : index
    %get3A_26 = arith.constant 0 : index
    %get3A_27 = vector.load %arg4[%get3A_25, %get3A_26] : memref<8x28xf32, #tpu.memory_space<vmem>>, vector<8x28xf32>
    %dot_general3A_28 = arith.constant dense<0.000000e+00> : vector<8x128xf32>
    %dot_general3A_29 = tpu.matmul %get3A_27, %slice3A_24, %dot_general3A_28 {dimension_numbers = #tpu.dot_dimension_numbers<[1], [1], [0], [0], [0, 0, 1, 0], [], []>, transpose_lhs_hint = false} : vector<8x28xf32>, vector<128x28xf32>, vector<8x128xf32> -> vector<8x128xf32>
    %get3A_30 = arith.constant 0 : index
    %get3A_31 = vector.load %arg6[%get3A_30] : memref<128xf32, #tpu.memory_space<vmem>>, vector<128xf32>
    %reshape3A = vector.shape_cast %get3A_31 : vector<128xf32> to vector<1x128xf32>
    %broadcast_in_dim3A = arith.constant 0.000000e+00 : f32
    %broadcast_in_dim3A_32 = vector.broadcast %broadcast_in_dim3A : f32 to vector<3x128xf32>
    %concatenate3A = tpu.concatenate %dot_general3A_5, %dot_general3A_11, %dot_general3A_17, %dot_general3A_23, %dot_general3A_29, %reshape3A, %broadcast_in_dim3A_32 in 0 : vector<10x128xf32>, vector<2x128xf32>, vector<4x128xf32>, vector<4x128xf32>, vector<8x128xf32>, vector<1x128xf32>, vector<3x128xf32> -> vector<32x128xf32>
    %swap3A = arith.constant 0 : index
    %swap3A_33 = arith.constant 0 : index
    %swap3A_34 = vector.load %arg12[%swap3A, %swap3A_33] : memref<32x128xf32, #tpu.memory_space<vmem>>, vector<32x128xf32>
    tpu.vector_store %arg12[%swap3A, %swap3A_33], %concatenate3A {strides = array<i32>} : memref<32x128xf32, #tpu.memory_space<vmem>>, vector<32x128xf32>,
    %broadcast_in_dim3A_35 = arith.constant 0 : i32
    %broadcast_in_dim3A_36 = vector.broadcast %broadcast_in_dim3A_35 : i32 to vector<1x24xi32>
    %get3A_37 = arith.constant 0 : index
    %get3A_38 = vector.load %arg7[%get3A_37] : memref<40xi32, #tpu.memory_space<vmem>>, vector<40xi32>
    %add3A = arith.constant 0 : i32
    %add3A_39 = vector.broadcast %add3A : i32 to vector<40xi32>
    %add3A_40 = arith.addi %get3A_38, %add3A_39 : vector<40xi32>
    %reshape3A_41 = vector.shape_cast %add3A_40 : vector<40xi32> to vector<1x40xi32>
    %concatenate3A_42 = tpu.concatenate %reshape3A_41, %broadcast_in_dim3A_36 in 1 : vector<1x40xi32>, vector<1x24xi32> -> vector<1x64xi32>
    %get3A_43 = arith.constant 0 : index
    %get3A_44 = vector.load %arg8[%get3A_43] : memref<40xi32, #tpu.memory_space<vmem>>, vector<40xi32>
    %add3A_45 = arith.constant 10 : i32
    %add3A_46 = vector.broadcast %add3A_45 : i32 to vector<40xi32>
    %add3A_47 = arith.addi %get3A_44, %add3A_46 : vector<40xi32>
    %reshape3A_48 = vector.shape_cast %add3A_47 : vector<40xi32> to vector<1x40xi32>
    %concatenate3A_49 = tpu.concatenate %reshape3A_48, %broadcast_in_dim3A_36 in 1 : vector<1x40xi32>, vector<1x24xi32> -> vector<1x64xi32>
    %get3A_50 = arith.constant 0 : index
    %get3A_51 = vector.load %arg9[%get3A_50] : memref<40xi32, #tpu.memory_space<vmem>>, vector<40xi32>
    %add3A_52 = arith.constant 12 : i32
    %add3A_53 = vector.broadcast %add3A_52 : i32 to vector<40xi32>
    %add3A_54 = arith.addi %get3A_51, %add3A_53 : vector<40xi32>
    %reshape3A_55 = vector.shape_cast %add3A_54 : vector<40xi32> to vector<1x40xi32>
    %concatenate3A_56 = tpu.concatenate %reshape3A_55, %broadcast_in_dim3A_36 in 1 : vector<1x40xi32>, vector<1x24xi32> -> vector<1x64xi32>
    %get3A_57 = arith.constant 0 : index
    %get3A_58 = vector.load %arg10[%get3A_57] : memref<40xi32, #tpu.memory_space<vmem>>, vector<40xi32>
    %add3A_59 = arith.constant 16 : i32
    %add3A_60 = vector.broadcast %add3A_59 : i32 to vector<40xi32>
    %add3A_61 = arith.addi %get3A_58, %add3A_60 : vector<40xi32>
    %reshape3A_62 = vector.shape_cast %add3A_61 : vector<40xi32> to vector<1x40xi32>
    %concatenate3A_63 = tpu.concatenate %reshape3A_62, %broadcast_in_dim3A_36 in 1 : vector<1x40xi32>, vector<1x24xi32> -> vector<1x64xi32>
    %get3A_64 = arith.constant 0 : index
    %get3A_65 = vector.load %arg11[%get3A_64] : memref<40xi32, #tpu.memory_space<vmem>>, vector<40xi32>
    %add3A_66 = arith.constant 20 : i32
    %add3A_67 = vector.broadcast %add3A_66 : i32 to vector<40xi32>
    %add3A_68 = arith.addi %get3A_65, %add3A_67 : vector<40xi32>
    %reshape3A_69 = vector.shape_cast %add3A_68 : vector<40xi32> to vector<1x40xi32>
    %concatenate3A_70 = tpu.concatenate %reshape3A_69, %broadcast_in_dim3A_36 in 1 : vector<1x40xi32>, vector<1x24xi32> -> vector<1x64xi32>
    %concatenate3A_71 = tpu.concatenate %concatenate3A_42, %concatenate3A_49, %concatenate3A_56, %concatenate3A_63, %concatenate3A_70 in 0 : vector<1x64xi32>, vector<1x64xi32>, vector<1x64xi32>, vector<1x64xi32>, vector<1x64xi32> -> vector<5x64xi32>
    %swap3A_72 = arith.constant 0 : index
    %swap3A_73 = arith.constant 0 : index
    %swap3A_74 = vector.load %arg13[%swap3A_72, %swap3A_73] : memref<5x64xi32, #tpu.memory_space<vmem>>, vector<5x64xi32>
    tpu.vector_store %arg13[%swap3A_72, %swap3A_73], %concatenate3A_71 {strides = array<i32>} : memref<5x64xi32, #tpu.memory_space<vmem>>, vector<5x64xi32>,
    return
  }
}

</mosaic_0001>

<sc_bundles>
// kernel: kernel.4.cloned.1.call-start
scs
__scs_entry_jumppad:
0x0: {  	(pc) =	sbr.rel $0x88, $3  }
0x1: {  	(tag) =	ssettag $0x0;
	lr =	simm.s32 $0x1  }
0x2: {  	[smem:$0x3F95] =	sst lr;
	_ =	strace $0xD0000000  }
0x3: {  	_ = 	snop  }
0x4: {  	_ = 	snop  }
0x5: {  	_ = 	snop  }
0x6: {  	_ = 	snop  }
0x7: {  	_ = 	snop  }
__scs_overlays_trampoline_lowered:
0x8: {  	[smem:$0x3FA4] =	sst s0  }
0x9: {  	[smem:$0x3FA5] =	sst s1  }
0xa: {  	[smem:$0x3FA6] =	sst s2  }
0xb: {  	[smem:$0x3FA7] =	sst s3  }
0xc: {  	[smem:$0x3FA8] =	sst s4  }
0xd: {  	[smem:$0x3FA9] =	sst s5  }
0xe: {  	[smem:$0x3FAA] =	sst s6  }
0xf: {  	[smem:$0x3FAB] =	sst s7  }
0x10: {  	[smem:$0x3FAC] =	sst s8  }
0x11: {  	[smem:$0x3FAD] =	sst s9;
	s0 =	simm.s32 @!p0 $0x0  }
0x12: {  	s1 =	sld [smem:$0x3F93];
	s0 =	simm.s32 @p0 $0x1  }
0x13: {  	[smem:$0x3FAE] =	sst s0;
	s0 =	simm.s32 @!p1 $0x0  }
0x14: {  	s2 =	sld [smem:$0x3F92];
	s0 =	simm.s32 @p1 $0x1  }
0x15: {  	[smem:$0x3FAF] =	sst s0;
	s0 =	simm.s32 @!p2 $0x0  }
0x16: {  	s3 =	sld [smem:$0x3FDB];
	s0 =	simm.s32 @p2 $0x1  }
0x17: {  	s4 =	simm.s32 $0x1BF5;
	[smem:$0x3FB1] =	sst s0  }
0x18: {  	s0 =	sld [smem:$0x3F94];
	_ =	swait.ge [sflag:s4], $0x0  }
0x19: {  	s7 =	sld [smem:$0x3F95]  }
0x1a: {  	s8 =	sadd.s32 $0xFFFFE003, lr  }
0x1b: {  	s9 =	sadd.s32 $0xFFFFFEF7, lr;
	s5 =	simm.s32 $0xFFFFFFFF;
	p2 =	slt.u32 s8, $0xFFFFF086  }
0x1c: {  	p1 =	slt.u32 s9, $0xF7A;
	s5 =	simm.s32 @!p2 $0x0  }
0x1d: {  	s5 =	simm.s32 @p1 $0x1;
	p0 =	seq.s32 s7, s2  }
0x1e: {  	s7 =	smul.u32 @!p0 $0xF7A, s2;
	p2 =	seq.s32 @!p0 s5, $0x0  }
0x1f: {  	s9 =	smul.u32 $0xF7A, s1;
	s8 =	simm.s32 @!p0 $0x1BF5;
	p2 =	por !p2, p0  }
0x20: {  	[sflag:s8] =	ssyncset.s32 @!p0 $0xFFFFF086;
	s6 =	sadd.s32 @!p0 s3, s7;
	s7 =	simm.s32 @!p0 $0x108  }
0x21: {  	s3 =	sadd.s32 s3, s9;
	s6 =	sadd.s32 @!p0 $0x88, s6;
	s7 =	simm.s32 @p2 $0x1082  }
0x22: {  	[simem:s7], [sflag:s8] =	dma.local @!p0 [hbm:s6], $0xF7A  }
0x23: {  	s9 =	sor.u32 $0xD0000000, s2;
	s6 =	simm.s32 $0x108;
	_ =	swait.ge @!p0 [sflag:s8], $0x0  }
0x24: {  	s3 =	sadd.s32 $0x88, s3;
	s6 =	simm.s32 @!p1 $0x1082;
	[sflag:s4] =	ssyncset.s32 $0xFFFFF086  }
0x25: {  	[simem:s6], [sflag:s4] =	dma.local [hbm:s3], $0xF7A  }
0x26: {  	[smem:$0x3F95] =	sst s1;
	(tag) =	ssettag s2;
	_ =	strace s9  }
0x27: {  	s1 =	sld [smem:$0x3FA5]  }
0x28: {  	s2 =	sld [smem:$0x3FA6]  }
0x29: {  	s4 =	sld [smem:$0x3FA8]  }
0x2a: {  	p0 =	seq.s32 s5, $0x0;
	s5 =	sld [smem:$0x3FA9]  }
0x2b: {  	s6 =	sld [smem:$0x3FAA]  }
0x2c: {  	s7 =	sld [smem:$0x3FAB]  }
0x2d: {  	s3 =	simm.s32 $0x108;
	s8 =	sld [smem:$0x3FAC]  }
0x2e: {  	s3 =	simm.s32 @!p0 $0x1082;
	s9 =	sld [smem:$0x3FAD]  }
0x2f: {  	lr =	sadd.s32 s0, s3;
	s0 =	sld [smem:$0x3FA4]  }
0x30: {  	s3 =	sld [smem:$0x3FA7]  }
0x31: {  	[smem:$0x3FB0] =	sst s10  }
0x32: {  	s10 =	sld [smem:$0x3FAE];
	_ =	sdelay $0x3  }
0x33: {  	p0 =	seq.s32 s10, $0x1;
	s10 =	sld [smem:$0x3FB0];
	_ =	sdelay $0x3  }
0x34: {  	[smem:$0x3FB0] =	sst s10  }
0x35: {  	s10 =	sld [smem:$0x3FAF];
	_ =	sdelay $0x3  }
0x36: {  	p1 =	seq.s32 s10, $0x1;
	s10 =	sld [smem:$0x3FB0];
	_ =	sdelay $0x3  }
0x37: {  	[smem:$0x3FB0] =	sst s10  }
0x38: {  	s10 =	sld [smem:$0x3FB1]  }
0x39: {  	_ = 	snop;
	(pc) =	sbr.ind lr, $3  }
0x3a: {  	_ = 	snop  }
0x3b: {  	_ = 	snop  }
0x3c: {  	p2 =	seq.s32 s10, $0x1;
	s10 =	sld [smem:$0x3FB0]  }
0x3d: {  	_ =	shalt  }
0x3e: {  	_ =	shalt  }
0x3f: {  	_ =	shalt  }
0x40: {  	_ =	shalt  }
0x41: {  	_ =	shalt  }
0x42: {  	_ =	shalt  }
0x43: {  	_ =	shalt  }
0x44: {  	_ =	shalt  }
0x45: {  	_ =	shalt  }
0x46: {  	_ =	shalt  }
0x47: {  	_ =	shalt  }
0x48: {  	_ =	shalt  }
0x49: {  	_ =	shalt  }
0x4a: {  	_ =	shalt  }
0x4b: {  	_ =	shalt  }
0x4c: {  	_ =	shalt  }
0x4d: {  	_ =	shalt  }
0x4e: {  	_ =	shalt  }
0x4f: {  	_ =	shalt  }
0x50: {  	_ =	shalt  }
0x51: {  	_ =	shalt  }
0x52: {  	_ =	shalt  }
0x53: {  	_ =	shalt  }
0x54: {  	_ =	shalt  }
0x55: {  	_ =	shalt  }
0x56: {  	_ =	shalt  }
0x57: {  	_ =	shalt  }
0x58: {  	_ =	shalt  }
0x59: {  	_ =	shalt  }
0x5a: {  	_ =	shalt  }
0x5b: {  	_ =	shalt  }
0x5c: {  	_ =	shalt  }
0x5d: {  	_ =	shalt  }
0x5e: {  	_ =	shalt  }
0x5f: {  	_ =	shalt  }
0x60: {  	_ =	shalt  }
0x61: {  	_ =	shalt  }
0x62: {  	_ =	shalt  }
0x63: {  	_ =	shalt  }
0x64: {  	_ =	shalt  }
0x65: {  	_ =	shalt  }
0x66: {  	_ =	shalt  }
0x67: {  	_ =	shalt  }
0x68: {  	_ =	shalt  }
0x69: {  	_ =	shalt  }
0x6a: {  	_ =	shalt  }
0x6b: {  	_ =	shalt  }
0x6c: {  	_ =	shalt  }
0x6d: {  	_ =	shalt  }
0x6e: {  	_ =	shalt  }
0x6f: {  	_ =	shalt  }
0x70: {  	_ =	shalt  }
0x71: {  	_ =	shalt  }
0x72: {  	_ =	shalt  }
0x73: {  	_ =	shalt  }
0x74: {  	_ =	shalt  }
0x75: {  	_ =	shalt  }
0x76: {  	_ =	shalt  }
0x77: {  	_ =	shalt  }
0x78: {  	_ =	shalt  }
0x79: {  	_ =	shalt  }
0x7a: {  	_ =	shalt  }
0x7b: {  	_ =	shalt  }
0x7c: {  	_ =	shalt  }
0x7d: {  	_ =	shalt  }
0x7e: {  	_ =	shalt  }
0x7f: {  	_ =	shalt  }
0x80: {  	_ =	shalt  }
0x81: {  	_ =	shalt  }
0x82: {  	_ =	shalt  }
0x83: {  	_ =	shalt  }
0x84: {  	_ =	shalt  }
0x85: {  	_ =	shalt  }
0x86: {  	_ =	shalt  }
0x87: {  	_ =	shalt  }
.Lfunc_end0:
.L_simem_size_0:
called_computation_lowered:
.L_overlay_start_0:
0x88: {  	s0 =	sld [smem:$0x3FD9]  }
0x89: {  	s1 =	sld [smem:$0x3FFE];
	_ =	sdelay $0x3  }
0x8a: {  	s0 =	sadd.s32 s1, s0  }
0x8b: {  	[smem:$0x3FBC] =	sst s0  }
0x8c: {  	_ = 	snop  }
0x8d: {  	s0 =	sld [smem:$0x3FD0];
	(tm) =	ssettm $0x1  }
0x8e: {  	s16 =	sld [smem:$0x3FFB];
	_ =	sdelay $0x3  }
0x8f: {  	_ =	strace s16  }
0x90: {  	s1 =	sld [smem:$0x3FFC];
	_ =	sdelay $0x3  }
0x91: {  	_ =	strace s1  }
0x92: {  	s1 =	sld [smem:$0x3FFD];
	_ =	sdelay $0x3  }
0x93: {  	_ =	strace s1  }
0x94: {  	_ =	strace $0x8FFFFFFF  }
0x95: {  	s17 =	sld [smem:$0x3FDB];
	_ =	sdelay $0x1  }
0x96: {  	s2 =	simm.s32 $_scs_section_size  }
0x97: {  	s3 =	simm.s32 $_size__tile_overlayer_lowered;
	s4 =	simm.s32 $_tile_overlayer_lowered  }
0x98: {  	s20 =	simm.s32 $0x1BFF;
	s19 =	sshll.u32 s4, $0x1;
	s1 =	sadd.s32 s2, s17  }
0x99: {  	s5 =	simm.s32 $0x0;
	s18 =	sshll.u32 s3, $0x1;
	s3 =	sadd.s32 s19, s1  }
0x9a: {  	[timem:s5], [sflag:s20] =	dma.local [hbm:s3], s18  }
0x9b: {  	_ =	swait.ge [sflag:s20], s18  }
0x9c: {  	s2 =	ssub.s32 $0x0, s18;
	[sflag:s20] =	ssyncset.done $0x0  }
0x9d: {  	[sflag:s20] =	ssyncadd.s32 s2;
	_ =	sdelay $0x1  }
0x9e: {  	s21 =	simm.s32 $0x1B8B  }
0x9f: {  	_ =	swait.ge [sflag:s21], $0x1  }
0xa0: {  	[sflag:s21] =	ssyncset.done $0x0  }
0xa1: {  	s23 =	simm.s32 $0x1B8E;
	s22 =	sld [smem:$0x3FFE];
	[sflag:s21] =	ssyncadd.s32 $0xFFFFFFFF  }
0xa2: {  	s24 =	simm.s32 $execute0_lowered;
	[smem:$0x3FD2] =	sst s23  }
0xa3: {  	s3 =	sshll.u32 s24, $0x1;
	_ =	strace $0x80000046;
	[dreg:$0x1] =	wrdreg $0xFFFFFFFF  }
0xa4: {  	s25 =	simm.s32 $_size_execute0_lowered;
	s1 =	sadd.s32 s1, s3;
	[dreg:$0x0] =	wrdreg $0x0  }
0xa5: {  	s3 =	sshll.u32 s25, $0x1;
	[dreg:$0x2] =	wrdreg s1  }
0xa6: {  	[dreg:$0x3] =	wrdreg s3  }
0xa7: {  	[dreg:$0x4] =	wrdreg $0xC0  }
0xa8: {  	_ =	task [dreg:s5], $0x5FFFF  }
0xa9: {  	[dreg:$0x1] =	wrdreg $0xFFFFFFFF  }
0xaa: {  	[dreg:$0x0] =	wrdreg $0x60  }
0xab: {  	[dreg:$0x2] =	wrdreg s22  }
0xac: {  	[dreg:$0x3] =	wrdreg s0  }
0xad: {  	[dreg:$0x4] =	wrdreg $0x9  }
0xae: {  	_ =	task.clear_ibuf [dreg:s5], $0x5FFFF;
	_ =	strace $0x90000046  }
0xaf: {  	s26 =	simm.s32 $0x9;
	_ =	strace $0x80000048  }
0xb0: {  	_ =	swait.ge [sflag:s26], $0x1  }
0xb1: {  	[sflag:s26] =	ssyncadd.s32 $0xFFFFFFFF  }
0xb2: {  	_ =	strace $0x90000048  }
0xb3: {  	_ =	sfence  }
0xb4: {  	s28 =	sld [smem:$0x0];
	_ =	sdelay $0x1  }
0xb5: {  	s29 =	srdreg.scid  }
0xb6: {  	s30 =	sshll.u32 s29, $0xD;
	s31 =	sshrl.u32 s29, $0x2  }
0xb7: {  	s2 =	sand.u32 $0x4000, s30;
	s1 =	sand.u32 $0x1, s29;
	s0 =	sadd.s32 s31, s28  }
0xb8: {  	s1 =	sor.u32 s2, s1;
	s0 =	sshll.u32 s0, $0x11  }
0xb9: {  	s0 =	sor.u32 s0, s1  }
0xba: {  	s0 =	sadd.s32 $0x8F2B, s0  }
0xbb: {  	[sflag:s0] =	ssyncadd.remote.s32 $0x1  }
0xbc: {  	_ =	sfence.sel $0xFFFF  }
0xbd: {  	[dreg:$0x0] =	wrdreg $0xFFFFFFFF;
	(pc) =	sbr.abs _section_cstart, $3  }
0xbe: {  	[dreg:$0x1] =	wrdreg $0xFFFFFFFF  }
0xbf: {  	_ =	task.clear_ibuf [dreg:s5], $0x2FFFF;
	_ =	strace $0x9FFFFFFF  }
0xc0: {  	(tm) =	ssettm $0x7FFFFFFF  }
0xc1: {  	_ =	shalt  }
tec
execute0_lowered:
.L_overlay_start_1:
0x0: {  	(tag) =	ssettag $0x1  }
0x1: {  	s3 =	rddreg [dreg:$0x0]  }
0x2: {  	s2 =	rddreg [dreg:$0x1];
	s4 =	simm.s32 $0x0  }
0x3: {  	[smem:$0x7FF] =	sst s4  }
0x4: {  	s0 =	rddreg [dreg:$0x2];
	s1 =	sadd.s32 $0x2400, s3;
	_ =	strace $0x80000047  }
0x5: {  	[tilespmem:s4], [sflag:$0x2] =	stream.linear.gather [hbm4b:s1+s4], $0x280, $0x38;
	[tilespmem:$0x1680] =	vst v63  }
0x6: {  	s1 =	stileid.u32  }
0x7: {  	p0 =	sgt.u32 s1, $0x7  }
.Ltmp0:
0x8: {  	_ = 	snop;
	(pc) =	sbr.rel @p0 .LBB2_2-.Ltmp0, $4  }
0x9: {  	s5 =	simm.s32 $0x2  }
0xa: {  	_ =	swait.ge [sflag:s5], $0x280  }
0xb: {  	[sflag:s5] =	ssyncset.done $0x0  }
0xc: {  	s3 =	sadd.s32 $0x2200, s3;
	s6 =	sand.u32 $0xC, s1;
	[sflag:s5] =	ssyncadd.s32 $0xFFFFFD80  }
0xd: {  	s7 =	sshll.u32 s1, $0x2  }
0xe: {  	v0 =	vld [tilespmem:s7+$0x0]  }
0xf: {  	v1 =	vld [tilespmem:s7+$0x80]  }
0x10: {  	v2 =	vlaneseq.u32;
	vm0 =	vcmask $0x2320;
	v3 =	vld [tilespmem:s7+$0x100]  }
0x11: {  	vm1 =	vcmask $0x300;
	vm12 =	vcmask $0x2720;
	vm2 =	vcmask $0x700;
	v4 =	vld [tilespmem:s7+$0x180]  }
0x12: {  	vm13 =	vcmask $0x2B20;
	vm3 =	vcmask $0xB00;
	vm14 =	vcmask $0x2F20;
	v5 =	vld [tilespmem:s7+$0x200]  }
0x13: {  	vm4 =	vcmask $0xF00;
	v37 =	vimm.s32 $0x1E1D1C00;
	v2 =	vshrl.u32 v2, $0x3  }
0x14: {  	vm15 =	vcmask $0x3320;
	v0 =	vperm.xlane v0, v2;
	v1 =	vperm.xlane v1, v2  }
0x15: {  	vm5 =	vcmask $0x1300;
	vm0 =	vmor vm1, vm0;
	v34 =	vperm.xlane v3, v2  }
0x16: {  	vm1 =	vmor vm2, vm12;
	v35 =	vperm.xlane v4, v2;
	v0 =	vsel vm0, v0, v1  }
0x17: {  	vm2 =	vmor vm3, vm13;
	v36 =	vperm.xlane v5, v2;
	v0 =	vsel vm1, v0, v34  }
0x18: {  	vm3 =	vmor vm4, vm14;
	v3 =	vunpack.c.0.s8.s32 v37;
	v0 =	vsel vm2, v0, v35  }
0x19: {  	vm4 =	vmor vm5, vm15;
	v0 =	vsel vm3, v0, v36  }
0x1a: {  	v0 =	vsel vm4, v0, v3  }
0x1b: {  	[tilespmem:$0x400] =	vst v0  }
0x1c: {  	v0 =	vld [tilespmem:s7+$0x0]  }
0x1d: {  	v38 =	vld [tilespmem:s7+$0x80]  }
0x1e: {  	v39 =	vld [tilespmem:s7+$0x100]  }
0x1f: {  	v40 =	vld [tilespmem:s7+$0x180]  }
0x20: {  	v6 =	vld [tilespmem:s7+$0x200]  }
0x21: {  	v2 =	vor.u32 $0x2, v2  }
0x22: {  	v0 =	vperm.xlane v0, v2;
	v1 =	vperm.xlane v38, v2  }
0x23: {  	v4 =	vperm.xlane v39, v2  }
0x24: {  	v41 =	vperm.xlane v40, v2;
	v0 =	vsel vm0, v0, v1  }
0x25: {  	v2 =	vperm.xlane v6, v2;
	v0 =	vsel vm1, v0, v4  }
0x26: {  	v0 =	vsel vm2, v0, v41  }
0x27: {  	v0 =	vsel vm3, v0, v2  }
0x28: {  	s28 =	simm.s32 $0x20;
	v0 =	vsel vm4, v0, v3  }
0x29: {  	s8 =	simm.s32 $0x400;
	s9 =	simm.s32 $0x480;
	s29 =	simm.s32 $0x1;
	[tilespmem:$0x410] =	vst v0  }
0x2a: {  	[tilespmem:s9], [sflag:$0x1] =	stream.indirect.gather [hbm4b:s3+s28], $0x80, s8, s28, $0xb8;
	[tilespmem:$0x1680] =	vst v63  }
0x2b: {  	_ =	swait.ge [sflag:s29], $0x1000  }
0x2c: {  	[sflag:s29] =	ssyncset.done $0x0  }
0x2d: {  	[sflag:s29] =	ssyncadd.s32 $0xFFFFF000  }
0x2e: {  	v18 =	vld [tilespmem:$0x480]  }
0x2f: {  	v16 =	vld [tilespmem:$0x500]  }
0x30: {  	v61 =	vld [tilespmem:$0x5A0];
	_ =	sdelay $0x4  }
0x31: {  	[tilespmem:$0x1FA60] =	vst v61;
	v61 =	vld [tilespmem:$0xC20];
	_ =	sdelay $0x4  }
0x32: {  	[tilespmem:$0x1FB60] =	vst v61;
	v61 =	vld [tilespmem:$0x1320];
	_ =	sdelay $0x4  }
0x33: {  	[tilespmem:$0x1FB30] =	vst v61;
	v61 =	vld [tilespmem:$0x13A0];
	_ =	sdelay $0x4  }
0x34: {  	[tilespmem:$0x1FB70] =	vst v61;
	v61 =	vld [tilespmem:$0x1420];
	_ =	sdelay $0x4  }
0x35: {  	[tilespmem:$0x1FBB0] =	vst v61;
	v61 =	vld [tilespmem:$0x4B0];
	_ =	sdelay $0x4  }
0x36: {  	[tilespmem:$0x1FB90] =	vst v61;
	v61 =	vld [tilespmem:$0x530];
	_ =	sdelay $0x4  }
0x37: {  	[tilespmem:$0x1FBA0] =	vst v61;
	v61 =	vld [tilespmem:$0x5B0];
	_ =	sdelay $0x4  }
0x38: {  	[tilespmem:$0x1FBE0] =	vst v61;
	v61 =	vld [tilespmem:$0x630];
	_ =	sdelay $0x4  }
0x39: {  	[tilespmem:$0x1FC20] =	vst v61;
	v61 =	vld [tilespmem:$0x6B0];
	_ =	sdelay $0x4  }
0x3a: {  	[tilespmem:$0x1FC60] =	vst v61;
	v61 =	vld [tilespmem:$0x730];
	_ =	sdelay $0x4  }
0x3b: {  	[tilespmem:$0x1FCA0] =	vst v61;
	v61 =	vld [tilespmem:$0x7B0];
	_ =	sdelay $0x4  }
0x3c: {  	[tilespmem:$0x1FCE0] =	vst v61;
	v61 =	vld [tilespmem:$0x830];
	_ =	sdelay $0x2  }
0x3d: {  	v29 =	vld [tilespmem:$0x580]  }
0x3e: {  	v28 =	vld [tilespmem:$0x600]  }
0x3f: {  	[tilespmem:$0x1FD20] =	vst v61;
	v61 =	vld [tilespmem:$0x8B0]  }
0x40: {  	v41 =	vld [tilespmem:$0x680]  }
0x41: {  	v59 =	vld [tilespmem:$0x700]  }
0x42: {  	v42 =	vld [tilespmem:$0x780]  }
0x43: {  	v43 =	vld [tilespmem:$0x800]  }
0x44: {  	[tilespmem:$0x1FBC0] =	vst v61;
	v61 =	vld [tilespmem:$0x930]  }
0x45: {  	v10 =	vld [tilespmem:$0x880]  }
0x46: {  	v8 =	vld [tilespmem:$0x900]  }
0x47: {  	v11 =	vld [tilespmem:$0x980]  }
0x48: {  	v19 =	vld [tilespmem:$0xA00]  }
0x49: {  	[tilespmem:$0x1FBD0] =	vst v61;
	v61 =	vld [tilespmem:$0x9B0]  }
0x4a: {  	v39 =	vld [tilespmem:$0xA80]  }
0x4b: {  	v58 =	vld [tilespmem:$0xB80]  }
0x4c: {  	v44 =	vld [tilespmem:$0xC00]  }
0x4d: {  	v4 =	vld [tilespmem:$0xC80]  }
0x4e: {  	[tilespmem:$0x1FC10] =	vst v61;
	v61 =	vld [tilespmem:$0xA30]  }
0x4f: {  	v2 =	vld [tilespmem:$0xD00]  }
0x50: {  	v5 =	vld [tilespmem:$0xD80]  }
0x51: {  	v12 =	vld [tilespmem:$0xE00]  }
0x52: {  	v24 =	vld [tilespmem:$0xE80]  }
0x53: {  	[tilespmem:$0x1FC40] =	vst v61;
	v61 =	vld [tilespmem:$0xAB0]  }
0x54: {  	v36 =	vld [tilespmem:$0xF00]  }
0x55: {  	v48 =	vld [tilespmem:$0xF80]  }
0x56: {  	v56 =	vld [tilespmem:$0x1000]  }
0x57: {  	v1 =	vld [tilespmem:$0x1080]  }
0x58: {  	[tilespmem:$0x1FC80] =	vst v61;
	v61 =	vld [tilespmem:$0xB30]  }
0x59: {  	v0 =	vld [tilespmem:$0x1100]  }
0x5a: {  	v3 =	vld [tilespmem:$0x1180]  }
0x5b: {  	v6 =	vld [tilespmem:$0x1200]  }
0x5c: {  	v13 =	vld [tilespmem:$0x1280]  }
0x5d: {  	[tilespmem:$0x1FCC0] =	vst v61;
	v61 =	vld [tilespmem:$0xBB0]  }
0x5e: {  	v25 =	vld [tilespmem:$0x1300]  }
0x5f: {  	v31 =	vld [tilespmem:$0x1380]  }
0x60: {  	v40 =	vld [tilespmem:$0x490]  }
0x61: {  	v32 =	vld [tilespmem:$0x510]  }
0x62: {  	[tilespmem:$0x1FD00] =	vst v61;
	v61 =	vld [tilespmem:$0xC30]  }
0x63: {  	v55 =	vld [tilespmem:$0x610]  }
0x64: {  	v7 =	vld [tilespmem:$0x690]  }
0x65: {  	v45 =	vld [tilespmem:$0x710]  }
0x66: {  	v46 =	vld [tilespmem:$0x790]  }
0x67: {  	[tilespmem:$0x1FD40] =	vst v61;
	v61 =	vld [tilespmem:$0xCB0]  }
0x68: {  	v47 =	vld [tilespmem:$0x810]  }
0x69: {  	v26 =	vld [tilespmem:$0x890]  }
0x6a: {  	v20 =	vld [tilespmem:$0x910]  }
0x6b: {  	v30 =	vld [tilespmem:$0x990]  }
0x6c: {  	[tilespmem:$0x1FBF0] =	vst v61;
	v61 =	vld [tilespmem:$0xD30]  }
0x6d: {  	v60 =	vld [tilespmem:$0xA90]  }
0x6e: {  	v49 =	vld [tilespmem:$0xB10]  }
0x6f: {  	v50 =	vld [tilespmem:$0xB90]  }
0x70: {  	v51 =	vld [tilespmem:$0xC10]  }
0x71: {  	[tilespmem:$0x1FC00] =	vst v61;
	v61 =	vld [tilespmem:$0xDB0]  }
0x72: {  	v17 =	vld [tilespmem:$0xC90]  }
0x73: {  	v14 =	vld [tilespmem:$0xD10]  }
0x74: {  	v21 =	vld [tilespmem:$0xD90]  }
0x75: {  	v33 =	vld [tilespmem:$0xE10]  }
0x76: {  	[tilespmem:$0x1FC30] =	vst v61;
	v61 =	vld [tilespmem:$0xE30]  }
0x77: {  	v62 =	vld [tilespmem:$0xF10]  }
0x78: {  	v52 =	vld [tilespmem:$0xF90]  }
0x79: {  	v53 =	vld [tilespmem:$0x1010]  }
0x7a: {  	v9 =	vld [tilespmem:$0x1090]  }
0x7b: {  	[tilespmem:$0x1FC70] =	vst v61;
	v61 =	vld [tilespmem:$0xEB0]  }
0x7c: {  	v15 =	vld [tilespmem:$0x1190]  }
0x7d: {  	v22 =	vld [tilespmem:$0x1210]  }
0x7e: {  	v34 =	vld [tilespmem:$0x1290]  }
0x7f: {  	v23 =	vld [tilespmem:$0x1390]  }
0x80: {  	[tilespmem:$0x1FCB0] =	vst v61;
	v61 =	vld [tilespmem:$0xF30]  }
0x81: {  	v54 =	vld [tilespmem:$0x1410]  }
0x82: {  	v57 =	vld [tilespmem:$0x4A0]  }
0x83: {  	v63 =	vld [tilespmem:$0x520]  }
0x84: {  	v27 =	vld [tilespmem:$0x620]  }
0x85: {  	[tilespmem:$0x1FCF0] =	vst v61;
	v61 =	vld [tilespmem:$0xFB0]  }
0x86: {  	v35 =	vld [tilespmem:$0x6A0]  }
0x87: {  	v37 =	vld [tilespmem:$0x720]  }
0x88: {  	v38 =	vld [tilespmem:$0x7A0]  }
0x89: {  	[tilespmem:$0x1F980] =	vst v43;
	v43 =	vld [tilespmem:$0xB00]  }
0x8a: {  	[tilespmem:$0x1FD30] =	vst v61;
	v61 =	vld [tilespmem:$0x1030]  }
0x8b: {  	[tilespmem:$0x1F970] =	vst v42;
	v42 =	vld [tilespmem:$0x1400]  }
0x8c: {  	[tilespmem:$0x1F990] =	vst v44;
	v44 =	vld [tilespmem:$0x590]  }
0x8d: {  	[tilespmem:$0x1F9B0] =	vst v45;
	v45 =	vld [tilespmem:$0xA10]  }
0x8e: {  	[tilespmem:$0x1F9E0] =	vst v50;
	v50 =	vld [tilespmem:$0xE90]  }
0x8f: {  	[tilespmem:$0x1FD60] =	vst v61;
	v61 =	vld [tilespmem:$0x11B0]  }
0x90: {  	[tilespmem:$0x1F9A0] =	vst v7;
	v7 =	vld [tilespmem:$0x1110]  }
0x91: {  	[tilespmem:$0x1F9D0] =	vst v46;
	v46 =	vld [tilespmem:$0x1310]  }
0x92: {  	[tilespmem:$0x1F9F0] =	vst v47;
	v47 =	vld [tilespmem:$0x820]  }
0x93: {  	[tilespmem:$0x1FA50] =	vst v54;
	v54 =	vld [tilespmem:$0x8A0]  }
0x94: {  	[tilespmem:$0x1FC50] =	vst v61;
	v61 =	vld [tilespmem:$0x1230]  }
0x95: {  	[tilespmem:$0x1FA40] =	vst v57;
	v57 =	vld [tilespmem:$0x9A0]  }
0x96: {  	[tilespmem:$0x1F9C0] =	vst v49;
	v49 =	vld [tilespmem:$0xA20]  }
0x97: {  	[tilespmem:$0x1FA10] =	vst v51;
	v51 =	vld [tilespmem:$0xAA0]  }
0x98: {  	[tilespmem:$0x1FA00] =	vst v52;
	v52 =	vld [tilespmem:$0xB20]  }
0x99: {  	[tilespmem:$0x1FC90] =	vst v61;
	v61 =	vld [tilespmem:$0x12B0]  }
0x9a: {  	[tilespmem:$0x1FA30] =	vst v53;
	v53 =	vld [tilespmem:$0xBA0]  }
0x9b: {  	[tilespmem:$0x1FB00] =	vst v38;
	v38 =	vld [tilespmem:$0xCA0]  }
0x9c: {  	[tilespmem:$0x1FA90] =	vst v35;
	v35 =	vld [tilespmem:$0xD20]  }
0x9d: {  	[tilespmem:$0x1FA70] =	vst v27;
	v27 =	vld [tilespmem:$0xE20]  }
0x9e: {  	[tilespmem:$0x1FCD0] =	vst v61;
	v61 =	vld [tilespmem:$0x1330]  }
0x9f: {  	[tilespmem:$0x1FAC0] =	vst v37;
	v37 =	vld [tilespmem:$0xEA0]  }
0xa0: {  	[tilespmem:$0x1FA20] =	vst v23;
	v23 =	vld [tilespmem:$0x1120];
	v16 =	vadd.f32 v16, v18;
	v8 =	vadd.f32 v8, v10  }
0xa1: {  	v2 =	vadd.f32 v2, v4;
	v18 =	vld [tilespmem:$0xF40]  }
0xa2: {  	v10 =	vld [tilespmem:$0x1040];
	v16 =	vadd.f32 v29, v16;
	v29 =	vadd.f32 v11, v8  }
0xa3: {  	v2 =	vadd.f32 v5, v2;
	[tilespmem:$0x1FD10] =	vst v61;
	v61 =	vld [tilespmem:$0x13B0]  }
0xa4: {  	v4 =	vadd.f32 v19, v29;
	v29 =	vld [tilespmem:$0x10C0]  }
0xa5: {  	v0 =	vadd.f32 v0, v1;
	v2 =	vadd.f32 v12, v2;
	v12 =	vld [tilespmem:$0x1140]  }
0xa6: {  	v19 =	vld [tilespmem:$0x11C0]  }
0xa7: {  	v3 =	vadd.f32 v3, v0;
	v8 =	vadd.f32 v28, v16;
	v28 =	vld [tilespmem:$0x1F970]  }
0xa8: {  	[tilespmem:$0x1FD50] =	vst v61;
	v61 =	vld [tilespmem:$0x1430]  }
0xa9: {  	v3 =	vadd.f32 v6, v3;
	v6 =	vld [tilespmem:$0x1F990]  }
0xaa: {  	v16 =	vadd.f32 v20, v26;
	v26 =	vld [tilespmem:$0x6D0]  }
0xab: {  	v20 =	vadd.f32 v14, v17;
	v14 =	vld [tilespmem:$0xAD0]  }
0xac: {  	[tilespmem:$0x1FB40] =	vst v47;
	v47 =	vld [tilespmem:$0x920]  }
0xad: {  	[tilespmem:$0x1FD90] =	vst v61;
	v61 =	vld [tilespmem:$0x4C0]  }
0xae: {  	[tilespmem:$0x1FA80] =	vst v49;
	v49 =	vld [tilespmem:$0xDA0]  }
0xaf: {  	[tilespmem:$0x1FAB0] =	vst v51;
	v51 =	vld [tilespmem:$0xF20]  }
0xb0: {  	[tilespmem:$0x1FAE0] =	vst v52;
	v52 =	vld [tilespmem:$0xFA0]  }
0xb1: {  	[tilespmem:$0x1FB20] =	vst v53;
	v53 =	vld [tilespmem:$0x1020]  }
0xb2: {  	[tilespmem:$0x1FD70] =	vst v61;
	v61 =	vld [tilespmem:$0x540]  }
0xb3: {  	[tilespmem:$0x1FAA0] =	vst v27;
	v27 =	vld [tilespmem:$0x10A0]  }
0xb4: {  	[tilespmem:$0x1FAD0] =	vst v37;
	v37 =	vld [tilespmem:$0x11A0]  }
0xb5: {  	[tilespmem:$0x1FEA0] =	vst v18;
	v18 =	vld [tilespmem:$0x5D0]  }
0xb6: {  	v11 =	vadd.f32 v39, v4;
	v39 =	vld [tilespmem:$0x12C0]  }
0xb7: {  	[tilespmem:$0x1FD80] =	vst v61;
	v61 =	vld [tilespmem:$0x5C0]  }
0xb8: {  	v1 =	vadd.f32 v41, v8;
	v41 =	vld [tilespmem:$0x13C0]  }
0xb9: {  	v4 =	vld [tilespmem:$0x1440]  }
0xba: {  	v8 =	vld [tilespmem:$0x4D0]  }
0xbb: {  	v2 =	vadd.f32 v24, v2;
	v24 =	vld [tilespmem:$0x650]  }
0xbc: {  	[tilespmem:$0x1FDC0] =	vst v61;
	v61 =	vld [tilespmem:$0x640]  }
0xbd: {  	v1 =	vadd.f32 v59, v1;
	v59 =	vld [tilespmem:$0x1240]  }
0xbe: {  	v5 =	vadd.f32 v43, v11;
	v43 =	vld [tilespmem:$0x1340]  }
0xbf: {  	v11 =	vadd.f32 v32, v40;
	v32 =	vld [tilespmem:$0x1F9A0]  }
0xc0: {  	v3 =	vadd.f32 v13, v3;
	v40 =	vld [tilespmem:$0x850]  }
0xc1: {  	[tilespmem:$0x1FE00] =	vst v61;
	v61 =	vld [tilespmem:$0x6C0]  }
0xc2: {  	v3 =	vadd.f32 v25, v3;
	v25 =	vadd.f32 v7, v9;
	v9 =	vld [tilespmem:$0x1FA40]  }
0xc3: {  	v36 =	vadd.f32 v36, v2;
	v2 =	vld [tilespmem:$0xD60]  }
0xc4: {  	[tilespmem:$0x1FF40] =	vst v26;
	v26 =	vld [tilespmem:$0xB50]  }
0xc5: {  	v12 =	vadd.f32 v12, v29;
	v29 =	vld [tilespmem:$0xBE0]  }
0xc6: {  	[tilespmem:$0x1FE30] =	vst v61;
	v61 =	vld [tilespmem:$0x740]  }
0xc7: {  	[tilespmem:$0x1FB10] =	vst v51;
	v51 =	vld [tilespmem:$0x1220]  }
0xc8: {  	[tilespmem:$0x1FB50] =	vst v52;
	v52 =	vld [tilespmem:$0x12A0]  }
0xc9: {  	[tilespmem:$0x1FB80] =	vst v53;
	v53 =	vld [tilespmem:$0x10B0]  }
0xca: {  	v5 =	vadd.f32 v58, v5;
	v58 =	vld [tilespmem:$0x1F980]  }
0xcb: {  	[tilespmem:$0x1FE60] =	vst v61;
	v61 =	vld [tilespmem:$0x7C0]  }
0xcc: {  	v1 =	vadd.f32 v28, v1;
	v28 =	vld [tilespmem:$0x750]  }
0xcd: {  	v3 =	vadd.f32 v31, v3;
	v31 =	vld [tilespmem:$0x7D0]  }
0xce: {  	[tilespmem:$0x1FF20] =	vst v18;
	v18 =	vld [tilespmem:$0x950]  }
0xcf: {  	[tilespmem:$0x1FF00] =	vst v8;
	v8 =	vld [tilespmem:$0x1FA30]  }
0xd0: {  	[tilespmem:$0x1FE90] =	vst v61;
	v61 =	vld [tilespmem:$0x840]  }
0xd1: {  	[tilespmem:$0x1FF30] =	vst v24;
	v24 =	vadd.f32 v23, v27;
	v27 =	vld [tilespmem:$0x1FA80]  }
0xd2: {  	v23 =	vld [tilespmem:$0xED0]  }
0xd3: {  	v17 =	vadd.f32 v47, v54;
	v47 =	vld [tilespmem:$0x1FB10]  }
0xd4: {  	v12 =	vadd.f32 v19, v12;
	v19 =	vld [tilespmem:$0xCE0]  }
0xd5: {  	[tilespmem:$0x1FEC0] =	vst v61;
	v61 =	vld [tilespmem:$0x8C0]  }
0xd6: {  	v13 =	vadd.f32 v42, v3;
	v42 =	vld [tilespmem:$0x1F9B0]  }
0xd7: {  	v3 =	vadd.f32 v30, v16;
	v16 =	vld [tilespmem:$0x9D0]  }
0xd8: {  	v12 =	vadd.f32 v59, v12;
	v59 =	vld [tilespmem:$0xDE0]  }
0xd9: {  	v30 =	vadd.f32 v45, v3;
	v45 =	vld [tilespmem:$0x1F9D0]  }
0xda: {  	[tilespmem:$0x1FDA0] =	vst v61;
	v61 =	vld [tilespmem:$0x940]  }
0xdb: {  	[tilespmem:$0x1FFB0] =	vst v13;
	v13 =	vld [tilespmem:$0xA50]  }
0xdc: {  	v3 =	vld [tilespmem:$0xE60]  }
0xdd: {  	[tilespmem:$0x1FAF0] =	vst v52;
	v52 =	vld [tilespmem:$0x1130]  }
0xde: {  	v0 =	vadd.f32 v58, v1;
	v1 =	vadd.f32 v44, v11;
	v44 =	vld [tilespmem:$0x1F9C0]  }
0xdf: {  	[tilespmem:$0x1FDB0] =	vst v61;
	v61 =	vld [tilespmem:$0x9C0]  }
0xe0: {  	[tilespmem:$0x1FF50] =	vst v28;
	v28 =	vld [tilespmem:$0x1FA90]  }
0xe1: {  	[tilespmem:$0x1FF60] =	vst v31;
	v31 =	vld [tilespmem:$0x1FAB0]  }
0xe2: {  	v12 =	vadd.f32 v39, v12;
	v39 =	vld [tilespmem:$0xEE0]  }
0xe3: {  	v7 =	vadd.f32 v60, v30;
	v60 =	vld [tilespmem:$0x1FA10]  }
0xe4: {  	[tilespmem:$0x1FDF0] =	vst v61;
	v61 =	vld [tilespmem:$0xA40]  }
0xe5: {  	v30 =	vld [tilespmem:$0x1FAA0]  }
0xe6: {  	[tilespmem:$0x1FF70] =	vst v40;
	v40 =	vld [tilespmem:$0x1FAF0]  }
0xe7: {  	v2 =	vadd.f32 v2, v19;
	v19 =	vld [tilespmem:$0x970]  }
0xe8: {  	v1 =	vadd.f32 v55, v1;
	v55 =	vld [tilespmem:$0x1F9F0]  }
0xe9: {  	[tilespmem:$0x1FE20] =	vst v61;
	v61 =	vld [tilespmem:$0xAC0]  }
0xea: {  	[tilespmem:$0x1FF80] =	vst v0;
	v0 =	vadd.f32 v6, v5;
	v6 =	vadd.f32 v15, v25;
	v15 =	vld [tilespmem:$0x1FA50]  }
0xeb: {  	v5 =	vadd.f32 v21, v20;
	v20 =	vld [tilespmem:$0x1FA60]  }
0xec: {  	v21 =	vadd.f32 v35, v38;
	v38 =	vld [tilespmem:$0xD50]  }
0xed: {  	v25 =	vld [tilespmem:$0x1FA70]  }
0xee: {  	[tilespmem:$0x1FE50] =	vst v61;
	v61 =	vld [tilespmem:$0xB40]  }
0xef: {  	v35 =	vld [tilespmem:$0xE50]  }
0xf0: {  	v12 =	vadd.f32 v43, v12;
	v43 =	vld [tilespmem:$0xFE0]  }
0xf1: {  	v2 =	vadd.f32 v59, v2;
	v59 =	vld [tilespmem:$0xB70]  }
0xf2: {  	v6 =	vadd.f32 v22, v6;
	v22 =	vld [tilespmem:$0xC50]  }
0xf3: {  	[tilespmem:$0x1FE80] =	vst v61;
	v61 =	vld [tilespmem:$0xBC0]  }
0xf4: {  	v1 =	vadd.f32 v32, v1;
	v32 =	vld [tilespmem:$0x1FAC0]  }
0xf5: {  	v5 =	vadd.f32 v33, v5;
	v33 =	vld [tilespmem:$0x1FAD0]  }
0xf6: {  	[tilespmem:$0x1FEF0] =	vst v10;
	v11 =	vadd.f32 v63, v9;
	v9 =	vadd.f32 v49, v21;
	v49 =	vld [tilespmem:$0x1FB30]  }
0xf7: {  	v12 =	vadd.f32 v41, v12;
	v41 =	vld [tilespmem:$0x1FEF0]  }
0xf8: {  	[tilespmem:$0x1FEB0] =	vst v61;
	v61 =	vld [tilespmem:$0xC40]  }
0xf9: {  	v7 =	vadd.f32 v44, v7;
	v44 =	vld [tilespmem:$0xCD0]  }
0xfa: {  	v1 =	vadd.f32 v42, v1;
	v42 =	vld [tilespmem:$0xBD0]  }
0xfb: {  	v6 =	vadd.f32 v34, v6;
	v34 =	vld [tilespmem:$0xF50]  }
0xfc: {  	v9 =	vadd.f32 v30, v9;
	v30 =	vadd.f32 v52, v53;
	v52 =	vld [tilespmem:$0x4E0]  }
0xfd: {  	v2 =	vadd.f32 v3, v2;
	[tilespmem:$0x1FEE0] =	vst v61;
	v61 =	vld [tilespmem:$0xCC0]  }
0xfe: {  	v53 =	vld [tilespmem:$0x560]  }
0xff: {  	v2 =	vadd.f32 v39, v2;
	v39 =	vld [tilespmem:$0xDF0]  }
0x100: {  	v1 =	vadd.f32 v45, v1;
	v45 =	vld [tilespmem:$0xDD0]  }
0x101: {  	[tilespmem:$0x1FF90] =	vst v0;
	v5 =	vadd.f32 v50, v5;
	v50 =	vadd.f32 v46, v6;
	v46 =	vld [tilespmem:$0x1FB00]  }
0x102: {  	v0 =	vadd.f32 v55, v1;
	[tilespmem:$0x1FDD0] =	vst v61;
	v61 =	vld [tilespmem:$0xD40]  }
0x103: {  	v1 =	vadd.f32 v20, v11;
	v11 =	vadd.f32 v37, v24;
	v37 =	vld [tilespmem:$0x1FAE0]  }
0x104: {  	v9 =	vadd.f32 v33, v9;
	v55 =	vld [tilespmem:$0x1FB60]  }
0x105: {  	v38 =	vadd.f32 v38, v44;
	v44 =	vld [tilespmem:$0x1FF30]  }
0x106: {  	v9 =	vadd.f32 v47, v9;
	v47 =	vld [tilespmem:$0x11D0]  }
0x107: {  	[tilespmem:$0x1FDE0] =	vst v61;
	v61 =	vld [tilespmem:$0xDC0]  }
0x108: {  	v52 =	vadd.f32 v53, v52;
	v53 =	vld [tilespmem:$0x1FF90]  }
0x109: {  	v11 =	vadd.f32 v51, v11;
	v51 =	vld [tilespmem:$0x1FB50];
	v38 =	vadd.f32 v45, v38  }
0x10a: {  	v45 =	vld [tilespmem:$0x1FF40]  }
0x10b: {  	v11 =	vadd.f32 v40, v11;
	v35 =	vadd.f32 v35, v38;
	v38 =	vld [tilespmem:$0x1460]  }
0x10c: {  	v1 =	vadd.f32 v25, v1;
	[tilespmem:$0x1FE10] =	vst v61;
	v61 =	vld [tilespmem:$0xE40]  }
0x10d: {  	v11 =	vadd.f32 v49, v11;
	v49 =	vld [tilespmem:$0x12D0]  }
0x10e: {  	v1 =	vadd.f32 v28, v1;
	[tilespmem:$0x1500] =	vst v53;
	v53 =	vld [tilespmem:$0xA70]  }
0x10f: {  	v54 =	vadd.f32 v51, v9;
	v51 =	vld [tilespmem:$0x13D0]  }
0x110: {  	v1 =	vadd.f32 v32, v1;
	v23 =	vadd.f32 v23, v35;
	v35 =	vld [tilespmem:$0x570]  }
0x111: {  	[tilespmem:$0x1FE40] =	vst v61;
	v61 =	vld [tilespmem:$0xEC0]  }
0x112: {  	v1 =	vadd.f32 v46, v1;
	v46 =	vld [tilespmem:$0x1150]  }
0x113: {  	v23 =	vadd.f32 v34, v23;
	v34 =	vld [tilespmem:$0x670]  }
0x114: {  	v6 =	vld [tilespmem:$0x1FBE0]  }
0x115: {  	v32 =	vld [tilespmem:$0x1FC20]  }
0x116: {  	[tilespmem:$0x1FE70] =	vst v61;
	v61 =	vld [tilespmem:$0xFC0]  }
0x117: {  	v63 =	vld [tilespmem:$0x1FBC0]  }
0x118: {  	[tilespmem:$0x1FF10] =	vst v4;
	v4 =	vld [tilespmem:$0x1FBD0]  }
0x119: {  	v25 =	vld [tilespmem:$0x1FC10]  }
0x11a: {  	v40 =	vld [tilespmem:$0x1FC40]  }
0x11b: {  	v33 =	vld [tilespmem:$0x1FC30];
	[tilespmem:$0x1FED0] =	vst v61;
	v61 =	vadd.f32 v48, v36  }
0x11c: {  	v48 =	vld [tilespmem:$0x1F9E0]  }
0x11d: {  	v10 =	vadd.f32 v56, v61;
	v61 =	vld [tilespmem:$0x1FA20]  }
0x11e: {  	v56 =	vld [tilespmem:$0x1FA00]  }
0x11f: {  	v36 =	vld [tilespmem:$0x550]  }
0x120: {  	[tilespmem:$0x1FFA0] =	vst v10;
	v10 =	vld [tilespmem:$0x8D0]  }
0x121: {  	v5 =	vadd.f32 v62, v5;
	v7 =	vadd.f32 v48, v7;
	v48 =	vld [tilespmem:$0x1FB20]  }
0x122: {  	v62 =	vadd.f32 v61, v50;
	v50 =	vld [tilespmem:$0x1FB40]  }
0x123: {  	v58 =	vadd.f32 v56, v5;
	v56 =	vld [tilespmem:$0x1FB70]  }
0x124: {  	v5 =	vadd.f32 v57, v17;
	v57 =	vld [tilespmem:$0x1FB80]  }
0x125: {  	[tilespmem:$0x1FFC0] =	vst v0;
	v0 =	vadd.f32 v60, v7;
	v60 =	vld [tilespmem:$0x1FBA0]  }
0x126: {  	v7 =	vld [tilespmem:$0x1FBF0]  }
0x127: {  	v5 =	vadd.f32 v27, v5;
	v27 =	vld [tilespmem:$0xFD0]  }
0x128: {  	[tilespmem:$0x1FFD0] =	vst v0;
	v0 =	vadd.f32 v8, v58;
	v58 =	vld [tilespmem:$0x1FB90]  }
0x129: {  	v8 =	vld [tilespmem:$0x1FC00]  }
0x12a: {  	v10 =	vadd.f32 v18, v10;
	v18 =	vld [tilespmem:$0x11E0]  }
0x12b: {  	[tilespmem:$0x1FFE0] =	vst v0;
	v0 =	vadd.f32 v15, v62;
	v15 =	vld [tilespmem:$0x1050]  }
0x12c: {  	v62 =	vld [tilespmem:$0x1FBB0]  }
0x12d: {  	v24 =	vadd.f32 v50, v1;
	v50 =	vld [tilespmem:$0x1350]  }
0x12e: {  	v5 =	vadd.f32 v31, v5;
	v31 =	vadd.f32 v57, v54;
	v54 =	vld [tilespmem:$0x1450]  }
0x12f: {  	v11 =	vadd.f32 v56, v11;
	v56 =	vld [tilespmem:$0x1FC60]  }
0x130: {  	v57 =	vld [tilespmem:$0x1FC70]  }
0x131: {  	v1 =	vld [tilespmem:$0x10E0]  }
0x132: {  	v5 =	vadd.f32 v37, v5;
	v37 =	vld [tilespmem:$0x10D0]  }
0x133: {  	v61 =	vadd.f32 v60, v58;
	v58 =	vld [tilespmem:$0x1FC80]  }
0x134: {  	v60 =	vld [tilespmem:$0x1FC90]  }
0x135: {  	v9 =	vadd.f32 v8, v7;
	v7 =	vld [tilespmem:$0x1FCE0]  }
0x136: {  	v8 =	vld [tilespmem:$0x1FCF0]  }
0x137: {  	v23 =	vadd.f32 v27, v23;
	v27 =	vld [tilespmem:$0x770]  }
0x138: {  	v10 =	vadd.f32 v16, v10;
	[tilespmem:$0x15A0] =	vst v31;
	v31 =	vld [tilespmem:$0xD70];
	v5 =	vadd.f32 v48, v5  }
0x139: {  	v48 =	vld [tilespmem:$0x1250];
	v11 =	vadd.f32 v62, v11;
	v17 =	vadd.f32 v6, v61  }
0x13a: {  	v62 =	vld [tilespmem:$0x1FCA0];
	v28 =	vadd.f32 v55, v5;
	v5 =	vadd.f32 v4, v63  }
0x13b: {  	v10 =	vadd.f32 v13, v10;
	v55 =	vld [tilespmem:$0x1FC50];
	v17 =	vadd.f32 v32, v17  }
0x13c: {  	v63 =	vld [tilespmem:$0x1FCB0];
	v20 =	vadd.f32 v25, v5  }
0x13d: {  	v10 =	vadd.f32 v14, v10;
	v4 =	vld [tilespmem:$0x1FCC0];
	v17 =	vadd.f32 v56, v17  }
0x13e: {  	v14 =	vld [tilespmem:$0x4F0];
	v21 =	vadd.f32 v33, v9;
	v20 =	vadd.f32 v40, v20  }
0x13f: {  	v6 =	vld [tilespmem:$0x1FCD0];
	v17 =	vadd.f32 v62, v17  }
0x140: {  	v9 =	vld [tilespmem:$0x1FD00];
	v21 =	vadd.f32 v57, v21;
	v20 =	vadd.f32 v58, v20  }
0x141: {  	v25 =	vadd.f32 v55, v30;
	v17 =	vadd.f32 v7, v17;
	v7 =	vld [tilespmem:$0x1FD30]  }
0x142: {  	v21 =	vadd.f32 v63, v21;
	v5 =	vadd.f32 v4, v20;
	v4 =	vld [tilespmem:$0x1FD10]  }
0x143: {  	v33 =	vld [tilespmem:$0x7E0];
	v61 =	vadd.f32 v60, v25  }
0x144: {  	v10 =	vadd.f32 v26, v10;
	v26 =	vld [tilespmem:$0x5F0];
	v21 =	vadd.f32 v8, v21  }
0x145: {  	v30 =	vadd.f32 v6, v61;
	v40 =	vadd.f32 v9, v5;
	v9 =	vld [tilespmem:$0x1FD40]  }
0x146: {  	v8 =	vadd.f32 v7, v21;
	v21 =	vld [tilespmem:$0x1FD50]  }
0x147: {  	v5 =	vadd.f32 v4, v30;
	v4 =	vld [tilespmem:$0x1FD60]  }
0x148: {  	v57 =	vld [tilespmem:$0x6E0]  }
0x149: {  	v6 =	vld [tilespmem:$0x1FD20]  }
0x14a: {  	v7 =	vld [tilespmem:$0x1FD90]  }
0x14b: {  	v30 =	vadd.f32 v9, v40;
	v9 =	vld [tilespmem:$0x1FDB0]  }
0x14c: {  	v40 =	vadd.f32 v21, v5;
	v21 =	vadd.f32 v4, v8;
	v8 =	vld [tilespmem:$0x1FDA0]  }
0x14d: {  	v16 =	vadd.f32 v46, v37;
	v37 =	vld [tilespmem:$0x12E0]  }
0x14e: {  	v10 =	vadd.f32 v42, v10;
	v42 =	vld [tilespmem:$0x6F0]  }
0x14f: {  	[tilespmem:$0x1520] =	vst v28;
	v28 =	vld [tilespmem:$0xCF0]  }
0x150: {  	v32 =	vadd.f32 v6, v17;
	v6 =	vld [tilespmem:$0x1FD80]  }
0x151: {  	v17 =	vadd.f32 v7, v40;
	v40 =	vadd.f32 v9, v8;
	v9 =	vld [tilespmem:$0x1FDF0]  }
0x152: {  	v5 =	vld [tilespmem:$0x1FD70]  }
0x153: {  	v56 =	vld [tilespmem:$0x660]  }
0x154: {  	v4 =	vld [tilespmem:$0x1FDC0]  }
0x155: {  	v13 =	vadd.f32 v47, v16;
	v16 =	vld [tilespmem:$0x13E0]  }
0x156: {  	v58 =	vadd.f32 v9, v40;
	v40 =	vld [tilespmem:$0x1FE00]  }
0x157: {  	v47 =	vld [tilespmem:$0x8F0];
	v63 =	vadd.f32 v6, v5  }
0x158: {  	v5 =	vld [tilespmem:$0x1FDD0]  }
0x159: {  	v8 =	vld [tilespmem:$0x1FDE0];
	v63 =	vadd.f32 v4, v63  }
0x15a: {  	v10 =	vadd.f32 v22, v10;
	v22 =	vld [tilespmem:$0x7F0]  }
0x15b: {  	v63 =	vadd.f32 v40, v63;
	v40 =	vld [tilespmem:$0x1FE30]  }
0x15c: {  	v55 =	vld [tilespmem:$0x5E0]  }
0x15d: {  	v62 =	vld [tilespmem:$0x960]  }
0x15e: {  	[tilespmem:$0x1FFF0] =	vst v0;
	v0 =	vadd.f32 v8, v5;
	v5 =	vld [tilespmem:$0x1FE20]  }
0x15f: {  	v13 =	vadd.f32 v48, v13;
	v48 =	vld [tilespmem:$0x1FF50]  }
0x160: {  	v63 =	vadd.f32 v40, v63;
	v40 =	vld [tilespmem:$0x1FE60]  }
0x161: {  	v25 =	vld [tilespmem:$0x760]  }
0x162: {  	v60 =	vld [tilespmem:$0x9E0]  }
0x163: {  	v58 =	vadd.f32 v5, v58;
	v5 =	vld [tilespmem:$0x1FE50]  }
0x164: {  	v13 =	vadd.f32 v49, v13;
	v49 =	vld [tilespmem:$0x1FF60]  }
0x165: {  	v63 =	vadd.f32 v40, v63;
	v40 =	vld [tilespmem:$0x1FE90]  }
0x166: {  	v20 =	vld [tilespmem:$0x860]  }
0x167: {  	v4 =	vld [tilespmem:$0x1FE10]  }
0x168: {  	v58 =	vadd.f32 v5, v58;
	v5 =	vld [tilespmem:$0x1FE80]  }
0x169: {  	v61 =	vld [tilespmem:$0x8E0]  }
0x16a: {  	v63 =	vadd.f32 v40, v63;
	v40 =	vld [tilespmem:$0x1FEC0]  }
0x16b: {  	v13 =	vadd.f32 v50, v13;
	v50 =	vld [tilespmem:$0x1FF70]  }
0x16c: {  	v0 =	vadd.f32 v4, v0;
	v4 =	vld [tilespmem:$0x1FE40]  }
0x16d: {  	v58 =	vadd.f32 v5, v58;
	v5 =	vld [tilespmem:$0x1FEB0]  }
0x16e: {  	v15 =	vadd.f32 v15, v23;
	v23 =	vadd.f32 v55, v52;
	v52 =	vld [tilespmem:$0x1FFC0]  }
0x16f: {  	v63 =	vadd.f32 v40, v63;
	v40 =	vld [tilespmem:$0x1FEE0]  }
0x170: {  	v55 =	vld [tilespmem:$0xAF0]  }
0x171: {  	v0 =	vadd.f32 v4, v0;
	v4 =	vld [tilespmem:$0x1FE70]  }
0x172: {  	v13 =	vadd.f32 v51, v13;
	v51 =	vld [tilespmem:$0x1FF80];
	v58 =	vadd.f32 v5, v58  }
0x173: {  	v23 =	vadd.f32 v56, v23;
	v56 =	vld [tilespmem:$0x1FFE0]  }
0x174: {  	v58 =	vadd.f32 v40, v58;
	v40 =	vld [tilespmem:$0x1FF00]  }
0x175: {  	v13 =	vadd.f32 v54, v13;
	v54 =	vadd.f32 v62, v61;
	v61 =	vld [tilespmem:$0x1FFA0]  }
0x176: {  	v0 =	vadd.f32 v4, v0;
	v4 =	vld [tilespmem:$0x1FEA0]  }
0x177: {  	v62 =	vld [tilespmem:$0x1FFB0]  }
0x178: {  	v5 =	vld [tilespmem:$0x1FED0]  }
0x179: {  	v36 =	vadd.f32 v36, v40;
	v40 =	vld [tilespmem:$0x1FF10]  }
0x17a: {  	v46 =	vadd.f32 v60, v54;
	v54 =	vld [tilespmem:$0x1FFD0]  }
0x17b: {  	v6 =	vld [tilespmem:$0xA60];
	v0 =	vadd.f32 v4, v0  }
0x17c: {  	v7 =	vld [tilespmem:$0xAE0]  }
0x17d: {  	v23 =	vadd.f32 v57, v23;
	v8 =	vld [tilespmem:$0xB60];
	v0 =	vadd.f32 v5, v0  }
0x17e: {  	v12 =	vadd.f32 v40, v12;
	v40 =	vld [tilespmem:$0x1FF20]  }
0x17f: {  	v23 =	vadd.f32 v25, v23;
	v0 =	vadd.f32 v41, v0;
	v41 =	vld [tilespmem:$0x1160]  }
0x180: {  	v6 =	vadd.f32 v6, v46;
	v4 =	vld [tilespmem:$0xF60]  }
0x181: {  	[tilespmem:$0x14A0] =	vst v24;
	v60 =	vld [tilespmem:$0x1FFF0];
	v23 =	vadd.f32 v33, v23  }
0x182: {  	[tilespmem:$0x1620] =	vst v11;
	v9 =	vld [tilespmem:$0xC60];
	v6 =	vadd.f32 v7, v6  }
0x183: {  	[tilespmem:$0x15D0] =	vst v15;
	v20 =	vadd.f32 v20, v23;
	v36 =	vadd.f32 v40, v36;
	v40 =	vld [tilespmem:$0x1260]  }
0x184: {  	[tilespmem:$0x1550] =	vst v10;
	v46 =	vld [tilespmem:$0xE70];
	v6 =	vadd.f32 v8, v6;
	v1 =	vadd.f32 v41, v1  }
0x185: {  	[tilespmem:$0x1480] =	vst v51;
	v51 =	vld [tilespmem:$0x12F0];
	v2 =	vadd.f32 v4, v2;
	v4 =	vadd.f32 v31, v28  }
0x186: {  	[tilespmem:$0x1490] =	vst v52;
	v6 =	vadd.f32 v29, v6;
	v5 =	vld [tilespmem:$0x1060];
	v1 =	vadd.f32 v18, v1  }
0x187: {  	[tilespmem:$0x1650] =	vst v13;
	v4 =	vadd.f32 v39, v4;
	v36 =	vadd.f32 v44, v36;
	v44 =	vld [tilespmem:$0x1360]  }
0x188: {  	[tilespmem:$0x14B0] =	vst v32;
	v33 =	vld [tilespmem:$0x10F0];
	v6 =	vadd.f32 v9, v6;
	v1 =	vadd.f32 v40, v1  }
0x189: {  	[tilespmem:$0x1590] =	vst v56;
	v2 =	vadd.f32 v43, v2;
	v4 =	vadd.f32 v46, v4;
	v41 =	vld [tilespmem:$0x9F0]  }
0x18a: {  	[tilespmem:$0x1530] =	vst v30;
	v36 =	vadd.f32 v45, v36;
	v1 =	vadd.f32 v37, v1;
	v37 =	vld [tilespmem:$0x1170]  }
0x18b: {  	v56 =	vld [tilespmem:$0x13F0];
	[tilespmem:$0x1580] =	vst v61;
	v2 =	vadd.f32 v5, v2;
	v40 =	vadd.f32 v35, v14  }
0x18c: {  	[tilespmem:$0x1600] =	vst v62;
	v43 =	vld [tilespmem:$0x11F0];
	v36 =	vadd.f32 v48, v36;
	v1 =	vadd.f32 v44, v1  }
0x18d: {  	v61 =	vld [tilespmem:$0xBF0];
	[tilespmem:$0x15B0] =	vst v21;
	v5 =	vadd.f32 v26, v40;
	v44 =	vadd.f32 v19, v47  }
0x18e: {  	[tilespmem:$0x1510] =	vst v54;
	v36 =	vadd.f32 v49, v36;
	v47 =	vld [tilespmem:$0x1270];
	v1 =	vadd.f32 v16, v1  }
0x18f: {  	[tilespmem:$0x1610] =	vst v60;
	v49 =	vld [tilespmem:$0xEF0];
	v16 =	vadd.f32 v41, v44;
	v11 =	vadd.f32 v37, v33  }
0x190: {  	[tilespmem:$0x1630] =	vst v17;
	v54 =	vld [tilespmem:$0x1370];
	v36 =	vadd.f32 v50, v36;
	v50 =	vadd.f32 v34, v5  }
0x191: {  	[tilespmem:$0x14E0] =	vst v20;
	v52 =	vadd.f32 v53, v16;
	v53 =	vld [tilespmem:$0xF70];
	v11 =	vadd.f32 v43, v11  }
0x192: {  	[tilespmem:$0x15C0] =	vst v0;
	v45 =	vld [tilespmem:$0x870];
	v0 =	vadd.f32 v42, v50;
	v1 =	vadd.f32 v38, v1  }
0x193: {  	[tilespmem:$0x1560] =	vst v6;
	v9 =	vadd.f32 v55, v52;
	v55 =	vld [tilespmem:$0xFF0];
	v8 =	vadd.f32 v47, v11  }
0x194: {  	v62 =	vld [tilespmem:$0xC70];
	[tilespmem:$0x14C0] =	vst v63;
	v4 =	vadd.f32 v49, v4;
	v0 =	vadd.f32 v27, v0  }
0x195: {  	v57 =	vld [tilespmem:$0x1070];
	[tilespmem:$0x1540] =	vst v58;
	v3 =	vadd.f32 v59, v9;
	v5 =	vadd.f32 v51, v8  }
0x196: {  	v58 =	vld [tilespmem:$0x1470];
	[tilespmem:$0x15E0] =	vst v2;
	v0 =	vadd.f32 v22, v0;
	v4 =	vadd.f32 v53, v4  }
0x197: {  	[tilespmem:$0x1640] =	vst v12;
	v3 =	vadd.f32 v61, v3;
	v5 =	vadd.f32 v54, v5  }
0x198: {  	[tilespmem:$0x14D0] =	vst v36;
	v0 =	vadd.f32 v45, v0;
	v59 =	vadd.f32 v55, v4  }
0x199: {  	[tilespmem:$0x1660] =	vst v1;
	v60 =	vadd.f32 v62, v3;
	v61 =	vadd.f32 v56, v5  }
0x19a: {  	[tilespmem:$0x14F0] =	vst v0;
	v62 =	vadd.f32 v57, v59  }
0x19b: {  	[tilespmem:$0x1570] =	vst v60;
	v63 =	vadd.f32 v58, v61  }
0x19c: {  	s30 =	sshll.u32 s1, $0x6;
	[tilespmem:$0x15F0] =	vst v62  }
0x19d: {  	s31 =	simm.s32 $0x1480;
	s7 =	sadd.s32 s2, s30;
	[tilespmem:$0x1670] =	vst v63  }
0x19e: {  	[hbm4b:s7+s4] =	stream.linear.scatter [tilespmem:s31], [sflag:$0x2], $0x200, $0x38;
	[tilespmem:$0x1680] =	vst v63  }
0x19f: {  	_ =	swait.ge [sflag:s5], $0x200  }
0x1a0: {  	[sflag:s5] =	ssyncset.done $0x0  }
0x1a1: {  	[sflag:s5] =	ssyncadd.s32 $0xFFFFFE00  }
.LBB2_2:
0x1a2: {  	p0 =	sne.s32 s6, $0x8  }
.Ltmp1:
0x1a3: {  	_ = 	snop;
	(pc) =	sbr.rel @p0 .LBB2_4-.Ltmp1, $1  }
0x1a4: {  	_ =	sdelay $0x3  }
0x1a5: {  	s4 =	sshll.u32 s1, $0x1  }
0x1a6: {  	v0 =	vld [tilespmem:s4+$0x10]  }
0x1a7: {  	v1 =	vld [tilespmem:s4+$0x90]  }
0x1a8: {  	v2 =	vlaneseq.u32;
	vm0 =	vcmask $0x2320;
	v3 =	vld [tilespmem:s4+$0x110]  }
0x1a9: {  	vm1 =	vcmask $0x300;
	vm6 =	vcmask $0x2720;
	vm2 =	vcmask $0x700;
	v4 =	vld [tilespmem:s4+$0x190]  }
0x1aa: {  	vm8 =	vcmask $0x2B20;
	vm9 =	vcmask $0xB00;
	vm11 =	vcmask $0x2F20;
	v5 =	vld [tilespmem:s4+$0x210]  }
0x1ab: {  	vm12 =	vcmask $0xF00;
	v57 =	vimm.s32 $0x1E1D1C00;
	v2 =	vshrl.u32 v2, $0x3  }
0x1ac: {  	vm13 =	vcmask $0x3320;
	v0 =	vperm.xlane v0, v2;
	v1 =	vperm.xlane v1, v2  }
0x1ad: {  	vm14 =	vcmask $0x1300;
	vm0 =	vmor vm1, vm0;
	v54 =	vperm.xlane v3, v2  }
0x1ae: {  	vm7 =	vmor vm2, vm6;
	v55 =	vperm.xlane v4, v2;
	v0 =	vsel vm0, v0, v1  }
0x1af: {  	vm10 =	vmor vm9, vm8;
	v56 =	vperm.xlane v5, v2;
	v0 =	vsel vm7, v0, v54  }
0x1b0: {  	v2 =	vunpack.c.0.s8.s32 v57;
	vm0 =	vmor vm12, vm11;
	v0 =	vsel vm10, v0, v55  }
0x1b1: {  	vm15 =	vmor vm14, vm13;
	v0 =	vsel vm0, v0, v56  }
0x1b2: {  	s25 =	simm.s32 $0x10;
	v0 =	vsel vm15, v0, v2  }
0x1b3: {  	s5 =	simm.s32 $0x400;
	s6 =	simm.s32 $0x480;
	s26 =	simm.s32 $0x1;
	[tilespmem:$0x400] =	vst v0  }
0x1b4: {  	[tilespmem:s6], [sflag:$0x1] =	stream.indirect.gather [hbm4b:s3+s25], $0x80, s5, s25, $0xb8;
	[tilespmem:$0x1680] =	vst v63  }
0x1b5: {  	_ =	swait.ge [sflag:s26], $0x800  }
0x1b6: {  	[sflag:s26] =	ssyncset.done $0x0  }
0x1b7: {  	[sflag:s26] =	ssyncadd.s32 $0xFFFFF800  }
0x1b8: {  	v0 =	vld [tilespmem:$0x480]  }
0x1b9: {  	v1 =	vld [tilespmem:$0x500]  }
0x1ba: {  	v2 =	vld [tilespmem:$0x580]  }
0x1bb: {  	v3 =	vld [tilespmem:$0x600]  }
0x1bc: {  	v4 =	vld [tilespmem:$0x680]  }
0x1bd: {  	v7 =	vld [tilespmem:$0x700]  }
0x1be: {  	v47 =	vld [tilespmem:$0x780]  }
0x1bf: {  	v58 =	vld [tilespmem:$0x800]  }
0x1c0: {  	v8 =	vld [tilespmem:$0x880]  }
0x1c1: {  	v9 =	vld [tilespmem:$0x900]  }
0x1c2: {  	v10 =	vld [tilespmem:$0x980]  }
0x1c3: {  	v11 =	vld [tilespmem:$0xA00]  }
0x1c4: {  	v12 =	vld [tilespmem:$0xA80]  }
0x1c5: {  	v13 =	vld [tilespmem:$0xB00]  }
0x1c6: {  	v14 =	vld [tilespmem:$0xB80]  }
0x1c7: {  	v39 =	vld [tilespmem:$0xC00]  }
0x1c8: {  	v16 =	vld [tilespmem:$0x490]  }
0x1c9: {  	v17 =	vld [tilespmem:$0x510]  }
0x1ca: {  	v18 =	vld [tilespmem:$0x590]  }
0x1cb: {  	v19 =	vld [tilespmem:$0x610]  }
0x1cc: {  	v20 =	vld [tilespmem:$0x690]  }
0x1cd: {  	v21 =	vld [tilespmem:$0x710]  }
0x1ce: {  	v22 =	vld [tilespmem:$0x790]  }
0x1cf: {  	v23 =	vld [tilespmem:$0x810]  }
0x1d0: {  	v24 =	vld [tilespmem:$0x890]  }
0x1d1: {  	v25 =	vld [tilespmem:$0x910]  }
0x1d2: {  	v26 =	vld [tilespmem:$0x990]  }
0x1d3: {  	v27 =	vld [tilespmem:$0xA10]  }
0x1d4: {  	v28 =	vld [tilespmem:$0xA90]  }
0x1d5: {  	v29 =	vld [tilespmem:$0xB10]  }
0x1d6: {  	v30 =	vld [tilespmem:$0xB90]  }
0x1d7: {  	v31 =	vld [tilespmem:$0xC10]  }
0x1d8: {  	v32 =	vld [tilespmem:$0x4A0]  }
0x1d9: {  	v33 =	vld [tilespmem:$0x520]  }
0x1da: {  	v34 =	vld [tilespmem:$0x5A0]  }
0x1db: {  	v35 =	vld [tilespmem:$0x620]  }
0x1dc: {  	v46 =	vld [tilespmem:$0x6A0]  }
0x1dd: {  	v59 =	vld [tilespmem:$0x720]  }
0x1de: {  	v60 =	vld [tilespmem:$0x7A0]  }
0x1df: {  	v61 =	vld [tilespmem:$0x820]  }
0x1e0: {  	v40 =	vld [tilespmem:$0x8A0]  }
0x1e1: {  	v41 =	vld [tilespmem:$0x920]  }
0x1e2: {  	v42 =	vld [tilespmem:$0x9A0]  }
0x1e3: {  	v43 =	vld [tilespmem:$0xA20]  }
0x1e4: {  	v44 =	vld [tilespmem:$0xAA0]  }
0x1e5: {  	v45 =	vld [tilespmem:$0xB20]  }
0x1e6: {  	v62 =	vld [tilespmem:$0xBA0]  }
0x1e7: {  	v63 =	vld [tilespmem:$0xC20]  }
0x1e8: {  	v48 =	vld [tilespmem:$0x4B0]  }
0x1e9: {  	v49 =	vld [tilespmem:$0x530]  }
0x1ea: {  	v50 =	vld [tilespmem:$0x5B0]  }
0x1eb: {  	v51 =	vld [tilespmem:$0x630]  }
0x1ec: {  	v52 =	vld [tilespmem:$0x6B0]  }
0x1ed: {  	v53 =	vld [tilespmem:$0x730]  }
0x1ee: {  	v54 =	vld [tilespmem:$0x7B0]  }
0x1ef: {  	v55 =	vld [tilespmem:$0x830]  }
0x1f0: {  	v56 =	vld [tilespmem:$0x8B0]  }
0x1f1: {  	v57 =	vld [tilespmem:$0x930]  }
0x1f2: {  	v37 =	vld [tilespmem:$0x4C0]  }
0x1f3: {  	v36 =	vld [tilespmem:$0x540]  }
0x1f4: {  	v38 =	vld [tilespmem:$0x5C0]  }
0x1f5: {  	v15 =	vld [tilespmem:$0x640]  }
0x1f6: {  	v6 =	vld [tilespmem:$0x8C0]  }
0x1f7: {  	v5 =	vld [tilespmem:$0x940]  }
0x1f8: {  	[tilespmem:$0x1F8C0] =	vst v58;
	v58 =	vld [tilespmem:$0x9B0]  }
0x1f9: {  	[tilespmem:$0x1F8D0] =	vst v59;
	v59 =	vld [tilespmem:$0xA30]  }
0x1fa: {  	[tilespmem:$0x1F8E0] =	vst v60;
	v60 =	vld [tilespmem:$0xAB0]  }
0x1fb: {  	[tilespmem:$0x1F900] =	vst v61;
	v61 =	vld [tilespmem:$0xB30]  }
0x1fc: {  	[tilespmem:$0x1F8F0] =	vst v62;
	v62 =	vld [tilespmem:$0xBB0]  }
0x1fd: {  	[tilespmem:$0x1F910] =	vst v63;
	v63 =	vld [tilespmem:$0xC30]  }
0x1fe: {  	[tilespmem:$0x1F920] =	vst v15;
	v15 =	vld [tilespmem:$0x6C0]  }
0x1ff: {  	v0 =	vadd.f32 v1, v0;
	v1 =	vld [tilespmem:$0xA40]  }
0x200: {  	v8 =	vadd.f32 v9, v8;
	v9 =	vld [tilespmem:$0xAC0]  }
0x201: {  	v25 =	vadd.f32 v25, v24;
	v24 =	vld [tilespmem:$0x9D0]  }
0x202: {  	v36 =	vadd.f32 v36, v37;
	v37 =	vld [tilespmem:$0x860]  }
0x203: {  	v40 =	vadd.f32 v41, v40;
	v41 =	vadd.f32 v49, v48;
	v48 =	vld [tilespmem:$0x1F900]  }
0x204: {  	v49 =	vld [tilespmem:$0x1F910]  }
0x205: {  	v0 =	vadd.f32 v2, v0;
	v2 =	vadd.f32 v17, v16;
	v16 =	vld [tilespmem:$0xB40]  }
0x206: {  	v17 =	vld [tilespmem:$0xBC0]  }
0x207: {  	v8 =	vadd.f32 v10, v8;
	v10 =	vadd.f32 v26, v25;
	v26 =	vld [tilespmem:$0xA50]  }
0x208: {  	v25 =	vadd.f32 v50, v41;
	v41 =	vld [tilespmem:$0x7E0]  }
0x209: {  	v50 =	vld [tilespmem:$0x8E0]  }
0x20a: {  	v0 =	vadd.f32 v3, v0;
	v3 =	vld [tilespmem:$0xC40]  }
0x20b: {  	v8 =	vadd.f32 v11, v8;
	v11 =	vld [tilespmem:$0x4D0]  }
0x20c: {  	v2 =	vadd.f32 v18, v2;
	v18 =	vld [tilespmem:$0x750]  }
0x20d: {  	v25 =	vadd.f32 v51, v25;
	v51 =	vld [tilespmem:$0x960]  }
0x20e: {  	[tilespmem:$0x1F930] =	vst v15;
	v15 =	vld [tilespmem:$0x740]  }
0x20f: {  	v0 =	vadd.f32 v4, v0;
	v4 =	vld [tilespmem:$0x550]  }
0x210: {  	v10 =	vadd.f32 v27, v10;
	v8 =	vadd.f32 v12, v8;
	v12 =	vld [tilespmem:$0x5D0]  }
0x211: {  	v2 =	vadd.f32 v19, v2;
	v19 =	vld [tilespmem:$0x850]  }
0x212: {  	v10 =	vadd.f32 v28, v10;
	v28 =	vld [tilespmem:$0xAD0]  }
0x213: {  	v0 =	vadd.f32 v7, v0;
	v7 =	vld [tilespmem:$0x650]  }
0x214: {  	v8 =	vadd.f32 v13, v8;
	v13 =	vld [tilespmem:$0x6D0]  }
0x215: {  	v25 =	vadd.f32 v52, v25;
	v10 =	vadd.f32 v29, v10;
	v29 =	vld [tilespmem:$0x1F8C0]  }
0x216: {  	v2 =	vadd.f32 v20, v2;
	v20 =	vld [tilespmem:$0x8D0]  }
0x217: {  	v25 =	vadd.f32 v53, v25;
	v53 =	vld [tilespmem:$0x9E0]  }
0x218: {  	v5 =	vadd.f32 v5, v6;
	v6 =	vadd.f32 v51, v50;
	v51 =	vld [tilespmem:$0x6F0]  }
0x219: {  	[tilespmem:$0x1F940] =	vst v15;
	v15 =	vld [tilespmem:$0x7C0]  }
0x21a: {  	v8 =	vadd.f32 v14, v8;
	v14 =	vld [tilespmem:$0x7D0]  }
0x21b: {  	v10 =	vadd.f32 v30, v10;
	v30 =	vld [tilespmem:$0xBD0]  }
0x21c: {  	v0 =	vadd.f32 v47, v0;
	v2 =	vadd.f32 v21, v2;
	v47 =	vld [tilespmem:$0x1F8F0]  }
0x21d: {  	v25 =	vadd.f32 v54, v25;
	v54 =	vld [tilespmem:$0x1F920]  }
0x21e: {  	v2 =	vadd.f32 v22, v2;
	v22 =	vld [tilespmem:$0x950]  }
0x21f: {  	v10 =	vadd.f32 v31, v10;
	v31 =	vld [tilespmem:$0xC50]  }
0x220: {  	v8 =	vadd.f32 v39, v8;
	v39 =	vadd.f32 v33, v32;
	v32 =	vld [tilespmem:$0x4E0]  }
0x221: {  	v36 =	vadd.f32 v38, v36;
	v4 =	vadd.f32 v4, v11;
	v33 =	vld [tilespmem:$0x560]  }
0x222: {  	v25 =	vadd.f32 v55, v25;
	v55 =	vld [tilespmem:$0xA60];
	v0 =	vadd.f32 v29, v0  }
0x223: {  	v29 =	vld [tilespmem:$0xB50];
	v4 =	vadd.f32 v12, v4;
	v6 =	vadd.f32 v53, v6  }
0x224: {  	v53 =	vld [tilespmem:$0xAF0];
	v2 =	vadd.f32 v23, v2;
	v21 =	vadd.f32 v34, v39  }
0x225: {  	v23 =	vadd.f32 v42, v40;
	v42 =	vadd.f32 v57, v56;
	v34 =	vld [tilespmem:$0x5E0]  }
0x226: {  	v57 =	vld [tilespmem:$0xAE0];
	v4 =	vadd.f32 v7, v4;
	v21 =	vadd.f32 v35, v21  }
0x227: {  	[tilespmem:$0x1F950] =	vst v15;
	v15 =	vld [tilespmem:$0x840];
	v23 =	vadd.f32 v43, v23;
	v27 =	vadd.f32 v58, v42  }
0x228: {  	v58 =	vld [tilespmem:$0x1F930];
	v52 =	vadd.f32 v22, v20;
	v22 =	vadd.f32 v54, v36  }
0x229: {  	v42 =	vld [tilespmem:$0x970];
	v4 =	vadd.f32 v13, v4;
	v6 =	vadd.f32 v55, v6  }
0x22a: {  	v36 =	vld [tilespmem:$0x8F0];
	v21 =	vadd.f32 v46, v21;
	v23 =	vadd.f32 v44, v23  }
0x22b: {  	v27 =	vadd.f32 v59, v27;
	v44 =	vld [tilespmem:$0x1F8D0];
	v56 =	vadd.f32 v24, v52  }
0x22c: {  	v59 =	vld [tilespmem:$0xB60];
	v4 =	vadd.f32 v18, v4;
	v6 =	vadd.f32 v57, v6  }
0x22d: {  	[tilespmem:$0x1F960] =	vst v15;
	v15 =	vld [tilespmem:$0x9C0];
	v23 =	vadd.f32 v45, v23;
	v27 =	vadd.f32 v60, v27  }
0x22e: {  	v46 =	vld [tilespmem:$0x1F8E0];
	v45 =	vadd.f32 v33, v32;
	v22 =	vadd.f32 v58, v22  }
0x22f: {  	v39 =	vld [tilespmem:$0x6E0];
	v4 =	vadd.f32 v14, v4;
	v23 =	vadd.f32 v47, v23  }
0x230: {  	v35 =	vld [tilespmem:$0x660];
	v27 =	vadd.f32 v61, v27;
	v50 =	vadd.f32 v42, v36  }
0x231: {  	v60 =	vld [tilespmem:$0x1F940];
	v21 =	vadd.f32 v44, v21;
	v4 =	vadd.f32 v19, v4  }
0x232: {  	v38 =	vld [tilespmem:$0x1F960];
	v6 =	vadd.f32 v59, v6;
	v5 =	vadd.f32 v15, v5  }
0x233: {  	v27 =	vadd.f32 v62, v27;
	v62 =	vld [tilespmem:$0x4F0];
	v21 =	vadd.f32 v46, v21  }
0x234: {  	v46 =	vld [tilespmem:$0x9F0];
	v1 =	vadd.f32 v1, v5;
	v5 =	vadd.f32 v26, v56  }
0x235: {  	v27 =	vadd.f32 v63, v27;
	v63 =	vld [tilespmem:$0x1F950];
	v21 =	vadd.f32 v48, v21  }
0x236: {  	v48 =	vadd.f32 v34, v45;
	v5 =	vadd.f32 v28, v5;
	v28 =	vld [tilespmem:$0x570]  }
0x237: {  	v23 =	vadd.f32 v49, v23;
	v49 =	vld [tilespmem:$0xA70];
	v1 =	vadd.f32 v9, v1  }
0x238: {  	[tilespmem:$0x1480] =	vst v0;
	v44 =	vld [tilespmem:$0x5F0];
	v22 =	vadd.f32 v60, v22;
	v0 =	vadd.f32 v35, v48  }
0x239: {  	v40 =	vld [tilespmem:$0x760];
	[tilespmem:$0x1500] =	vst v8;
	v8 =	vadd.f32 v46, v50;
	v1 =	vadd.f32 v16, v1  }
0x23a: {  	v47 =	vld [tilespmem:$0x670];
	v22 =	vadd.f32 v63, v22;
	v5 =	vadd.f32 v29, v5  }
0x23b: {  	v9 =	vld [tilespmem:$0xBE0];
	v0 =	vadd.f32 v39, v0;
	v16 =	vadd.f32 v28, v62  }
0x23c: {  	[tilespmem:$0x1510] =	vst v10;
	v54 =	vld [tilespmem:$0x770];
	v8 =	vadd.f32 v49, v8;
	v1 =	vadd.f32 v17, v1  }
0x23d: {  	[tilespmem:$0x14B0] =	vst v25;
	v55 =	vld [tilespmem:$0xB70];
	v22 =	vadd.f32 v38, v22;
	v52 =	vadd.f32 v44, v16  }
0x23e: {  	[tilespmem:$0x1490] =	vst v2;
	v57 =	vld [tilespmem:$0xBF0];
	v43 =	vadd.f32 v30, v5;
	v0 =	vadd.f32 v40, v0  }
0x23f: {  	v61 =	vld [tilespmem:$0xC60];
	[tilespmem:$0x14D0] =	vst v4;
	v5 =	vadd.f32 v53, v8;
	v2 =	vadd.f32 v47, v52  }
0x240: {  	[tilespmem:$0x1520] =	vst v23;
	v56 =	vld [tilespmem:$0x7F0];
	v60 =	vadd.f32 v9, v6;
	v1 =	vadd.f32 v3, v1  }
0x241: {  	v59 =	vld [tilespmem:$0xC70];
	[tilespmem:$0x1530] =	vst v27;
	v0 =	vadd.f32 v41, v0;
	v2 =	vadd.f32 v51, v2  }
0x242: {  	v58 =	vld [tilespmem:$0x870];
	[tilespmem:$0x14A0] =	vst v21;
	v3 =	vadd.f32 v31, v43;
	v5 =	vadd.f32 v55, v5  }
0x243: {  	[tilespmem:$0x14C0] =	vst v22;
	v0 =	vadd.f32 v37, v0;
	v2 =	vadd.f32 v54, v2  }
0x244: {  	[tilespmem:$0x1540] =	vst v1;
	v1 =	vadd.f32 v61, v60;
	v61 =	vadd.f32 v57, v5  }
0x245: {  	[tilespmem:$0x1550] =	vst v3;
	v2 =	vadd.f32 v56, v2  }
0x246: {  	s28 =	sshll.u32 s1, $0x5;
	[tilespmem:$0x14E0] =	vst v0;
	v63 =	vadd.f32 v59, v61  }
0x247: {  	s3 =	sand.u32 $0x60, s28;
	[tilespmem:$0x1560] =	vst v1;
	v62 =	vadd.f32 v58, v2  }
0x248: {  	s29 =	simm.s32 $0x0;
	s2 =	sadd.s32 s3, s2;
	[tilespmem:$0x1570] =	vst v63  }
0x249: {  	s30 =	simm.s32 $0x1480;
	s31 =	simm.s32 $0x2;
	s2 =	sadd.s32 $0x200, s2;
	[tilespmem:$0x14F0] =	vst v62  }
0x24a: {  	[hbm4b:s2+s29] =	stream.linear.scatter [tilespmem:s30], [sflag:$0x2], $0x100, $0x38;
	[tilespmem:$0x1680] =	vst v63  }
0x24b: {  	_ =	swait.ge [sflag:s31], $0x100  }
0x24c: {  	[sflag:s31] =	ssyncset.done $0x0  }
0x24d: {  	[sflag:s31] =	ssyncadd.s32 $0xFFFFFF00  }
.LBB2_4:
0x24e: {  	_ =	sfence.sel $0x180000  }
0x24f: {  	[bflag:$0x0] =	sbarrier.arrive $0xFFFF  }
0x250: {  	p0 =	sne.s32 s1, $0x0;
	_ =	strace $0x90000047  }
0x251: {  	s0 =	sadd.s32 @!p0 $0x100000, s0;
	[bflag:$0x2] =	sbarrier.arrive $0xFFFF  }
0x252: {  	[sflag:s0] =	ssyncadd.tile.s32 @!p0 $0x1;
	_ =	shalt  }
.Lfunc_end2:
_tile_overlayer_lowered:
.L_overlay_start_2:
0x253: {  	(tag) =	ssettag $0x2  }
0x254: {  	s0 =	rddreg [dreg:$0x0];
	s2 =	stileid.u32  }
0x255: {  	s1 =	rddreg [dreg:$0x1];
	p0 =	sne.s32 s2, $0x0  }
0x256: {  	s3 =	rddreg [dreg:$0x2];
	[bflag:$0x3] =	sbarrier.arrive $0xFFFF;
	s2 =	simm.s32 @!p0 $0x1C02  }
0x257: {  	[timem:s3], [sflag:s2] =	dma.local @!p0 [hbm:s0], s1  }
0x258: {  	s0 =	simm.s32 @!p0 $0x2  }
0x259: {  	_ =	swait.ge @!p0 [sflag:s0], s1  }
0x25a: {  	s1 =	ssub.s32 @!p0 $0x0, s1;
	[sflag:s0] =	ssyncset.done @!p0 $0x0  }
0x25b: {  	[sflag:s0] =	ssyncadd.s32 @!p0 s1  }
0x25c: {  	[bflag:$0x3] =	sbarrier.arrive $0xFFFF  }
0x25d: {  	_ =	shalt  }

</sc_bundles>
